<compile_context>
chip_gen: v7x
topology: tpu7x:2x2x1
jax: 0.10.2.dev20260603
libtpu: 0.0.44.dev20260713+nightly
codegen_flags: <defaults>
</compile_context>

<pallas_src>
import functools

import jax
import jax.numpy as jnp
from jax import lax
from jax.experimental import pallas as pl
from jax.experimental.pallas import tpu as pltpu
from jax.experimental.pallas import tpu_sc as plsc

_K = 3
_TILE = 1024
_LANES = 128


def _topk_tc_body(sess_ref, w1_ref, b1_ref, w2_ref, b2_ref,
                  w_ref, wp_ref, idxp_ref, proj_ref, *, row0):
    i = pl.program_id(0)

    @pl.when(i == 0)
    def _():
        h = jnp.maximum(
            jnp.dot(sess_ref[...], w1_ref[...],
                    preferred_element_type=jnp.float32)
            + b1_ref[...][None, :], 0.0)
        proj_ref[...] = jnp.dot(h, w2_ref[...],
                                preferred_element_type=jnp.float32) \
            + b2_ref[...][None, :]

    tile = proj_ref[pl.ds(row0 + i * _TILE, _TILE), :]
    full = proj_ref[...]
    b = full.shape[0]
    sim = lax.dot_general(tile, full, (((1,), (1,)), ((), ())),
                          preferred_element_type=jnp.float32)

    neg = jnp.float32(-3e38)
    lane_iota = lax.broadcasted_iota(jnp.int32, (_TILE, _LANES), 1)
    t1 = jnp.full((_TILE, _LANES), neg, jnp.float32)
    t2 = t1
    t3 = t1
    i1 = jnp.full((_TILE, _LANES), b, jnp.int32)
    i2 = i1
    i3 = i1
    for k in range(b // _LANES):
        v = sim[:, k * _LANES:(k + 1) * _LANES]
        iv = lane_iota + (k * _LANES)
        c1 = v > t1
        nt1 = jnp.maximum(t1, v)
        dv = jnp.minimum(t1, v)
        ni1 = jnp.where(c1, iv, i1)
        di = jnp.where(c1, i1, iv)
        c2 = dv > t2
        nt2 = jnp.maximum(t2, dv)
        dv2 = jnp.minimum(t2, dv)
        ni2 = jnp.where(c2, di, i2)
        di2 = jnp.where(c2, i2, di)
        c3 = dv2 > t3
        t3 = jnp.maximum(t3, dv2)
        i3 = jnp.where(c3, di2, i3)
        t1, t2, i1, i2 = nt1, nt2, ni1, ni2

    vals, idxs = [], []
    for p in range(_K):
        m = jnp.max(t1, axis=1)
        j = jnp.min(jnp.where(t1 == m[:, None], i1, b), axis=1)
        vals.append(m)
        idxs.append(j)
        if p < _K - 1:
            hit = i1 == j[:, None]
            t1 = jnp.where(hit, t2, t1)
            i1 = jnp.where(hit, i2, i1)
            t2 = jnp.where(hit, t3, t2)
            i2 = jnp.where(hit, i3, i2)
            t3 = jnp.where(hit, neg, t3)

    e0 = jnp.ones_like(vals[0])
    e1 = jnp.exp(vals[1] - vals[0])
    e2 = jnp.exp(vals[2] - vals[0])
    s = e0 + e1 + e2
    ws = [e0 / s, e1 / s, e2 / s]
    w_ref[...] = jnp.concatenate(
        [ws[0][:, None], ws[1][:, None], ws[2][:, None]], axis=1)
    nt = _TILE // _LANES
    wp_ref[...] = jnp.stack(
        [ws[0].reshape(nt, _LANES), ws[1].reshape(nt, _LANES),
         ws[2].reshape(nt, _LANES)] +
        [jnp.zeros((nt, _LANES), jnp.float32)] * 5, axis=1)
    idxp_ref[...] = jnp.stack(
        [idxs[0].reshape(nt, _LANES), idxs[1].reshape(nt, _LANES),
         idxs[2].reshape(nt, _LANES)] +
        [jnp.zeros((nt, _LANES), jnp.int32)] * 5, axis=1)


def _topk_tc(sess_emb, W1, b1, W2, b2, row0, nrows):
    b, d = sess_emb.shape
    grid = nrows // _TILE
    full_spec = lambda arr: pl.BlockSpec(arr.shape, lambda i: (0,) * arr.ndim)
    w_out = jax.ShapeDtypeStruct((nrows, _K), jnp.float32)
    wp_out = jax.ShapeDtypeStruct((nrows // 128, 8, 128), jnp.float32)
    idxp_out = jax.ShapeDtypeStruct((nrows // 128, 8, 128), jnp.int32)
    return pl.pallas_call(
        functools.partial(_topk_tc_body, row0=row0),
        grid=(grid,),
        in_specs=[full_spec(sess_emb), full_spec(W1), full_spec(b1),
                  full_spec(W2), full_spec(b2)],
        out_specs=[pl.BlockSpec((_TILE, _K), lambda i: (i, 0)),
                   pl.BlockSpec((_TILE // 128, 8, 128), lambda i: (i, 0, 0)),
                   pl.BlockSpec((_TILE // 128, 8, 128), lambda i: (i, 0, 0))],
        out_shape=[w_out, wp_out, idxp_out],
        scratch_shapes=[pltpu.VMEM((b, d), jnp.float32)],
    )(sess_emb, W1, b1, W2, b2)


def _gather_combine_sc(sess_emb, idx_p, w_p):
    b, d = sess_emb.shape
    nrows = idx_p.shape[0] * 128
    info = plsc.get_sparse_core_info()
    nc, ns = info.num_cores, info.num_subcores
    nw = nc * ns
    rows_w = nrows // nw
    mesh = plsc.VectorSubcoreMesh(core_axis_name="c", subcore_axis_name="s")

    @functools.partial(
        pl.kernel,
        mesh=mesh,
        compiler_params=pltpu.CompilerParams(use_tc_tiling_on_sc=False),
        out_type=[jax.ShapeDtypeStruct((nrows, _K, d), jnp.float32),
                  jax.ShapeDtypeStruct((nrows, d), jnp.float32)],
        scratch_types=[
            [pltpu.VMEM((rows_w,), jnp.int32) for _ in range(_K)],
            [pltpu.VMEM((rows_w, d), jnp.float32) for _ in range(_K)],
            [pltpu.VMEM((rows_w + 16,), jnp.float32) for _ in range(_K)],
            pltpu.VMEM((rows_w, d), jnp.float32),
            pltpu.SemaphoreType.DMA,
        ],
    )
    def sc_kernel(emb_hbm, idx_hbm, w_hbm, topk_out, nb_out,
                  idx_vs, rows_vs, w_vs, acc_v, sem):
        wid = lax.axis_index("s") * nc + lax.axis_index("c")
        base_r = wid * rows_w
        tile_r = base_r // 128
        off_r = base_r % 128
        idx_cps = [pltpu.async_copy(
            idx_hbm.at[tile_r, k, pl.ds(off_r, rows_w)],
            idx_vs[k], sem) for k in range(_K)]
        w_cps = [pltpu.async_copy(
            w_hbm.at[tile_r, k, pl.ds(off_r, rows_w)],
            w_vs[k].at[pl.ds(0, rows_w)], sem)
                 for k in range(_K)]
        for c in idx_cps:
            c.wait()
        row_cps = [pltpu.async_copy(emb_hbm.at[idx_vs[k]], rows_vs[k], sem)
                   for k in range(_K)]
        for c in w_cps:
            c.wait()
        for c in row_cps:
            c.wait()
        out_cps = [pltpu.async_copy(rows_vs[k],
                                    topk_out.at[pl.ds(base_r, rows_w), k], sem)
                   for k in range(_K)]

        def body(r, carry):
            acc = (rows_vs[0][r, :] * w_vs[0][pl.ds(r, 16)][0]
                   + rows_vs[1][r, :] * w_vs[1][pl.ds(r, 16)][0]
                   + rows_vs[2][r, :] * w_vs[2][pl.ds(r, 16)][0])
            acc_v[r, :] = acc
            return carry

        lax.fori_loop(0, rows_w, body, 0)
        pltpu.sync_copy(acc_v, nb_out.at[pl.ds(base_r, rows_w)])
        for c in out_cps:
            c.wait()

    return sc_kernel(sess_emb, idx_p, w_p)


def kernel(sess_emb, pool_emb, W1, b1, W2, b2):
    del pool_emb
    b, d = sess_emb.shape
    half = b // 2
    b1r = b1
    b2r = b2
    w0, wp0, ip0 = _topk_tc(sess_emb, W1, b1r, W2, b2r, 0, half)
    st0, nb0 = _gather_combine_sc(sess_emb, ip0, wp0)
    w1, wp1, ip1 = _topk_tc(sess_emb, W1, b1r, W2, b2r, half, half)
    st1, nb1 = _gather_combine_sc(sess_emb, ip1, wp1)
    sess_topk = jnp.concatenate([st0, st1], axis=0)
    neighbor_sess = jnp.concatenate([nb0, nb1], axis=0)
    w = jnp.concatenate([w0, w1], axis=0)
    return (sess_topk, neighbor_sess, w)

# --- scband reference (transcript-rebuilt; emitter-appended) ---
"""Pipeline reference for scband-learnable-retriever-84670985274058 (READ-ONLY COPY).

The authoritative reference and input builder live on the scoring server;
editing this copy changes nothing except your own understanding.
"""

import jax, jax.numpy as jnp
import numpy as np

B = 4096
D = 16
N_POOL = 1000
K = 3


def setup_inputs(seed: int = 0) -> dict:
    key = jax.random.key(seed)
    ks = jax.random.split(key, 6)
    sess_emb = jax.random.normal(ks[0], (B, D), dtype=jnp.float32)
    pool_emb = jax.random.normal(ks[1], (N_POOL, D), dtype=jnp.float32)
    # scoring MLP params: Linear(D, D//2) -> ReLU -> Dropout(identity at inference) -> Linear(D//2, D)
    W1 = jax.random.normal(ks[2], (D, D // 2), dtype=jnp.float32) * (1.0 / np.sqrt(D))
    b1 = jnp.zeros((D // 2,), dtype=jnp.float32)
    W2 = jax.random.normal(ks[3], (D // 2, D), dtype=jnp.float32) * (1.0 / np.sqrt(D // 2))
    b2 = jnp.zeros((D,), dtype=jnp.float32)
    return {"sess_emb": sess_emb, "pool_emb": pool_emb, "W1": W1, "b1": b1, "W2": W2, "b2": b2}


def reference(sess_emb, pool_emb, W1, b1, W2, b2):
    # scoring MLP (dropout is identity at inference)
    h = jnp.maximum(sess_emb @ W1 + b1, 0.0)
    sess_proj = h @ W2 + b2
    # pairwise similarity among sessions
    sim_matrix = sess_proj @ sess_proj.T
    # top-k neighbors per session
    cos_topk, topk_indice = jax.lax.top_k(sim_matrix, K)
    # gather neighbor session embeddings
    sess_topk = jnp.take(sess_emb, topk_indice, axis=0)  # [B, K, D]
    # softmax over neighbor scores
    cos_topk = jax.nn.softmax(cos_topk, axis=-1)  # [B, K]
    weight = cos_topk[:, :, None]  # broadcast over D
    neighbor_sess = jnp.sum(weight * sess_topk, axis=1)  # [B, D]
    return (sess_topk, neighbor_sess, cos_topk)

if __name__ == "__main__":
    import jax
    _d = setup_inputs()
    print(jax.jit(kernel)(*tuple(_d.values())))

</pallas_src>

<mosaic_0001>
#map = affine_map<(d0, d1) -> (0, 0)>
#map1 = affine_map<(d0, d1) -> (0, 0, 0)>
module attributes {stable_mosaic.version = 14 : i64} {
  func.func @sc_kernel(%arg0: i32, %arg1: i32, %arg2: memref<4096x16xf32, #tpu.memory_space<hbm>>, %arg3: memref<16x8x128xi32, #tpu.memory_space<hbm>>, %arg4: memref<16x8x128xf32, #tpu.memory_space<hbm>>, %arg5: memref<2048x3x16xf32, #tpu.memory_space<hbm>>, %arg6: memref<2048x16xf32, #tpu.memory_space<hbm>>, %arg7: memref<64xi32, #tpu.memory_space<vmem>>, %arg8: memref<64xi32, #tpu.memory_space<vmem>>, %arg9: memref<64xi32, #tpu.memory_space<vmem>>, %arg10: memref<64x16xf32, #tpu.memory_space<vmem>>, %arg11: memref<64x16xf32, #tpu.memory_space<vmem>>, %arg12: memref<64x16xf32, #tpu.memory_space<vmem>>, %arg13: memref<80xf32, #tpu.memory_space<vmem>>, %arg14: memref<80xf32, #tpu.memory_space<vmem>>, %arg15: memref<80xf32, #tpu.memory_space<vmem>>, %arg16: memref<64x16xf32, #tpu.memory_space<vmem>>, %arg17: memref<!tpu.dma_semaphore, #tpu.memory_space<semaphore_mem>>) attributes {dimension_semantics = [#tpu.dimension_semantics<core_parallel>, #tpu.dimension_semantics<subcore_parallel>], iteration_bounds = array<i64: 2, 16>, scalar_prefetch = 0 : i64, scratch_operands = 11 : i64, tpu.core_type = #tpu.core_type<sc_vector_subcore>, window_params = [{transform_indices = #map}, {transform_indices = #map1}, {transform_indices = #map1}, {transform_indices = #map1}, {transform_indices = #map}]} {
    %mul3A = arith.constant 2 : i32
    %mul3A_0 = arith.muli %arg1, %mul3A : i32
    %add3A = arith.addi %mul3A_0, %arg0 : i32
    %mul3A_1 = arith.constant 64 : i32
    %mul3A_2 = arith.muli %add3A, %mul3A_1 : i32
    %jit3A = arith.constant 128 : i32
    %div3A = arith.divsi %mul3A_2, %jit3A : i32
    %sign3A = arith.constant 0 : i32
    %sign3A_3 = arith.cmpi sgt, %mul3A_2, %sign3A : i32
    %sign3A_4 = arith.extui %sign3A_3 : i1 to i32
    %sign3A_5 = arith.constant 0 : i32
    %sign3A_6 = arith.cmpi slt, %mul3A_2, %sign3A_5 : i32
    %sign3A_7 = arith.extui %sign3A_6 : i1 to i32
    %sign3A_8 = arith.subi %sign3A_4, %sign3A_7 : i32
    %sign3A_9 = arith.constant 0 : i32
    %sign3A_10 = arith.cmpi sgt, %jit3A, %sign3A_9 : i32
    %sign3A_11 = arith.extui %sign3A_10 : i1 to i32
    %sign3A_12 = arith.constant 0 : i32
    %sign3A_13 = arith.cmpi slt, %jit3A, %sign3A_12 : i32
    %sign3A_14 = arith.extui %sign3A_13 : i1 to i32
    %sign3A_15 = arith.subi %sign3A_11, %sign3A_14 : i32
    %ne3A = arith.cmpi ne, %sign3A_8, %sign3A_15 : i32
    %rem3A = arith.remsi %mul3A_2, %jit3A : i32
    %ne3A_16 = arith.constant 0 : i32
    %ne3A_17 = arith.cmpi ne, %rem3A, %ne3A_16 : i32
    %and3A = arith.andi %ne3A, %ne3A_17 : i1
    %sub3A = arith.constant 1 : i32
    %sub3A_18 = arith.subi %div3A, %sub3A : i32
    %select_n3A = arith.select %and3A, %sub3A_18, %div3A : i32
    %jit3A_19 = arith.constant 128 : i32
    %eq3A = arith.constant 0 : i32
    %eq3A_20 = arith.cmpi eq, %jit3A_19, %eq3A : i32
    %jit3A_21 = arith.constant 1 : i32
    %select_n3A_22 = arith.select %eq3A_20, %jit3A_21, %jit3A_19 : i32
    %rem3A_23 = arith.remsi %mul3A_2, %select_n3A_22 : i32
    %ne3A_24 = arith.constant 0 : i32
    %ne3A_25 = arith.cmpi ne, %rem3A_23, %ne3A_24 : i32
    %lt3A = arith.constant 0 : i32
    %lt3A_26 = arith.cmpi slt, %rem3A_23, %lt3A : i32
    %lt3A_27 = arith.constant 0 : i32
    %lt3A_28 = arith.cmpi slt, %select_n3A_22, %lt3A_27 : i32
    %ne3A_29 = arith.xori %lt3A_26, %lt3A_28 : i1
    %and3A_30 = arith.andi %ne3A_29, %ne3A_25 : i1
    %add3A_31 = arith.addi %rem3A_23, %select_n3A_22 : i32
    %select_n3A_32 = arith.select %and3A_30, %add3A_31, %rem3A_23 : i32
    %dma_start3A = arith.constant 0 : i32
    %dma_start3A_33 = tpu.memref_slice %arg3[%select_n3A, %dma_start3A, %select_n3A_32] : memref<16x8x128xi32, #tpu.memory_space<hbm>> -> memref<1x1x64xi32, #tpu.memory_space<hbm>>
    %dma_start3A_34 = tpu.memref_squeeze %dma_start3A_33 : memref<1x1x64xi32, #tpu.memory_space<hbm>> -> memref<64xi32, #tpu.memory_space<hbm>>
    %dma_start3A_35 = tpu.memref_slice %arg3[%select_n3A, %dma_start3A, %select_n3A_32] : memref<16x8x128xi32, #tpu.memory_space<hbm>> -> memref<1x1x64xi32, #tpu.memory_space<hbm>>
    %dma_start3A_36 = tpu.memref_squeeze %dma_start3A_35 : memref<1x1x64xi32, #tpu.memory_space<hbm>> -> memref<64xi32, #tpu.memory_space<hbm>>
    tpu.enqueue_dma source(%dma_start3A_36 : memref<64xi32, #tpu.memory_space<hbm>>) target(%arg7 : memref<64xi32, #tpu.memory_space<vmem>>) target_semaphore(%arg17 : memref<!tpu.dma_semaphore, #tpu.memory_space<semaphore_mem>>)
    %dma_start3A_37 = arith.constant 1 : i32
    %dma_start3A_38 = tpu.memref_slice %arg3[%select_n3A, %dma_start3A_37, %select_n3A_32] : memref<16x8x128xi32, #tpu.memory_space<hbm>> -> memref<1x1x64xi32, #tpu.memory_space<hbm>>
    %dma_start3A_39 = tpu.memref_squeeze %dma_start3A_38 : memref<1x1x64xi32, #tpu.memory_space<hbm>> -> memref<64xi32, #tpu.memory_space<hbm>>
    %dma_start3A_40 = tpu.memref_slice %arg3[%select_n3A, %dma_start3A_37, %select_n3A_32] : memref<16x8x128xi32, #tpu.memory_space<hbm>> -> memref<1x1x64xi32, #tpu.memory_space<hbm>>
    %dma_start3A_41 = tpu.memref_squeeze %dma_start3A_40 : memref<1x1x64xi32, #tpu.memory_space<hbm>> -> memref<64xi32, #tpu.memory_space<hbm>>
    tpu.enqueue_dma source(%dma_start3A_41 : memref<64xi32, #tpu.memory_space<hbm>>) target(%arg8 : memref<64xi32, #tpu.memory_space<vmem>>) target_semaphore(%arg17 : memref<!tpu.dma_semaphore, #tpu.memory_space<semaphore_mem>>)
    %dma_start3A_42 = arith.constant 2 : i32
    %dma_start3A_43 = tpu.memref_slice %arg3[%select_n3A, %dma_start3A_42, %select_n3A_32] : memref<16x8x128xi32, #tpu.memory_space<hbm>> -> memref<1x1x64xi32, #tpu.memory_space<hbm>>
    %dma_start3A_44 = tpu.memref_squeeze %dma_start3A_43 : memref<1x1x64xi32, #tpu.memory_space<hbm>> -> memref<64xi32, #tpu.memory_space<hbm>>
    %dma_start3A_45 = tpu.memref_slice %arg3[%select_n3A, %dma_start3A_42, %select_n3A_32] : memref<16x8x128xi32, #tpu.memory_space<hbm>> -> memref<1x1x64xi32, #tpu.memory_space<hbm>>
    %dma_start3A_46 = tpu.memref_squeeze %dma_start3A_45 : memref<1x1x64xi32, #tpu.memory_space<hbm>> -> memref<64xi32, #tpu.memory_space<hbm>>
    tpu.enqueue_dma source(%dma_start3A_46 : memref<64xi32, #tpu.memory_space<hbm>>) target(%arg9 : memref<64xi32, #tpu.memory_space<vmem>>) target_semaphore(%arg17 : memref<!tpu.dma_semaphore, #tpu.memory_space<semaphore_mem>>)
    %dma_start3A_47 = arith.constant 0 : i32
    %dma_start3A_48 = arith.constant 0 : i32
    %dma_start3A_49 = tpu.memref_slice %arg13[%dma_start3A_48] : memref<80xf32, #tpu.memory_space<vmem>> -> memref<64xf32, #tpu.memory_space<vmem>>
    %dma_start3A_50 = tpu.memref_slice %arg4[%select_n3A, %dma_start3A_47, %select_n3A_32] : memref<16x8x128xf32, #tpu.memory_space<hbm>> -> memref<1x1x64xf32, #tpu.memory_space<hbm>>
    %dma_start3A_51 = tpu.memref_squeeze %dma_start3A_50 : memref<1x1x64xf32, #tpu.memory_space<hbm>> -> memref<64xf32, #tpu.memory_space<hbm>>
    %dma_start3A_52 = arith.constant 0 : i32
    %dma_start3A_53 = tpu.memref_slice %arg13[%dma_start3A_52] : memref<80xf32, #tpu.memory_space<vmem>> -> memref<64xf32, #tpu.memory_space<vmem>>
    %dma_start3A_54 = tpu.memref_slice %arg4[%select_n3A, %dma_start3A_47, %select_n3A_32] : memref<16x8x128xf32, #tpu.memory_space<hbm>> -> memref<1x1x64xf32, #tpu.memory_space<hbm>>
    %dma_start3A_55 = tpu.memref_squeeze %dma_start3A_54 : memref<1x1x64xf32, #tpu.memory_space<hbm>> -> memref<64xf32, #tpu.memory_space<hbm>>
    tpu.enqueue_dma source(%dma_start3A_55 : memref<64xf32, #tpu.memory_space<hbm>>) target(%dma_start3A_53 : memref<64xf32, #tpu.memory_space<vmem>>) target_semaphore(%arg17 : memref<!tpu.dma_semaphore, #tpu.memory_space<semaphore_mem>>)
    %dma_start3A_56 = arith.constant 1 : i32
    %dma_start3A_57 = arith.constant 0 : i32
    %dma_start3A_58 = tpu.memref_slice %arg14[%dma_start3A_57] : memref<80xf32, #tpu.memory_space<vmem>> -> memref<64xf32, #tpu.memory_space<vmem>>
    %dma_start3A_59 = tpu.memref_slice %arg4[%select_n3A, %dma_start3A_56, %select_n3A_32] : memref<16x8x128xf32, #tpu.memory_space<hbm>> -> memref<1x1x64xf32, #tpu.memory_space<hbm>>
    %dma_start3A_60 = tpu.memref_squeeze %dma_start3A_59 : memref<1x1x64xf32, #tpu.memory_space<hbm>> -> memref<64xf32, #tpu.memory_space<hbm>>
    %dma_start3A_61 = arith.constant 0 : i32
    %dma_start3A_62 = tpu.memref_slice %arg14[%dma_start3A_61] : memref<80xf32, #tpu.memory_space<vmem>> -> memref<64xf32, #tpu.memory_space<vmem>>
    %dma_start3A_63 = tpu.memref_slice %arg4[%select_n3A, %dma_start3A_56, %select_n3A_32] : memref<16x8x128xf32, #tpu.memory_space<hbm>> -> memref<1x1x64xf32, #tpu.memory_space<hbm>>
    %dma_start3A_64 = tpu.memref_squeeze %dma_start3A_63 : memref<1x1x64xf32, #tpu.memory_space<hbm>> -> memref<64xf32, #tpu.memory_space<hbm>>
    tpu.enqueue_dma source(%dma_start3A_64 : memref<64xf32, #tpu.memory_space<hbm>>) target(%dma_start3A_62 : memref<64xf32, #tpu.memory_space<vmem>>) target_semaphore(%arg17 : memref<!tpu.dma_semaphore, #tpu.memory_space<semaphore_mem>>)
    %dma_start3A_65 = arith.constant 2 : i32
    %dma_start3A_66 = arith.constant 0 : i32
    %dma_start3A_67 = tpu.memref_slice %arg15[%dma_start3A_66] : memref<80xf32, #tpu.memory_space<vmem>> -> memref<64xf32, #tpu.memory_space<vmem>>
    %dma_start3A_68 = tpu.memref_slice %arg4[%select_n3A, %dma_start3A_65, %select_n3A_32] : memref<16x8x128xf32, #tpu.memory_space<hbm>> -> memref<1x1x64xf32, #tpu.memory_space<hbm>>
    %dma_start3A_69 = tpu.memref_squeeze %dma_start3A_68 : memref<1x1x64xf32, #tpu.memory_space<hbm>> -> memref<64xf32, #tpu.memory_space<hbm>>
    %dma_start3A_70 = arith.constant 0 : i32
    %dma_start3A_71 = tpu.memref_slice %arg15[%dma_start3A_70] : memref<80xf32, #tpu.memory_space<vmem>> -> memref<64xf32, #tpu.memory_space<vmem>>
    %dma_start3A_72 = tpu.memref_slice %arg4[%select_n3A, %dma_start3A_65, %select_n3A_32] : memref<16x8x128xf32, #tpu.memory_space<hbm>> -> memref<1x1x64xf32, #tpu.memory_space<hbm>>
    %dma_start3A_73 = tpu.memref_squeeze %dma_start3A_72 : memref<1x1x64xf32, #tpu.memory_space<hbm>> -> memref<64xf32, #tpu.memory_space<hbm>>
    tpu.enqueue_dma source(%dma_start3A_73 : memref<64xf32, #tpu.memory_space<hbm>>) target(%dma_start3A_71 : memref<64xf32, #tpu.memory_space<vmem>>) target_semaphore(%arg17 : memref<!tpu.dma_semaphore, #tpu.memory_space<semaphore_mem>>)
    %dma_wait3A = arith.constant 0 : i32
    %dma_wait3A_74 = tpu.memref_slice %arg3[%select_n3A, %dma_wait3A, %select_n3A_32] : memref<16x8x128xi32, #tpu.memory_space<hbm>> -> memref<1x1x64xi32, #tpu.memory_space<hbm>>
    %dma_wait3A_75 = tpu.memref_squeeze %dma_wait3A_74 : memref<1x1x64xi32, #tpu.memory_space<hbm>> -> memref<64xi32, #tpu.memory_space<hbm>>
    %dma_wait3A_76 = tpu.memref_slice %arg3[%select_n3A, %dma_wait3A, %select_n3A_32] : memref<16x8x128xi32, #tpu.memory_space<hbm>> -> memref<1x1x64xi32, #tpu.memory_space<hbm>>
    %dma_wait3A_77 = tpu.memref_squeeze %dma_wait3A_76 : memref<1x1x64xi32, #tpu.memory_space<hbm>> -> memref<64xi32, #tpu.memory_space<hbm>>
    tpu.wait_dma2 semaphore(%arg17 : memref<!tpu.dma_semaphore, #tpu.memory_space<semaphore_mem>>) src(%dma_wait3A_77 : memref<64xi32, #tpu.memory_space<hbm>>) dst(%arg7 : memref<64xi32, #tpu.memory_space<vmem>>)
    %dma_wait3A_78 = arith.constant 1 : i32
    %dma_wait3A_79 = tpu.memref_slice %arg3[%select_n3A, %dma_wait3A_78, %select_n3A_32] : memref<16x8x128xi32, #tpu.memory_space<hbm>> -> memref<1x1x64xi32, #tpu.memory_space<hbm>>
    %dma_wait3A_80 = tpu.memref_squeeze %dma_wait3A_79 : memref<1x1x64xi32, #tpu.memory_space<hbm>> -> memref<64xi32, #tpu.memory_space<hbm>>
    %dma_wait3A_81 = tpu.memref_slice %arg3[%select_n3A, %dma_wait3A_78, %select_n3A_32] : memref<16x8x128xi32, #tpu.memory_space<hbm>> -> memref<1x1x64xi32, #tpu.memory_space<hbm>>
    %dma_wait3A_82 = tpu.memref_squeeze %dma_wait3A_81 : memref<1x1x64xi32, #tpu.memory_space<hbm>> -> memref<64xi32, #tpu.memory_space<hbm>>
    tpu.wait_dma2 semaphore(%arg17 : memref<!tpu.dma_semaphore, #tpu.memory_space<semaphore_mem>>) src(%dma_wait3A_82 : memref<64xi32, #tpu.memory_space<hbm>>) dst(%arg8 : memref<64xi32, #tpu.memory_space<vmem>>)
    %dma_wait3A_83 = arith.constant 2 : i32
    %dma_wait3A_84 = tpu.memref_slice %arg3[%select_n3A, %dma_wait3A_83, %select_n3A_32] : memref<16x8x128xi32, #tpu.memory_space<hbm>> -> memref<1x1x64xi32, #tpu.memory_space<hbm>>
    %dma_wait3A_85 = tpu.memref_squeeze %dma_wait3A_84 : memref<1x1x64xi32, #tpu.memory_space<hbm>> -> memref<64xi32, #tpu.memory_space<hbm>>
    %dma_wait3A_86 = tpu.memref_slice %arg3[%select_n3A, %dma_wait3A_83, %select_n3A_32] : memref<16x8x128xi32, #tpu.memory_space<hbm>> -> memref<1x1x64xi32, #tpu.memory_space<hbm>>
    %dma_wait3A_87 = tpu.memref_squeeze %dma_wait3A_86 : memref<1x1x64xi32, #tpu.memory_space<hbm>> -> memref<64xi32, #tpu.memory_space<hbm>>
    tpu.wait_dma2 semaphore(%arg17 : memref<!tpu.dma_semaphore, #tpu.memory_space<semaphore_mem>>) src(%dma_wait3A_87 : memref<64xi32, #tpu.memory_space<hbm>>) dst(%arg9 : memref<64xi32, #tpu.memory_space<vmem>>)
    %dma_start3A_88 = arith.constant 0 : i32
    %dma_start3A_89 = arith.constant 0 : i32
    %dma_start3A_90 = tpu.memref_slice %arg2[%dma_start3A_88, %dma_start3A_89] : memref<4096x16xf32, #tpu.memory_space<hbm>> -> memref<4096x16xf32, #tpu.memory_space<hbm>>
    tpu.enqueue_indirect_dma source(%dma_start3A_90 : memref<4096x16xf32, #tpu.memory_space<hbm>>) target(%arg10 : memref<64x16xf32, #tpu.memory_space<vmem>>) offsets(%arg7 : memref<64xi32, #tpu.memory_space<vmem>>) semaphore(%arg17 : memref<!tpu.dma_semaphore, #tpu.memory_space<semaphore_mem>>)
    %dma_start3A_91 = arith.constant 0 : i32
    %dma_start3A_92 = arith.constant 0 : i32
    %dma_start3A_93 = tpu.memref_slice %arg2[%dma_start3A_91, %dma_start3A_92] : memref<4096x16xf32, #tpu.memory_space<hbm>> -> memref<4096x16xf32, #tpu.memory_space<hbm>>
    tpu.enqueue_indirect_dma source(%dma_start3A_93 : memref<4096x16xf32, #tpu.memory_space<hbm>>) target(%arg11 : memref<64x16xf32, #tpu.memory_space<vmem>>) offsets(%arg8 : memref<64xi32, #tpu.memory_space<vmem>>) semaphore(%arg17 : memref<!tpu.dma_semaphore, #tpu.memory_space<semaphore_mem>>)
    %dma_start3A_94 = arith.constant 0 : i32
    %dma_start3A_95 = arith.constant 0 : i32
    %dma_start3A_96 = tpu.memref_slice %arg2[%dma_start3A_94, %dma_start3A_95] : memref<4096x16xf32, #tpu.memory_space<hbm>> -> memref<4096x16xf32, #tpu.memory_space<hbm>>
    tpu.enqueue_indirect_dma source(%dma_start3A_96 : memref<4096x16xf32, #tpu.memory_space<hbm>>) target(%arg12 : memref<64x16xf32, #tpu.memory_space<vmem>>) offsets(%arg9 : memref<64xi32, #tpu.memory_space<vmem>>) semaphore(%arg17 : memref<!tpu.dma_semaphore, #tpu.memory_space<semaphore_mem>>)
    %dma_wait3A_97 = arith.constant 0 : i32
    %dma_wait3A_98 = arith.constant 0 : i32
    %dma_wait3A_99 = tpu.memref_slice %arg13[%dma_wait3A_98] : memref<80xf32, #tpu.memory_space<vmem>> -> memref<64xf32, #tpu.memory_space<vmem>>
    %dma_wait3A_100 = tpu.memref_slice %arg4[%select_n3A, %dma_wait3A_97, %select_n3A_32] : memref<16x8x128xf32, #tpu.memory_space<hbm>> -> memref<1x1x64xf32, #tpu.memory_space<hbm>>
    %dma_wait3A_101 = tpu.memref_squeeze %dma_wait3A_100 : memref<1x1x64xf32, #tpu.memory_space<hbm>> -> memref<64xf32, #tpu.memory_space<hbm>>
    %dma_wait3A_102 = arith.constant 0 : i32
    %dma_wait3A_103 = tpu.memref_slice %arg13[%dma_wait3A_102] : memref<80xf32, #tpu.memory_space<vmem>> -> memref<64xf32, #tpu.memory_space<vmem>>
    %dma_wait3A_104 = tpu.memref_slice %arg4[%select_n3A, %dma_wait3A_97, %select_n3A_32] : memref<16x8x128xf32, #tpu.memory_space<hbm>> -> memref<1x1x64xf32, #tpu.memory_space<hbm>>
    %dma_wait3A_105 = tpu.memref_squeeze %dma_wait3A_104 : memref<1x1x64xf32, #tpu.memory_space<hbm>> -> memref<64xf32, #tpu.memory_space<hbm>>
    tpu.wait_dma2 semaphore(%arg17 : memref<!tpu.dma_semaphore, #tpu.memory_space<semaphore_mem>>) src(%dma_wait3A_105 : memref<64xf32, #tpu.memory_space<hbm>>) dst(%dma_wait3A_103 : memref<64xf32, #tpu.memory_space<vmem>>)
    %dma_wait3A_106 = arith.constant 1 : i32
    %dma_wait3A_107 = arith.constant 0 : i32
    %dma_wait3A_108 = tpu.memref_slice %arg14[%dma_wait3A_107] : memref<80xf32, #tpu.memory_space<vmem>> -> memref<64xf32, #tpu.memory_space<vmem>>
    %dma_wait3A_109 = tpu.memref_slice %arg4[%select_n3A, %dma_wait3A_106, %select_n3A_32] : memref<16x8x128xf32, #tpu.memory_space<hbm>> -> memref<1x1x64xf32, #tpu.memory_space<hbm>>
    %dma_wait3A_110 = tpu.memref_squeeze %dma_wait3A_109 : memref<1x1x64xf32, #tpu.memory_space<hbm>> -> memref<64xf32, #tpu.memory_space<hbm>>
    %dma_wait3A_111 = arith.constant 0 : i32
    %dma_wait3A_112 = tpu.memref_slice %arg14[%dma_wait3A_111] : memref<80xf32, #tpu.memory_space<vmem>> -> memref<64xf32, #tpu.memory_space<vmem>>
    %dma_wait3A_113 = tpu.memref_slice %arg4[%select_n3A, %dma_wait3A_106, %select_n3A_32] : memref<16x8x128xf32, #tpu.memory_space<hbm>> -> memref<1x1x64xf32, #tpu.memory_space<hbm>>
    %dma_wait3A_114 = tpu.memref_squeeze %dma_wait3A_113 : memref<1x1x64xf32, #tpu.memory_space<hbm>> -> memref<64xf32, #tpu.memory_space<hbm>>
    tpu.wait_dma2 semaphore(%arg17 : memref<!tpu.dma_semaphore, #tpu.memory_space<semaphore_mem>>) src(%dma_wait3A_114 : memref<64xf32, #tpu.memory_space<hbm>>) dst(%dma_wait3A_112 : memref<64xf32, #tpu.memory_space<vmem>>)
    %dma_wait3A_115 = arith.constant 2 : i32
    %dma_wait3A_116 = arith.constant 0 : i32
    %dma_wait3A_117 = tpu.memref_slice %arg15[%dma_wait3A_116] : memref<80xf32, #tpu.memory_space<vmem>> -> memref<64xf32, #tpu.memory_space<vmem>>
    %dma_wait3A_118 = tpu.memref_slice %arg4[%select_n3A, %dma_wait3A_115, %select_n3A_32] : memref<16x8x128xf32, #tpu.memory_space<hbm>> -> memref<1x1x64xf32, #tpu.memory_space<hbm>>
    %dma_wait3A_119 = tpu.memref_squeeze %dma_wait3A_118 : memref<1x1x64xf32, #tpu.memory_space<hbm>> -> memref<64xf32, #tpu.memory_space<hbm>>
    %dma_wait3A_120 = arith.constant 0 : i32
    %dma_wait3A_121 = tpu.memref_slice %arg15[%dma_wait3A_120] : memref<80xf32, #tpu.memory_space<vmem>> -> memref<64xf32, #tpu.memory_space<vmem>>
    %dma_wait3A_122 = tpu.memref_slice %arg4[%select_n3A, %dma_wait3A_115, %select_n3A_32] : memref<16x8x128xf32, #tpu.memory_space<hbm>> -> memref<1x1x64xf32, #tpu.memory_space<hbm>>
    %dma_wait3A_123 = tpu.memref_squeeze %dma_wait3A_122 : memref<1x1x64xf32, #tpu.memory_space<hbm>> -> memref<64xf32, #tpu.memory_space<hbm>>
    tpu.wait_dma2 semaphore(%arg17 : memref<!tpu.dma_semaphore, #tpu.memory_space<semaphore_mem>>) src(%dma_wait3A_123 : memref<64xf32, #tpu.memory_space<hbm>>) dst(%dma_wait3A_121 : memref<64xf32, #tpu.memory_space<vmem>>)
    %dma_wait3A_124 = arith.constant 0 : i32
    %dma_wait3A_125 = arith.constant 0 : i32
    %dma_wait3A_126 = tpu.memref_slice %arg2[%dma_wait3A_124, %dma_wait3A_125] : memref<4096x16xf32, #tpu.memory_space<hbm>> -> memref<4096x16xf32, #tpu.memory_space<hbm>>
    tpu.wait_indirect_dma semaphore(%arg17 : memref<!tpu.dma_semaphore, #tpu.memory_space<semaphore_mem>>) src(%dma_wait3A_126 : memref<4096x16xf32, #tpu.memory_space<hbm>>) dst(%arg10 : memref<64x16xf32, #tpu.memory_space<vmem>>)
    %dma_wait3A_127 = arith.constant 0 : i32
    %dma_wait3A_128 = arith.constant 0 : i32
    %dma_wait3A_129 = tpu.memref_slice %arg2[%dma_wait3A_127, %dma_wait3A_128] : memref<4096x16xf32, #tpu.memory_space<hbm>> -> memref<4096x16xf32, #tpu.memory_space<hbm>>
    tpu.wait_indirect_dma semaphore(%arg17 : memref<!tpu.dma_semaphore, #tpu.memory_space<semaphore_mem>>) src(%dma_wait3A_129 : memref<4096x16xf32, #tpu.memory_space<hbm>>) dst(%arg11 : memref<64x16xf32, #tpu.memory_space<vmem>>)
    %dma_wait3A_130 = arith.constant 0 : i32
    %dma_wait3A_131 = arith.constant 0 : i32
    %dma_wait3A_132 = tpu.memref_slice %arg2[%dma_wait3A_130, %dma_wait3A_131] : memref<4096x16xf32, #tpu.memory_space<hbm>> -> memref<4096x16xf32, #tpu.memory_space<hbm>>
    tpu.wait_indirect_dma semaphore(%arg17 : memref<!tpu.dma_semaphore, #tpu.memory_space<semaphore_mem>>) src(%dma_wait3A_132 : memref<4096x16xf32, #tpu.memory_space<hbm>>) dst(%arg12 : memref<64x16xf32, #tpu.memory_space<vmem>>)
    %dma_start3A_133 = arith.constant 0 : i32
    %dma_start3A_134 = arith.constant 0 : i32
    %dma_start3A_135 = tpu.memref_slice %arg5[%mul3A_2, %dma_start3A_133, %dma_start3A_134] : memref<2048x3x16xf32, #tpu.memory_space<hbm>> -> memref<64x1x16xf32, #tpu.memory_space<hbm>>
    %dma_start3A_136 = tpu.memref_squeeze %dma_start3A_135 : memref<64x1x16xf32, #tpu.memory_space<hbm>> -> memref<64x16xf32, #tpu.memory_space<hbm>>
    %dma_start3A_137 = arith.constant 0 : i32
    %dma_start3A_138 = tpu.memref_slice %arg5[%mul3A_2, %dma_start3A_133, %dma_start3A_137] : memref<2048x3x16xf32, #tpu.memory_space<hbm>> -> memref<64x1x16xf32, #tpu.memory_space<hbm>>
    %dma_start3A_139 = tpu.memref_squeeze %dma_start3A_138 : memref<64x1x16xf32, #tpu.memory_space<hbm>> -> memref<64x16xf32, #tpu.memory_space<hbm>>
    tpu.enqueue_dma source(%arg10 : memref<64x16xf32, #tpu.memory_space<vmem>>) target(%dma_start3A_139 : memref<64x16xf32, #tpu.memory_space<hbm>>) target_semaphore(%arg17 : memref<!tpu.dma_semaphore, #tpu.memory_space<semaphore_mem>>)
    %dma_start3A_140 = arith.constant 1 : i32
    %dma_start3A_141 = arith.constant 0 : i32
    %dma_start3A_142 = tpu.memref_slice %arg5[%mul3A_2, %dma_start3A_140, %dma_start3A_141] : memref<2048x3x16xf32, #tpu.memory_space<hbm>> -> memref<64x1x16xf32, #tpu.memory_space<hbm>>
    %dma_start3A_143 = tpu.memref_squeeze %dma_start3A_142 : memref<64x1x16xf32, #tpu.memory_space<hbm>> -> memref<64x16xf32, #tpu.memory_space<hbm>>
    %dma_start3A_144 = arith.constant 0 : i32
    %dma_start3A_145 = tpu.memref_slice %arg5[%mul3A_2, %dma_start3A_140, %dma_start3A_144] : memref<2048x3x16xf32, #tpu.memory_space<hbm>> -> memref<64x1x16xf32, #tpu.memory_space<hbm>>
    %dma_start3A_146 = tpu.memref_squeeze %dma_start3A_145 : memref<64x1x16xf32, #tpu.memory_space<hbm>> -> memref<64x16xf32, #tpu.memory_space<hbm>>
    tpu.enqueue_dma source(%arg11 : memref<64x16xf32, #tpu.memory_space<vmem>>) target(%dma_start3A_146 : memref<64x16xf32, #tpu.memory_space<hbm>>) target_semaphore(%arg17 : memref<!tpu.dma_semaphore, #tpu.memory_space<semaphore_mem>>)
    %dma_start3A_147 = arith.constant 2 : i32
    %dma_start3A_148 = arith.constant 0 : i32
    %dma_start3A_149 = tpu.memref_slice %arg5[%mul3A_2, %dma_start3A_147, %dma_start3A_148] : memref<2048x3x16xf32, #tpu.memory_space<hbm>> -> memref<64x1x16xf32, #tpu.memory_space<hbm>>
    %dma_start3A_150 = tpu.memref_squeeze %dma_start3A_149 : memref<64x1x16xf32, #tpu.memory_space<hbm>> -> memref<64x16xf32, #tpu.memory_space<hbm>>
    %dma_start3A_151 = arith.constant 0 : i32
    %dma_start3A_152 = tpu.memref_slice %arg5[%mul3A_2, %dma_start3A_147, %dma_start3A_151] : memref<2048x3x16xf32, #tpu.memory_space<hbm>> -> memref<64x1x16xf32, #tpu.memory_space<hbm>>
    %dma_start3A_153 = tpu.memref_squeeze %dma_start3A_152 : memref<64x1x16xf32, #tpu.memory_space<hbm>> -> memref<64x16xf32, #tpu.memory_space<hbm>>
    tpu.enqueue_dma source(%arg12 : memref<64x16xf32, #tpu.memory_space<vmem>>) target(%dma_start3A_153 : memref<64x16xf32, #tpu.memory_space<hbm>>) target_semaphore(%arg17 : memref<!tpu.dma_semaphore, #tpu.memory_space<semaphore_mem>>)
    %scan3A = arith.constant 0 : i32
    %scan3A_154 = arith.constant 0 : i32
    %scan3A_155 = arith.constant 64 : i32
    %scan3A_156 = arith.addi %scan3A_154, %scan3A_155 : i32
    %scan3A_157 = arith.constant 1 : i32
    scf.for %scan3A_180 = %scan3A_154 to %scan3A_156 step %scan3A_157  : i32 {
      %get3A = arith.index_cast %scan3A_180 : i32 to index
      %get3A_181 = arith.constant 0 : index
      %get3A_182 = tpu.vector_load %arg10[%get3A, %get3A_181] {strides = array<i32>} : memref<64x16xf32, #tpu.memory_space<vmem>>, vector<1x16xf32>,
      %get3A_183 = vector.shape_cast %get3A_182 : vector<1x16xf32> to vector<16xf32>
      %get3A_184 = arith.index_cast %scan3A_180 : i32 to index
      %get3A_185 = tpu.vector_load %arg13[%get3A_184] {strides = array<i32>} : memref<80xf32, #tpu.memory_space<vmem>>, vector<16xf32>,
      %get3A_186 = vector.shape_cast %get3A_185 : vector<16xf32> to vector<16xf32>
      %slice3A = vector.extract_strided_slice %get3A_186 {offsets = [0], sizes = [1], strides = [1]} : vector<16xf32> to vector<1xf32>
      %squeeze3A = vector.extract %slice3A[0] : f32 from vector<1xf32>
      %mul3A_187 = vector.broadcast %squeeze3A : f32 to vector<16xf32>
      %mul3A_188 = arith.mulf %get3A_183, %mul3A_187 : vector<16xf32>
      %get3A_189 = arith.index_cast %scan3A_180 : i32 to index
      %get3A_190 = arith.constant 0 : index
      %get3A_191 = tpu.vector_load %arg11[%get3A_189, %get3A_190] {strides = array<i32>} : memref<64x16xf32, #tpu.memory_space<vmem>>, vector<1x16xf32>,
      %get3A_192 = vector.shape_cast %get3A_191 : vector<1x16xf32> to vector<16xf32>
      %get3A_193 = arith.index_cast %scan3A_180 : i32 to index
      %get3A_194 = tpu.vector_load %arg14[%get3A_193] {strides = array<i32>} : memref<80xf32, #tpu.memory_space<vmem>>, vector<16xf32>,
      %get3A_195 = vector.shape_cast %get3A_194 : vector<16xf32> to vector<16xf32>
      %slice3A_196 = vector.extract_strided_slice %get3A_195 {offsets = [0], sizes = [1], strides = [1]} : vector<16xf32> to vector<1xf32>
      %squeeze3A_197 = vector.extract %slice3A_196[0] : f32 from vector<1xf32>
      %mul3A_198 = vector.broadcast %squeeze3A_197 : f32 to vector<16xf32>
      %mul3A_199 = arith.mulf %get3A_192, %mul3A_198 : vector<16xf32>
      %add3A_200 = arith.addf %mul3A_188, %mul3A_199 : vector<16xf32>
      %get3A_201 = arith.index_cast %scan3A_180 : i32 to index
      %get3A_202 = arith.constant 0 : index
      %get3A_203 = tpu.vector_load %arg12[%get3A_201, %get3A_202] {strides = array<i32>} : memref<64x16xf32, #tpu.memory_space<vmem>>, vector<1x16xf32>,
      %get3A_204 = vector.shape_cast %get3A_203 : vector<1x16xf32> to vector<16xf32>
      %get3A_205 = arith.index_cast %scan3A_180 : i32 to index
      %get3A_206 = tpu.vector_load %arg15[%get3A_205] {strides = array<i32>} : memref<80xf32, #tpu.memory_space<vmem>>, vector<16xf32>,
      %get3A_207 = vector.shape_cast %get3A_206 : vector<16xf32> to vector<16xf32>
      %slice3A_208 = vector.extract_strided_slice %get3A_207 {offsets = [0], sizes = [1], strides = [1]} : vector<16xf32> to vector<1xf32>
      %squeeze3A_209 = vector.extract %slice3A_208[0] : f32 from vector<1xf32>
      %mul3A_210 = vector.broadcast %squeeze3A_209 : f32 to vector<16xf32>
      %mul3A_211 = arith.mulf %get3A_204, %mul3A_210 : vector<16xf32>
      %add3A_212 = arith.addf %add3A_200, %mul3A_211 : vector<16xf32>
      %swap3A = arith.index_cast %scan3A_180 : i32 to index
      %swap3A_213 = arith.constant 0 : index
      %swap3A_214 = tpu.vector_load %arg16[%swap3A, %swap3A_213] {strides = array<i32>} : memref<64x16xf32, #tpu.memory_space<vmem>>, vector<1x16xf32>,
      %swap3A_215 = vector.shape_cast %swap3A_214 : vector<1x16xf32> to vector<16xf32>
      %swap3A_216 = vector.shape_cast %add3A_212 : vector<16xf32> to vector<1x16xf32>
      tpu.vector_store %arg16[%swap3A, %swap3A_213], %swap3A_216 {strides = array<i32>} : memref<64x16xf32, #tpu.memory_space<vmem>>, vector<1x16xf32>,
    }
    %scan3A_158 = arith.constant 64 : i32
    "tpu.region"() ({
      %run_scoped3A = tpu.sem_alloc : memref<!tpu.dma_semaphore, #tpu.memory_space<semaphore_mem>>
      %dma_start3A_180 = arith.constant 0 : i32
      %dma_start3A_181 = tpu.memref_slice %arg6[%mul3A_2, %dma_start3A_180] : memref<2048x16xf32, #tpu.memory_space<hbm>> -> memref<64x16xf32, #tpu.memory_space<hbm>>
      %dma_start3A_182 = arith.constant 0 : i32
      %dma_start3A_183 = tpu.memref_slice %arg6[%mul3A_2, %dma_start3A_182] : memref<2048x16xf32, #tpu.memory_space<hbm>> -> memref<64x16xf32, #tpu.memory_space<hbm>>
      tpu.enqueue_dma source(%arg16 : memref<64x16xf32, #tpu.memory_space<vmem>>) target(%dma_start3A_183 : memref<64x16xf32, #tpu.memory_space<hbm>>) target_semaphore(%run_scoped3A : memref<!tpu.dma_semaphore, #tpu.memory_space<semaphore_mem>>)
      %dma_wait3A_184 = arith.constant 0 : i32
      %dma_wait3A_185 = tpu.memref_slice %arg6[%mul3A_2, %dma_wait3A_184] : memref<2048x16xf32, #tpu.memory_space<hbm>> -> memref<64x16xf32, #tpu.memory_space<hbm>>
      %dma_wait3A_186 = arith.constant 0 : i32
      %dma_wait3A_187 = tpu.memref_slice %arg6[%mul3A_2, %dma_wait3A_186] : memref<2048x16xf32, #tpu.memory_space<hbm>> -> memref<64x16xf32, #tpu.memory_space<hbm>>
      tpu.wait_dma2 semaphore(%run_scoped3A : memref<!tpu.dma_semaphore, #tpu.memory_space<semaphore_mem>>) src(%arg16 : memref<64x16xf32, #tpu.memory_space<vmem>>) dst(%dma_wait3A_187 : memref<64x16xf32, #tpu.memory_space<hbm>>)
      tpu.yield
    }) : () -> ()
    %dma_wait3A_159 = arith.constant 0 : i32
    %dma_wait3A_160 = arith.constant 0 : i32
    %dma_wait3A_161 = tpu.memref_slice %arg5[%mul3A_2, %dma_wait3A_159, %dma_wait3A_160] : memref<2048x3x16xf32, #tpu.memory_space<hbm>> -> memref<64x1x16xf32, #tpu.memory_space<hbm>>
    %dma_wait3A_162 = tpu.memref_squeeze %dma_wait3A_161 : memref<64x1x16xf32, #tpu.memory_space<hbm>> -> memref<64x16xf32, #tpu.memory_space<hbm>>
    %dma_wait3A_163 = arith.constant 0 : i32
    %dma_wait3A_164 = tpu.memref_slice %arg5[%mul3A_2, %dma_wait3A_159, %dma_wait3A_163] : memref<2048x3x16xf32, #tpu.memory_space<hbm>> -> memref<64x1x16xf32, #tpu.memory_space<hbm>>
    %dma_wait3A_165 = tpu.memref_squeeze %dma_wait3A_164 : memref<64x1x16xf32, #tpu.memory_space<hbm>> -> memref<64x16xf32, #tpu.memory_space<hbm>>
    tpu.wait_dma2 semaphore(%arg17 : memref<!tpu.dma_semaphore, #tpu.memory_space<semaphore_mem>>) src(%arg10 : memref<64x16xf32, #tpu.memory_space<vmem>>) dst(%dma_wait3A_165 : memref<64x16xf32, #tpu.memory_space<hbm>>)
    %dma_wait3A_166 = arith.constant 1 : i32
    %dma_wait3A_167 = arith.constant 0 : i32
    %dma_wait3A_168 = tpu.memref_slice %arg5[%mul3A_2, %dma_wait3A_166, %dma_wait3A_167] : memref<2048x3x16xf32, #tpu.memory_space<hbm>> -> memref<64x1x16xf32, #tpu.memory_space<hbm>>
    %dma_wait3A_169 = tpu.memref_squeeze %dma_wait3A_168 : memref<64x1x16xf32, #tpu.memory_space<hbm>> -> memref<64x16xf32, #tpu.memory_space<hbm>>
    %dma_wait3A_170 = arith.constant 0 : i32
    %dma_wait3A_171 = tpu.memref_slice %arg5[%mul3A_2, %dma_wait3A_166, %dma_wait3A_170] : memref<2048x3x16xf32, #tpu.memory_space<hbm>> -> memref<64x1x16xf32, #tpu.memory_space<hbm>>
    %dma_wait3A_172 = tpu.memref_squeeze %dma_wait3A_171 : memref<64x1x16xf32, #tpu.memory_space<hbm>> -> memref<64x16xf32, #tpu.memory_space<hbm>>
    tpu.wait_dma2 semaphore(%arg17 : memref<!tpu.dma_semaphore, #tpu.memory_space<semaphore_mem>>) src(%arg11 : memref<64x16xf32, #tpu.memory_space<vmem>>) dst(%dma_wait3A_172 : memref<64x16xf32, #tpu.memory_space<hbm>>)
    %dma_wait3A_173 = arith.constant 2 : i32
    %dma_wait3A_174 = arith.constant 0 : i32
    %dma_wait3A_175 = tpu.memref_slice %arg5[%mul3A_2, %dma_wait3A_173, %dma_wait3A_174] : memref<2048x3x16xf32, #tpu.memory_space<hbm>> -> memref<64x1x16xf32, #tpu.memory_space<hbm>>
    %dma_wait3A_176 = tpu.memref_squeeze %dma_wait3A_175 : memref<64x1x16xf32, #tpu.memory_space<hbm>> -> memref<64x16xf32, #tpu.memory_space<hbm>>
    %dma_wait3A_177 = arith.constant 0 : i32
    %dma_wait3A_178 = tpu.memref_slice %arg5[%mul3A_2, %dma_wait3A_173, %dma_wait3A_177] : memref<2048x3x16xf32, #tpu.memory_space<hbm>> -> memref<64x1x16xf32, #tpu.memory_space<hbm>>
    %dma_wait3A_179 = tpu.memref_squeeze %dma_wait3A_178 : memref<64x1x16xf32, #tpu.memory_space<hbm>> -> memref<64x16xf32, #tpu.memory_space<hbm>>
    tpu.wait_dma2 semaphore(%arg17 : memref<!tpu.dma_semaphore, #tpu.memory_space<semaphore_mem>>) src(%arg12 : memref<64x16xf32, #tpu.memory_space<vmem>>) dst(%dma_wait3A_179 : memref<64x16xf32, #tpu.memory_space<hbm>>)
    return
  }
}

#map = affine_map<(d0, d1) -> (0, 0)>
#map1 = affine_map<(d0, d1) -> (0, 0, 0)>
module attributes {stable_mosaic.version = 14 : i64} {
  func.func @sc_kernel(%arg0: i32, %arg1: i32, %arg2: memref<4096x16xf32, #tpu.memory_space<hbm>>, %arg3: memref<16x8x128xi32, #tpu.memory_space<hbm>>, %arg4: memref<16x8x128xf32, #tpu.memory_space<hbm>>, %arg5: memref<2048x3x16xf32, #tpu.memory_space<hbm>>, %arg6: memref<2048x16xf32, #tpu.memory_space<hbm>>, %arg7: memref<64xi32, #tpu.memory_space<vmem>>, %arg8: memref<64xi32, #tpu.memory_space<vmem>>, %arg9: memref<64xi32, #tpu.memory_space<vmem>>, %arg10: memref<64x16xf32, #tpu.memory_space<vmem>>, %arg11: memref<64x16xf32, #tpu.memory_space<vmem>>, %arg12: memref<64x16xf32, #tpu.memory_space<vmem>>, %arg13: memref<80xf32, #tpu.memory_space<vmem>>, %arg14: memref<80xf32, #tpu.memory_space<vmem>>, %arg15: memref<80xf32, #tpu.memory_space<vmem>>, %arg16: memref<64x16xf32, #tpu.memory_space<vmem>>, %arg17: memref<!tpu.dma_semaphore, #tpu.memory_space<semaphore_mem>>) attributes {dimension_semantics = [#tpu.dimension_semantics<core_parallel>, #tpu.dimension_semantics<subcore_parallel>], iteration_bounds = array<i64: 2, 16>, scalar_prefetch = 0 : i64, scratch_operands = 11 : i64, tpu.core_type = #tpu.core_type<sc_vector_subcore>, window_params = [{transform_indices = #map}, {transform_indices = #map1}, {transform_indices = #map1}, {transform_indices = #map1}, {transform_indices = #map}]} {
    %mul3A = arith.constant 2 : i32
    %mul3A_0 = arith.muli %arg1, %mul3A : i32
    %add3A = arith.addi %mul3A_0, %arg0 : i32
    %mul3A_1 = arith.constant 64 : i32
    %mul3A_2 = arith.muli %add3A, %mul3A_1 : i32
    %jit3A = arith.constant 128 : i32
    %div3A = arith.divsi %mul3A_2, %jit3A : i32
    %sign3A = arith.constant 0 : i32
    %sign3A_3 = arith.cmpi sgt, %mul3A_2, %sign3A : i32
    %sign3A_4 = arith.extui %sign3A_3 : i1 to i32
    %sign3A_5 = arith.constant 0 : i32
    %sign3A_6 = arith.cmpi slt, %mul3A_2, %sign3A_5 : i32
    %sign3A_7 = arith.extui %sign3A_6 : i1 to i32
    %sign3A_8 = arith.subi %sign3A_4, %sign3A_7 : i32
    %sign3A_9 = arith.constant 0 : i32
    %sign3A_10 = arith.cmpi sgt, %jit3A, %sign3A_9 : i32
    %sign3A_11 = arith.extui %sign3A_10 : i1 to i32
    %sign3A_12 = arith.constant 0 : i32
    %sign3A_13 = arith.cmpi slt, %jit3A, %sign3A_12 : i32
    %sign3A_14 = arith.extui %sign3A_13 : i1 to i32
    %sign3A_15 = arith.subi %sign3A_11, %sign3A_14 : i32
    %ne3A = arith.cmpi ne, %sign3A_8, %sign3A_15 : i32
    %rem3A = arith.remsi %mul3A_2, %jit3A : i32
    %ne3A_16 = arith.constant 0 : i32
    %ne3A_17 = arith.cmpi ne, %rem3A, %ne3A_16 : i32
    %and3A = arith.andi %ne3A, %ne3A_17 : i1
    %sub3A = arith.constant 1 : i32
    %sub3A_18 = arith.subi %div3A, %sub3A : i32
    %select_n3A = arith.select %and3A, %sub3A_18, %div3A : i32
    %jit3A_19 = arith.constant 128 : i32
    %eq3A = arith.constant 0 : i32
    %eq3A_20 = arith.cmpi eq, %jit3A_19, %eq3A : i32
    %jit3A_21 = arith.constant 1 : i32
    %select_n3A_22 = arith.select %eq3A_20, %jit3A_21, %jit3A_19 : i32
    %rem3A_23 = arith.remsi %mul3A_2, %select_n3A_22 : i32
    %ne3A_24 = arith.constant 0 : i32
    %ne3A_25 = arith.cmpi ne, %rem3A_23, %ne3A_24 : i32
    %lt3A = arith.constant 0 : i32
    %lt3A_26 = arith.cmpi slt, %rem3A_23, %lt3A : i32
    %lt3A_27 = arith.constant 0 : i32
    %lt3A_28 = arith.cmpi slt, %select_n3A_22, %lt3A_27 : i32
    %ne3A_29 = arith.xori %lt3A_26, %lt3A_28 : i1
    %and3A_30 = arith.andi %ne3A_29, %ne3A_25 : i1
    %add3A_31 = arith.addi %rem3A_23, %select_n3A_22 : i32
    %select_n3A_32 = arith.select %and3A_30, %add3A_31, %rem3A_23 : i32
    %dma_start3A = arith.constant 0 : i32
    %dma_start3A_33 = tpu.memref_slice %arg3[%select_n3A, %dma_start3A, %select_n3A_32] : memref<16x8x128xi32, #tpu.memory_space<hbm>> -> memref<1x1x64xi32, #tpu.memory_space<hbm>>
    %dma_start3A_34 = tpu.memref_squeeze %dma_start3A_33 : memref<1x1x64xi32, #tpu.memory_space<hbm>> -> memref<64xi32, #tpu.memory_space<hbm>>
    %dma_start3A_35 = tpu.memref_slice %arg3[%select_n3A, %dma_start3A, %select_n3A_32] : memref<16x8x128xi32, #tpu.memory_space<hbm>> -> memref<1x1x64xi32, #tpu.memory_space<hbm>>
    %dma_start3A_36 = tpu.memref_squeeze %dma_start3A_35 : memref<1x1x64xi32, #tpu.memory_space<hbm>> -> memref<64xi32, #tpu.memory_space<hbm>>
    tpu.enqueue_dma source(%dma_start3A_36 : memref<64xi32, #tpu.memory_space<hbm>>) target(%arg7 : memref<64xi32, #tpu.memory_space<vmem>>) target_semaphore(%arg17 : memref<!tpu.dma_semaphore, #tpu.memory_space<semaphore_mem>>)
    %dma_start3A_37 = arith.constant 1 : i32
    %dma_start3A_38 = tpu.memref_slice %arg3[%select_n3A, %dma_start3A_37, %select_n3A_32] : memref<16x8x128xi32, #tpu.memory_space<hbm>> -> memref<1x1x64xi32, #tpu.memory_space<hbm>>
    %dma_start3A_39 = tpu.memref_squeeze %dma_start3A_38 : memref<1x1x64xi32, #tpu.memory_space<hbm>> -> memref<64xi32, #tpu.memory_space<hbm>>
    %dma_start3A_40 = tpu.memref_slice %arg3[%select_n3A, %dma_start3A_37, %select_n3A_32] : memref<16x8x128xi32, #tpu.memory_space<hbm>> -> memref<1x1x64xi32, #tpu.memory_space<hbm>>
    %dma_start3A_41 = tpu.memref_squeeze %dma_start3A_40 : memref<1x1x64xi32, #tpu.memory_space<hbm>> -> memref<64xi32, #tpu.memory_space<hbm>>
    tpu.enqueue_dma source(%dma_start3A_41 : memref<64xi32, #tpu.memory_space<hbm>>) target(%arg8 : memref<64xi32, #tpu.memory_space<vmem>>) target_semaphore(%arg17 : memref<!tpu.dma_semaphore, #tpu.memory_space<semaphore_mem>>)
    %dma_start3A_42 = arith.constant 2 : i32
    %dma_start3A_43 = tpu.memref_slice %arg3[%select_n3A, %dma_start3A_42, %select_n3A_32] : memref<16x8x128xi32, #tpu.memory_space<hbm>> -> memref<1x1x64xi32, #tpu.memory_space<hbm>>
    %dma_start3A_44 = tpu.memref_squeeze %dma_start3A_43 : memref<1x1x64xi32, #tpu.memory_space<hbm>> -> memref<64xi32, #tpu.memory_space<hbm>>
    %dma_start3A_45 = tpu.memref_slice %arg3[%select_n3A, %dma_start3A_42, %select_n3A_32] : memref<16x8x128xi32, #tpu.memory_space<hbm>> -> memref<1x1x64xi32, #tpu.memory_space<hbm>>
    %dma_start3A_46 = tpu.memref_squeeze %dma_start3A_45 : memref<1x1x64xi32, #tpu.memory_space<hbm>> -> memref<64xi32, #tpu.memory_space<hbm>>
    tpu.enqueue_dma source(%dma_start3A_46 : memref<64xi32, #tpu.memory_space<hbm>>) target(%arg9 : memref<64xi32, #tpu.memory_space<vmem>>) target_semaphore(%arg17 : memref<!tpu.dma_semaphore, #tpu.memory_space<semaphore_mem>>)
    %dma_start3A_47 = arith.constant 0 : i32
    %dma_start3A_48 = arith.constant 0 : i32
    %dma_start3A_49 = tpu.memref_slice %arg13[%dma_start3A_48] : memref<80xf32, #tpu.memory_space<vmem>> -> memref<64xf32, #tpu.memory_space<vmem>>
    %dma_start3A_50 = tpu.memref_slice %arg4[%select_n3A, %dma_start3A_47, %select_n3A_32] : memref<16x8x128xf32, #tpu.memory_space<hbm>> -> memref<1x1x64xf32, #tpu.memory_space<hbm>>
    %dma_start3A_51 = tpu.memref_squeeze %dma_start3A_50 : memref<1x1x64xf32, #tpu.memory_space<hbm>> -> memref<64xf32, #tpu.memory_space<hbm>>
    %dma_start3A_52 = arith.constant 0 : i32
    %dma_start3A_53 = tpu.memref_slice %arg13[%dma_start3A_52] : memref<80xf32, #tpu.memory_space<vmem>> -> memref<64xf32, #tpu.memory_space<vmem>>
    %dma_start3A_54 = tpu.memref_slice %arg4[%select_n3A, %dma_start3A_47, %select_n3A_32] : memref<16x8x128xf32, #tpu.memory_space<hbm>> -> memref<1x1x64xf32, #tpu.memory_space<hbm>>
    %dma_start3A_55 = tpu.memref_squeeze %dma_start3A_54 : memref<1x1x64xf32, #tpu.memory_space<hbm>> -> memref<64xf32, #tpu.memory_space<hbm>>
    tpu.enqueue_dma source(%dma_start3A_55 : memref<64xf32, #tpu.memory_space<hbm>>) target(%dma_start3A_53 : memref<64xf32, #tpu.memory_space<vmem>>) target_semaphore(%arg17 : memref<!tpu.dma_semaphore, #tpu.memory_space<semaphore_mem>>)
    %dma_start3A_56 = arith.constant 1 : i32
    %dma_start3A_57 = arith.constant 0 : i32
    %dma_start3A_58 = tpu.memref_slice %arg14[%dma_start3A_57] : memref<80xf32, #tpu.memory_space<vmem>> -> memref<64xf32, #tpu.memory_space<vmem>>
    %dma_start3A_59 = tpu.memref_slice %arg4[%select_n3A, %dma_start3A_56, %select_n3A_32] : memref<16x8x128xf32, #tpu.memory_space<hbm>> -> memref<1x1x64xf32, #tpu.memory_space<hbm>>
    %dma_start3A_60 = tpu.memref_squeeze %dma_start3A_59 : memref<1x1x64xf32, #tpu.memory_space<hbm>> -> memref<64xf32, #tpu.memory_space<hbm>>
    %dma_start3A_61 = arith.constant 0 : i32
    %dma_start3A_62 = tpu.memref_slice %arg14[%dma_start3A_61] : memref<80xf32, #tpu.memory_space<vmem>> -> memref<64xf32, #tpu.memory_space<vmem>>
    %dma_start3A_63 = tpu.memref_slice %arg4[%select_n3A, %dma_start3A_56, %select_n3A_32] : memref<16x8x128xf32, #tpu.memory_space<hbm>> -> memref<1x1x64xf32, #tpu.memory_space<hbm>>
    %dma_start3A_64 = tpu.memref_squeeze %dma_start3A_63 : memref<1x1x64xf32, #tpu.memory_space<hbm>> -> memref<64xf32, #tpu.memory_space<hbm>>
    tpu.enqueue_dma source(%dma_start3A_64 : memref<64xf32, #tpu.memory_space<hbm>>) target(%dma_start3A_62 : memref<64xf32, #tpu.memory_space<vmem>>) target_semaphore(%arg17 : memref<!tpu.dma_semaphore, #tpu.memory_space<semaphore_mem>>)
    %dma_start3A_65 = arith.constant 2 : i32
    %dma_start3A_66 = arith.constant 0 : i32
    %dma_start3A_67 = tpu.memref_slice %arg15[%dma_start3A_66] : memref<80xf32, #tpu.memory_space<vmem>> -> memref<64xf32, #tpu.memory_space<vmem>>
    %dma_start3A_68 = tpu.memref_slice %arg4[%select_n3A, %dma_start3A_65, %select_n3A_32] : memref<16x8x128xf32, #tpu.memory_space<hbm>> -> memref<1x1x64xf32, #tpu.memory_space<hbm>>
    %dma_start3A_69 = tpu.memref_squeeze %dma_start3A_68 : memref<1x1x64xf32, #tpu.memory_space<hbm>> -> memref<64xf32, #tpu.memory_space<hbm>>
    %dma_start3A_70 = arith.constant 0 : i32
    %dma_start3A_71 = tpu.memref_slice %arg15[%dma_start3A_70] : memref<80xf32, #tpu.memory_space<vmem>> -> memref<64xf32, #tpu.memory_space<vmem>>
    %dma_start3A_72 = tpu.memref_slice %arg4[%select_n3A, %dma_start3A_65, %select_n3A_32] : memref<16x8x128xf32, #tpu.memory_space<hbm>> -> memref<1x1x64xf32, #tpu.memory_space<hbm>>
    %dma_start3A_73 = tpu.memref_squeeze %dma_start3A_72 : memref<1x1x64xf32, #tpu.memory_space<hbm>> -> memref<64xf32, #tpu.memory_space<hbm>>
    tpu.enqueue_dma source(%dma_start3A_73 : memref<64xf32, #tpu.memory_space<hbm>>) target(%dma_start3A_71 : memref<64xf32, #tpu.memory_space<vmem>>) target_semaphore(%arg17 : memref<!tpu.dma_semaphore, #tpu.memory_space<semaphore_mem>>)
    %dma_wait3A = arith.constant 0 : i32
    %dma_wait3A_74 = tpu.memref_slice %arg3[%select_n3A, %dma_wait3A, %select_n3A_32] : memref<16x8x128xi32, #tpu.memory_space<hbm>> -> memref<1x1x64xi32, #tpu.memory_space<hbm>>
    %dma_wait3A_75 = tpu.memref_squeeze %dma_wait3A_74 : memref<1x1x64xi32, #tpu.memory_space<hbm>> -> memref<64xi32, #tpu.memory_space<hbm>>
    %dma_wait3A_76 = tpu.memref_slice %arg3[%select_n3A, %dma_wait3A, %select_n3A_32] : memref<16x8x128xi32, #tpu.memory_space<hbm>> -> memref<1x1x64xi32, #tpu.memory_space<hbm>>
    %dma_wait3A_77 = tpu.memref_squeeze %dma_wait3A_76 : memref<1x1x64xi32, #tpu.memory_space<hbm>> -> memref<64xi32, #tpu.memory_space<hbm>>
    tpu.wait_dma2 semaphore(%arg17 : memref<!tpu.dma_semaphore, #tpu.memory_space<semaphore_mem>>) src(%dma_wait3A_77 : memref<64xi32, #tpu.memory_space<hbm>>) dst(%arg7 : memref<64xi32, #tpu.memory_space<vmem>>)
    %dma_wait3A_78 = arith.constant 1 : i32
    %dma_wait3A_79 = tpu.memref_slice %arg3[%select_n3A, %dma_wait3A_78, %select_n3A_32] : memref<16x8x128xi32, #tpu.memory_space<hbm>> -> memref<1x1x64xi32, #tpu.memory_space<hbm>>
    %dma_wait3A_80 = tpu.memref_squeeze %dma_wait3A_79 : memref<1x1x64xi32, #tpu.memory_space<hbm>> -> memref<64xi32, #tpu.memory_space<hbm>>
    %dma_wait3A_81 = tpu.memref_slice %arg3[%select_n3A, %dma_wait3A_78, %select_n3A_32] : memref<16x8x128xi32, #tpu.memory_space<hbm>> -> memref<1x1x64xi32, #tpu.memory_space<hbm>>
    %dma_wait3A_82 = tpu.memref_squeeze %dma_wait3A_81 : memref<1x1x64xi32, #tpu.memory_space<hbm>> -> memref<64xi32, #tpu.memory_space<hbm>>
    tpu.wait_dma2 semaphore(%arg17 : memref<!tpu.dma_semaphore, #tpu.memory_space<semaphore_mem>>) src(%dma_wait3A_82 : memref<64xi32, #tpu.memory_space<hbm>>) dst(%arg8 : memref<64xi32, #tpu.memory_space<vmem>>)
    %dma_wait3A_83 = arith.constant 2 : i32
    %dma_wait3A_84 = tpu.memref_slice %arg3[%select_n3A, %dma_wait3A_83, %select_n3A_32] : memref<16x8x128xi32, #tpu.memory_space<hbm>> -> memref<1x1x64xi32, #tpu.memory_space<hbm>>
    %dma_wait3A_85 = tpu.memref_squeeze %dma_wait3A_84 : memref<1x1x64xi32, #tpu.memory_space<hbm>> -> memref<64xi32, #tpu.memory_space<hbm>>
    %dma_wait3A_86 = tpu.memref_slice %arg3[%select_n3A, %dma_wait3A_83, %select_n3A_32] : memref<16x8x128xi32, #tpu.memory_space<hbm>> -> memref<1x1x64xi32, #tpu.memory_space<hbm>>
    %dma_wait3A_87 = tpu.memref_squeeze %dma_wait3A_86 : memref<1x1x64xi32, #tpu.memory_space<hbm>> -> memref<64xi32, #tpu.memory_space<hbm>>
    tpu.wait_dma2 semaphore(%arg17 : memref<!tpu.dma_semaphore, #tpu.memory_space<semaphore_mem>>) src(%dma_wait3A_87 : memref<64xi32, #tpu.memory_space<hbm>>) dst(%arg9 : memref<64xi32, #tpu.memory_space<vmem>>)
    %dma_start3A_88 = arith.constant 0 : i32
    %dma_start3A_89 = arith.constant 0 : i32
    %dma_start3A_90 = tpu.memref_slice %arg2[%dma_start3A_88, %dma_start3A_89] : memref<4096x16xf32, #tpu.memory_space<hbm>> -> memref<4096x16xf32, #tpu.memory_space<hbm>>
    tpu.enqueue_indirect_dma source(%dma_start3A_90 : memref<4096x16xf32, #tpu.memory_space<hbm>>) target(%arg10 : memref<64x16xf32, #tpu.memory_space<vmem>>) offsets(%arg7 : memref<64xi32, #tpu.memory_space<vmem>>) semaphore(%arg17 : memref<!tpu.dma_semaphore, #tpu.memory_space<semaphore_mem>>)
    %dma_start3A_91 = arith.constant 0 : i32
    %dma_start3A_92 = arith.constant 0 : i32
    %dma_start3A_93 = tpu.memref_slice %arg2[%dma_start3A_91, %dma_start3A_92] : memref<4096x16xf32, #tpu.memory_space<hbm>> -> memref<4096x16xf32, #tpu.memory_space<hbm>>
    tpu.enqueue_indirect_dma source(%dma_start3A_93 : memref<4096x16xf32, #tpu.memory_space<hbm>>) target(%arg11 : memref<64x16xf32, #tpu.memory_space<vmem>>) offsets(%arg8 : memref<64xi32, #tpu.memory_space<vmem>>) semaphore(%arg17 : memref<!tpu.dma_semaphore, #tpu.memory_space<semaphore_mem>>)
    %dma_start3A_94 = arith.constant 0 : i32
    %dma_start3A_95 = arith.constant 0 : i32
    %dma_start3A_96 = tpu.memref_slice %arg2[%dma_start3A_94, %dma_start3A_95] : memref<4096x16xf32, #tpu.memory_space<hbm>> -> memref<4096x16xf32, #tpu.memory_space<hbm>>
    tpu.enqueue_indirect_dma source(%dma_start3A_96 : memref<4096x16xf32, #tpu.memory_space<hbm>>) target(%arg12 : memref<64x16xf32, #tpu.memory_space<vmem>>) offsets(%arg9 : memref<64xi32, #tpu.memory_space<vmem>>) semaphore(%arg17 : memref<!tpu.dma_semaphore, #tpu.memory_space<semaphore_mem>>)
    %dma_wait3A_97 = arith.constant 0 : i32
    %dma_wait3A_98 = arith.constant 0 : i32
    %dma_wait3A_99 = tpu.memref_slice %arg13[%dma_wait3A_98] : memref<80xf32, #tpu.memory_space<vmem>> -> memref<64xf32, #tpu.memory_space<vmem>>
    %dma_wait3A_100 = tpu.memref_slice %arg4[%select_n3A, %dma_wait3A_97, %select_n3A_32] : memref<16x8x128xf32, #tpu.memory_space<hbm>> -> memref<1x1x64xf32, #tpu.memory_space<hbm>>
    %dma_wait3A_101 = tpu.memref_squeeze %dma_wait3A_100 : memref<1x1x64xf32, #tpu.memory_space<hbm>> -> memref<64xf32, #tpu.memory_space<hbm>>
    %dma_wait3A_102 = arith.constant 0 : i32
    %dma_wait3A_103 = tpu.memref_slice %arg13[%dma_wait3A_102] : memref<80xf32, #tpu.memory_space<vmem>> -> memref<64xf32, #tpu.memory_space<vmem>>
    %dma_wait3A_104 = tpu.memref_slice %arg4[%select_n3A, %dma_wait3A_97, %select_n3A_32] : memref<16x8x128xf32, #tpu.memory_space<hbm>> -> memref<1x1x64xf32, #tpu.memory_space<hbm>>
    %dma_wait3A_105 = tpu.memref_squeeze %dma_wait3A_104 : memref<1x1x64xf32, #tpu.memory_space<hbm>> -> memref<64xf32, #tpu.memory_space<hbm>>
    tpu.wait_dma2 semaphore(%arg17 : memref<!tpu.dma_semaphore, #tpu.memory_space<semaphore_mem>>) src(%dma_wait3A_105 : memref<64xf32, #tpu.memory_space<hbm>>) dst(%dma_wait3A_103 : memref<64xf32, #tpu.memory_space<vmem>>)
    %dma_wait3A_106 = arith.constant 1 : i32
    %dma_wait3A_107 = arith.constant 0 : i32
    %dma_wait3A_108 = tpu.memref_slice %arg14[%dma_wait3A_107] : memref<80xf32, #tpu.memory_space<vmem>> -> memref<64xf32, #tpu.memory_space<vmem>>
    %dma_wait3A_109 = tpu.memref_slice %arg4[%select_n3A, %dma_wait3A_106, %select_n3A_32] : memref<16x8x128xf32, #tpu.memory_space<hbm>> -> memref<1x1x64xf32, #tpu.memory_space<hbm>>
    %dma_wait3A_110 = tpu.memref_squeeze %dma_wait3A_109 : memref<1x1x64xf32, #tpu.memory_space<hbm>> -> memref<64xf32, #tpu.memory_space<hbm>>
    %dma_wait3A_111 = arith.constant 0 : i32
    %dma_wait3A_112 = tpu.memref_slice %arg14[%dma_wait3A_111] : memref<80xf32, #tpu.memory_space<vmem>> -> memref<64xf32, #tpu.memory_space<vmem>>
    %dma_wait3A_113 = tpu.memref_slice %arg4[%select_n3A, %dma_wait3A_106, %select_n3A_32] : memref<16x8x128xf32, #tpu.memory_space<hbm>> -> memref<1x1x64xf32, #tpu.memory_space<hbm>>
    %dma_wait3A_114 = tpu.memref_squeeze %dma_wait3A_113 : memref<1x1x64xf32, #tpu.memory_space<hbm>> -> memref<64xf32, #tpu.memory_space<hbm>>
    tpu.wait_dma2 semaphore(%arg17 : memref<!tpu.dma_semaphore, #tpu.memory_space<semaphore_mem>>) src(%dma_wait3A_114 : memref<64xf32, #tpu.memory_space<hbm>>) dst(%dma_wait3A_112 : memref<64xf32, #tpu.memory_space<vmem>>)
    %dma_wait3A_115 = arith.constant 2 : i32
    %dma_wait3A_116 = arith.constant 0 : i32
    %dma_wait3A_117 = tpu.memref_slice %arg15[%dma_wait3A_116] : memref<80xf32, #tpu.memory_space<vmem>> -> memref<64xf32, #tpu.memory_space<vmem>>
    %dma_wait3A_118 = tpu.memref_slice %arg4[%select_n3A, %dma_wait3A_115, %select_n3A_32] : memref<16x8x128xf32, #tpu.memory_space<hbm>> -> memref<1x1x64xf32, #tpu.memory_space<hbm>>
    %dma_wait3A_119 = tpu.memref_squeeze %dma_wait3A_118 : memref<1x1x64xf32, #tpu.memory_space<hbm>> -> memref<64xf32, #tpu.memory_space<hbm>>
    %dma_wait3A_120 = arith.constant 0 : i32
    %dma_wait3A_121 = tpu.memref_slice %arg15[%dma_wait3A_120] : memref<80xf32, #tpu.memory_space<vmem>> -> memref<64xf32, #tpu.memory_space<vmem>>
    %dma_wait3A_122 = tpu.memref_slice %arg4[%select_n3A, %dma_wait3A_115, %select_n3A_32] : memref<16x8x128xf32, #tpu.memory_space<hbm>> -> memref<1x1x64xf32, #tpu.memory_space<hbm>>
    %dma_wait3A_123 = tpu.memref_squeeze %dma_wait3A_122 : memref<1x1x64xf32, #tpu.memory_space<hbm>> -> memref<64xf32, #tpu.memory_space<hbm>>
    tpu.wait_dma2 semaphore(%arg17 : memref<!tpu.dma_semaphore, #tpu.memory_space<semaphore_mem>>) src(%dma_wait3A_123 : memref<64xf32, #tpu.memory_space<hbm>>) dst(%dma_wait3A_121 : memref<64xf32, #tpu.memory_space<vmem>>)
    %dma_wait3A_124 = arith.constant 0 : i32
    %dma_wait3A_125 = arith.constant 0 : i32
    %dma_wait3A_126 = tpu.memref_slice %arg2[%dma_wait3A_124, %dma_wait3A_125] : memref<4096x16xf32, #tpu.memory_space<hbm>> -> memref<4096x16xf32, #tpu.memory_space<hbm>>
    tpu.wait_indirect_dma semaphore(%arg17 : memref<!tpu.dma_semaphore, #tpu.memory_space<semaphore_mem>>) src(%dma_wait3A_126 : memref<4096x16xf32, #tpu.memory_space<hbm>>) dst(%arg10 : memref<64x16xf32, #tpu.memory_space<vmem>>)
    %dma_wait3A_127 = arith.constant 0 : i32
    %dma_wait3A_128 = arith.constant 0 : i32
    %dma_wait3A_129 = tpu.memref_slice %arg2[%dma_wait3A_127, %dma_wait3A_128] : memref<4096x16xf32, #tpu.memory_space<hbm>> -> memref<4096x16xf32, #tpu.memory_space<hbm>>
    tpu.wait_indirect_dma semaphore(%arg17 : memref<!tpu.dma_semaphore, #tpu.memory_space<semaphore_mem>>) src(%dma_wait3A_129 : memref<4096x16xf32, #tpu.memory_space<hbm>>) dst(%arg11 : memref<64x16xf32, #tpu.memory_space<vmem>>)
    %dma_wait3A_130 = arith.constant 0 : i32
    %dma_wait3A_131 = arith.constant 0 : i32
    %dma_wait3A_132 = tpu.memref_slice %arg2[%dma_wait3A_130, %dma_wait3A_131] : memref<4096x16xf32, #tpu.memory_space<hbm>> -> memref<4096x16xf32, #tpu.memory_space<hbm>>
    tpu.wait_indirect_dma semaphore(%arg17 : memref<!tpu.dma_semaphore, #tpu.memory_space<semaphore_mem>>) src(%dma_wait3A_132 : memref<4096x16xf32, #tpu.memory_space<hbm>>) dst(%arg12 : memref<64x16xf32, #tpu.memory_space<vmem>>)
    %dma_start3A_133 = arith.constant 0 : i32
    %dma_start3A_134 = arith.constant 0 : i32
    %dma_start3A_135 = tpu.memref_slice %arg5[%mul3A_2, %dma_start3A_133, %dma_start3A_134] : memref<2048x3x16xf32, #tpu.memory_space<hbm>> -> memref<64x1x16xf32, #tpu.memory_space<hbm>>
    %dma_start3A_136 = tpu.memref_squeeze %dma_start3A_135 : memref<64x1x16xf32, #tpu.memory_space<hbm>> -> memref<64x16xf32, #tpu.memory_space<hbm>>
    %dma_start3A_137 = arith.constant 0 : i32
    %dma_start3A_138 = tpu.memref_slice %arg5[%mul3A_2, %dma_start3A_133, %dma_start3A_137] : memref<2048x3x16xf32, #tpu.memory_space<hbm>> -> memref<64x1x16xf32, #tpu.memory_space<hbm>>
    %dma_start3A_139 = tpu.memref_squeeze %dma_start3A_138 : memref<64x1x16xf32, #tpu.memory_space<hbm>> -> memref<64x16xf32, #tpu.memory_space<hbm>>
    tpu.enqueue_dma source(%arg10 : memref<64x16xf32, #tpu.memory_space<vmem>>) target(%dma_start3A_139 : memref<64x16xf32, #tpu.memory_space<hbm>>) target_semaphore(%arg17 : memref<!tpu.dma_semaphore, #tpu.memory_space<semaphore_mem>>)
    %dma_start3A_140 = arith.constant 1 : i32
    %dma_start3A_141 = arith.constant 0 : i32
    %dma_start3A_142 = tpu.memref_slice %arg5[%mul3A_2, %dma_start3A_140, %dma_start3A_141] : memref<2048x3x16xf32, #tpu.memory_space<hbm>> -> memref<64x1x16xf32, #tpu.memory_space<hbm>>
    %dma_start3A_143 = tpu.memref_squeeze %dma_start3A_142 : memref<64x1x16xf32, #tpu.memory_space<hbm>> -> memref<64x16xf32, #tpu.memory_space<hbm>>
    %dma_start3A_144 = arith.constant 0 : i32
    %dma_start3A_145 = tpu.memref_slice %arg5[%mul3A_2, %dma_start3A_140, %dma_start3A_144] : memref<2048x3x16xf32, #tpu.memory_space<hbm>> -> memref<64x1x16xf32, #tpu.memory_space<hbm>>
    %dma_start3A_146 = tpu.memref_squeeze %dma_start3A_145 : memref<64x1x16xf32, #tpu.memory_space<hbm>> -> memref<64x16xf32, #tpu.memory_space<hbm>>
    tpu.enqueue_dma source(%arg11 : memref<64x16xf32, #tpu.memory_space<vmem>>) target(%dma_start3A_146 : memref<64x16xf32, #tpu.memory_space<hbm>>) target_semaphore(%arg17 : memref<!tpu.dma_semaphore, #tpu.memory_space<semaphore_mem>>)
    %dma_start3A_147 = arith.constant 2 : i32
    %dma_start3A_148 = arith.constant 0 : i32
    %dma_start3A_149 = tpu.memref_slice %arg5[%mul3A_2, %dma_start3A_147, %dma_start3A_148] : memref<2048x3x16xf32, #tpu.memory_space<hbm>> -> memref<64x1x16xf32, #tpu.memory_space<hbm>>
    %dma_start3A_150 = tpu.memref_squeeze %dma_start3A_149 : memref<64x1x16xf32, #tpu.memory_space<hbm>> -> memref<64x16xf32, #tpu.memory_space<hbm>>
    %dma_start3A_151 = arith.constant 0 : i32
    %dma_start3A_152 = tpu.memref_slice %arg5[%mul3A_2, %dma_start3A_147, %dma_start3A_151] : memref<2048x3x16xf32, #tpu.memory_space<hbm>> -> memref<64x1x16xf32, #tpu.memory_space<hbm>>
    %dma_start3A_153 = tpu.memref_squeeze %dma_start3A_152 : memref<64x1x16xf32, #tpu.memory_space<hbm>> -> memref<64x16xf32, #tpu.memory_space<hbm>>
    tpu.enqueue_dma source(%arg12 : memref<64x16xf32, #tpu.memory_space<vmem>>) target(%dma_start3A_153 : memref<64x16xf32, #tpu.memory_space<hbm>>) target_semaphore(%arg17 : memref<!tpu.dma_semaphore, #tpu.memory_space<semaphore_mem>>)
    %scan3A = arith.constant 0 : i32
    %scan3A_154 = arith.constant 0 : i32
    %scan3A_155 = arith.constant 64 : i32
    %scan3A_156 = arith.addi %scan3A_154, %scan3A_155 : i32
    %scan3A_157 = arith.constant 1 : i32
    scf.for %scan3A_180 = %scan3A_154 to %scan3A_156 step %scan3A_157  : i32 {
      %get3A = arith.index_cast %scan3A_180 : i32 to index
      %get3A_181 = arith.constant 0 : index
      %get3A_182 = tpu.vector_load %arg10[%get3A, %get3A_181] {strides = array<i32>} : memref<64x16xf32, #tpu.memory_space<vmem>>, vector<1x16xf32>,
      %get3A_183 = vector.shape_cast %get3A_182 : vector<1x16xf32> to vector<16xf32>
      %get3A_184 = arith.index_cast %scan3A_180 : i32 to index
      %get3A_185 = tpu.vector_load %arg13[%get3A_184] {strides = array<i32>} : memref<80xf32, #tpu.memory_space<vmem>>, vector<16xf32>,
      %get3A_186 = vector.shape_cast %get3A_185 : vector<16xf32> to vector<16xf32>
      %slice3A = vector.extract_strided_slice %get3A_186 {offsets = [0], sizes = [1], strides = [1]} : vector<16xf32> to vector<1xf32>
      %squeeze3A = vector.extract %slice3A[0] : f32 from vector<1xf32>
      %mul3A_187 = vector.broadcast %squeeze3A : f32 to vector<16xf32>
      %mul3A_188 = arith.mulf %get3A_183, %mul3A_187 : vector<16xf32>
      %get3A_189 = arith.index_cast %scan3A_180 : i32 to index
      %get3A_190 = arith.constant 0 : index
      %get3A_191 = tpu.vector_load %arg11[%get3A_189, %get3A_190] {strides = array<i32>} : memref<64x16xf32, #tpu.memory_space<vmem>>, vector<1x16xf32>,
      %get3A_192 = vector.shape_cast %get3A_191 : vector<1x16xf32> to vector<16xf32>
      %get3A_193 = arith.index_cast %scan3A_180 : i32 to index
      %get3A_194 = tpu.vector_load %arg14[%get3A_193] {strides = array<i32>} : memref<80xf32, #tpu.memory_space<vmem>>, vector<16xf32>,
      %get3A_195 = vector.shape_cast %get3A_194 : vector<16xf32> to vector<16xf32>
      %slice3A_196 = vector.extract_strided_slice %get3A_195 {offsets = [0], sizes = [1], strides = [1]} : vector<16xf32> to vector<1xf32>
      %squeeze3A_197 = vector.extract %slice3A_196[0] : f32 from vector<1xf32>
      %mul3A_198 = vector.broadcast %squeeze3A_197 : f32 to vector<16xf32>
      %mul3A_199 = arith.mulf %get3A_192, %mul3A_198 : vector<16xf32>
      %add3A_200 = arith.addf %mul3A_188, %mul3A_199 : vector<16xf32>
      %get3A_201 = arith.index_cast %scan3A_180 : i32 to index
      %get3A_202 = arith.constant 0 : index
      %get3A_203 = tpu.vector_load %arg12[%get3A_201, %get3A_202] {strides = array<i32>} : memref<64x16xf32, #tpu.memory_space<vmem>>, vector<1x16xf32>,
      %get3A_204 = vector.shape_cast %get3A_203 : vector<1x16xf32> to vector<16xf32>
      %get3A_205 = arith.index_cast %scan3A_180 : i32 to index
      %get3A_206 = tpu.vector_load %arg15[%get3A_205] {strides = array<i32>} : memref<80xf32, #tpu.memory_space<vmem>>, vector<16xf32>,
      %get3A_207 = vector.shape_cast %get3A_206 : vector<16xf32> to vector<16xf32>
      %slice3A_208 = vector.extract_strided_slice %get3A_207 {offsets = [0], sizes = [1], strides = [1]} : vector<16xf32> to vector<1xf32>
      %squeeze3A_209 = vector.extract %slice3A_208[0] : f32 from vector<1xf32>
      %mul3A_210 = vector.broadcast %squeeze3A_209 : f32 to vector<16xf32>
      %mul3A_211 = arith.mulf %get3A_204, %mul3A_210 : vector<16xf32>
      %add3A_212 = arith.addf %add3A_200, %mul3A_211 : vector<16xf32>
      %swap3A = arith.index_cast %scan3A_180 : i32 to index
      %swap3A_213 = arith.constant 0 : index
      %swap3A_214 = tpu.vector_load %arg16[%swap3A, %swap3A_213] {strides = array<i32>} : memref<64x16xf32, #tpu.memory_space<vmem>>, vector<1x16xf32>,
      %swap3A_215 = vector.shape_cast %swap3A_214 : vector<1x16xf32> to vector<16xf32>
      %swap3A_216 = vector.shape_cast %add3A_212 : vector<16xf32> to vector<1x16xf32>
      tpu.vector_store %arg16[%swap3A, %swap3A_213], %swap3A_216 {strides = array<i32>} : memref<64x16xf32, #tpu.memory_space<vmem>>, vector<1x16xf32>,
    }
    %scan3A_158 = arith.constant 64 : i32
    "tpu.region"() ({
      %run_scoped3A = tpu.sem_alloc : memref<!tpu.dma_semaphore, #tpu.memory_space<semaphore_mem>>
      %dma_start3A_180 = arith.constant 0 : i32
      %dma_start3A_181 = tpu.memref_slice %arg6[%mul3A_2, %dma_start3A_180] : memref<2048x16xf32, #tpu.memory_space<hbm>> -> memref<64x16xf32, #tpu.memory_space<hbm>>
      %dma_start3A_182 = arith.constant 0 : i32
      %dma_start3A_183 = tpu.memref_slice %arg6[%mul3A_2, %dma_start3A_182] : memref<2048x16xf32, #tpu.memory_space<hbm>> -> memref<64x16xf32, #tpu.memory_space<hbm>>
      tpu.enqueue_dma source(%arg16 : memref<64x16xf32, #tpu.memory_space<vmem>>) target(%dma_start3A_183 : memref<64x16xf32, #tpu.memory_space<hbm>>) target_semaphore(%run_scoped3A : memref<!tpu.dma_semaphore, #tpu.memory_space<semaphore_mem>>)
      %dma_wait3A_184 = arith.constant 0 : i32
      %dma_wait3A_185 = tpu.memref_slice %arg6[%mul3A_2, %dma_wait3A_184] : memref<2048x16xf32, #tpu.memory_space<hbm>> -> memref<64x16xf32, #tpu.memory_space<hbm>>
      %dma_wait3A_186 = arith.constant 0 : i32
      %dma_wait3A_187 = tpu.memref_slice %arg6[%mul3A_2, %dma_wait3A_186] : memref<2048x16xf32, #tpu.memory_space<hbm>> -> memref<64x16xf32, #tpu.memory_space<hbm>>
      tpu.wait_dma2 semaphore(%run_scoped3A : memref<!tpu.dma_semaphore, #tpu.memory_space<semaphore_mem>>) src(%arg16 : memref<64x16xf32, #tpu.memory_space<vmem>>) dst(%dma_wait3A_187 : memref<64x16xf32, #tpu.memory_space<hbm>>)
      tpu.yield
    }) : () -> ()
    %dma_wait3A_159 = arith.constant 0 : i32
    %dma_wait3A_160 = arith.constant 0 : i32
    %dma_wait3A_161 = tpu.memref_slice %arg5[%mul3A_2, %dma_wait3A_159, %dma_wait3A_160] : memref<2048x3x16xf32, #tpu.memory_space<hbm>> -> memref<64x1x16xf32, #tpu.memory_space<hbm>>
    %dma_wait3A_162 = tpu.memref_squeeze %dma_wait3A_161 : memref<64x1x16xf32, #tpu.memory_space<hbm>> -> memref<64x16xf32, #tpu.memory_space<hbm>>
    %dma_wait3A_163 = arith.constant 0 : i32
    %dma_wait3A_164 = tpu.memref_slice %arg5[%mul3A_2, %dma_wait3A_159, %dma_wait3A_163] : memref<2048x3x16xf32, #tpu.memory_space<hbm>> -> memref<64x1x16xf32, #tpu.memory_space<hbm>>
    %dma_wait3A_165 = tpu.memref_squeeze %dma_wait3A_164 : memref<64x1x16xf32, #tpu.memory_space<hbm>> -> memref<64x16xf32, #tpu.memory_space<hbm>>
    tpu.wait_dma2 semaphore(%arg17 : memref<!tpu.dma_semaphore, #tpu.memory_space<semaphore_mem>>) src(%arg10 : memref<64x16xf32, #tpu.memory_space<vmem>>) dst(%dma_wait3A_165 : memref<64x16xf32, #tpu.memory_space<hbm>>)
    %dma_wait3A_166 = arith.constant 1 : i32
    %dma_wait3A_167 = arith.constant 0 : i32
    %dma_wait3A_168 = tpu.memref_slice %arg5[%mul3A_2, %dma_wait3A_166, %dma_wait3A_167] : memref<2048x3x16xf32, #tpu.memory_space<hbm>> -> memref<64x1x16xf32, #tpu.memory_space<hbm>>
    %dma_wait3A_169 = tpu.memref_squeeze %dma_wait3A_168 : memref<64x1x16xf32, #tpu.memory_space<hbm>> -> memref<64x16xf32, #tpu.memory_space<hbm>>
    %dma_wait3A_170 = arith.constant 0 : i32
    %dma_wait3A_171 = tpu.memref_slice %arg5[%mul3A_2, %dma_wait3A_166, %dma_wait3A_170] : memref<2048x3x16xf32, #tpu.memory_space<hbm>> -> memref<64x1x16xf32, #tpu.memory_space<hbm>>
    %dma_wait3A_172 = tpu.memref_squeeze %dma_wait3A_171 : memref<64x1x16xf32, #tpu.memory_space<hbm>> -> memref<64x16xf32, #tpu.memory_space<hbm>>
    tpu.wait_dma2 semaphore(%arg17 : memref<!tpu.dma_semaphore, #tpu.memory_space<semaphore_mem>>) src(%arg11 : memref<64x16xf32, #tpu.memory_space<vmem>>) dst(%dma_wait3A_172 : memref<64x16xf32, #tpu.memory_space<hbm>>)
    %dma_wait3A_173 = arith.constant 2 : i32
    %dma_wait3A_174 = arith.constant 0 : i32
    %dma_wait3A_175 = tpu.memref_slice %arg5[%mul3A_2, %dma_wait3A_173, %dma_wait3A_174] : memref<2048x3x16xf32, #tpu.memory_space<hbm>> -> memref<64x1x16xf32, #tpu.memory_space<hbm>>
    %dma_wait3A_176 = tpu.memref_squeeze %dma_wait3A_175 : memref<64x1x16xf32, #tpu.memory_space<hbm>> -> memref<64x16xf32, #tpu.memory_space<hbm>>
    %dma_wait3A_177 = arith.constant 0 : i32
    %dma_wait3A_178 = tpu.memref_slice %arg5[%mul3A_2, %dma_wait3A_173, %dma_wait3A_177] : memref<2048x3x16xf32, #tpu.memory_space<hbm>> -> memref<64x1x16xf32, #tpu.memory_space<hbm>>
    %dma_wait3A_179 = tpu.memref_squeeze %dma_wait3A_178 : memref<64x1x16xf32, #tpu.memory_space<hbm>> -> memref<64x16xf32, #tpu.memory_space<hbm>>
    tpu.wait_dma2 semaphore(%arg17 : memref<!tpu.dma_semaphore, #tpu.memory_space<semaphore_mem>>) src(%arg12 : memref<64x16xf32, #tpu.memory_space<vmem>>) dst(%dma_wait3A_179 : memref<64x16xf32, #tpu.memory_space<hbm>>)
    return
  }
}

module attributes {stable_mosaic.version = 14 : i64} {
  func.func @_topk_tc_body(%arg0: i32, %arg1: memref<4096x16xf32, #tpu.memory_space<vmem>>, %arg2: memref<16x8xf32, #tpu.memory_space<vmem>>, %arg3: memref<8xf32, #tpu.memory_space<vmem>>, %arg4: memref<8x16xf32, #tpu.memory_space<vmem>>, %arg5: memref<16xf32, #tpu.memory_space<vmem>>, %arg6: memref<1024x3xf32, #tpu.memory_space<vmem>>, %arg7: memref<8x8x128xf32, #tpu.memory_space<vmem>>, %arg8: memref<8x8x128xi32, #tpu.memory_space<vmem>>, %arg9: memref<4096x16xf32, #tpu.memory_space<vmem>>) attributes {dimension_semantics = [#tpu.dimension_semantics<arbitrary>], iteration_bounds = array<i64: 2>, scalar_prefetch = 0 : i64, scratch_operands = 1 : i64, tpu.core_type = #tpu.core_type<tc>, window_params = [{pipeline_mode = #tpu.pipeline_mode<synchronous>, transform_indices = @transform_0, window_bounds = array<i64: 4096, 16>}, {pipeline_mode = #tpu.pipeline_mode<synchronous>, transform_indices = @transform_1, window_bounds = array<i64: 16, 8>}, {pipeline_mode = #tpu.pipeline_mode<synchronous>, transform_indices = @transform_2, window_bounds = array<i64: 8>}, {pipeline_mode = #tpu.pipeline_mode<synchronous>, transform_indices = @transform_3, window_bounds = array<i64: 8, 16>}, {pipeline_mode = #tpu.pipeline_mode<synchronous>, transform_indices = @transform_4, window_bounds = array<i64: 16>}, {transform_indices = @transform_5, window_bounds = array<i64: 1024, 3>}, {transform_indices = @transform_6, window_bounds = array<i64: 8, 8, 128>}, {transform_indices = @transform_7, window_bounds = array<i64: 8, 8, 128>}]} {
    %eq3A = arith.constant 0 : i32
    %eq3A_0 = arith.cmpi eq, %arg0, %eq3A : i32
    %convert_element_type3A = arith.extui %eq3A_0 : i1 to i32
    %cond3A = arith.constant 0 : i32
    %cond3A_1 = arith.cmpi ne, %convert_element_type3A, %cond3A : i32
    scf.if %cond3A_1 {
      %get3A_638 = arith.constant 0 : index
      %get3A_639 = arith.constant 0 : index
      %get3A_640 = vector.load %arg1[%get3A_638, %get3A_639] : memref<4096x16xf32, #tpu.memory_space<vmem>>, vector<4096x16xf32>
      %get3A_641 = arith.constant 0 : index
      %get3A_642 = arith.constant 0 : index
      %get3A_643 = vector.load %arg2[%get3A_641, %get3A_642] : memref<16x8xf32, #tpu.memory_space<vmem>>, vector<16x8xf32>
      %dot_general3A_644 = arith.constant dense<0.000000e+00> : vector<4096x8xf32>
      %dot_general3A_645 = tpu.matmul %get3A_640, %get3A_643, %dot_general3A_644 {dimension_numbers = #tpu.dot_dimension_numbers<[1], [0], [0], [1], [0, 0, 1, 1], [], []>, transpose_lhs_hint = false} : vector<4096x16xf32>, vector<16x8xf32>, vector<4096x8xf32> -> vector<4096x8xf32>
      %get3A_646 = arith.constant 0 : index
      %get3A_647 = vector.load %arg3[%get3A_646] : memref<8xf32, #tpu.memory_space<vmem>>, vector<8xf32>
      %broadcast_in_dim3A_648 = vector.shape_cast %get3A_647 : vector<8xf32> to vector<1x8xf32>
      %add3A_649 = vector.broadcast %broadcast_in_dim3A_648 : vector<1x8xf32> to vector<4096x8xf32>
      %add3A_650 = arith.addf %dot_general3A_645, %add3A_649 : vector<4096x8xf32>
      %max3A_651 = arith.constant 0.000000e+00 : f32
      %max3A_652 = vector.broadcast %max3A_651 : f32 to vector<4096x8xf32>
      %max3A_653 = arith.maximumf %add3A_650, %max3A_652 : vector<4096x8xf32>
      %get3A_654 = arith.constant 0 : index
      %get3A_655 = arith.constant 0 : index
      %get3A_656 = vector.load %arg4[%get3A_654, %get3A_655] : memref<8x16xf32, #tpu.memory_space<vmem>>, vector<8x16xf32>
      %dot_general3A_657 = arith.constant dense<0.000000e+00> : vector<4096x16xf32>
      %dot_general3A_658 = tpu.matmul %max3A_653, %get3A_656, %dot_general3A_657 {dimension_numbers = #tpu.dot_dimension_numbers<[1], [0], [0], [1], [0, 0, 1, 1], [], []>, transpose_lhs_hint = false} : vector<4096x8xf32>, vector<8x16xf32>, vector<4096x16xf32> -> vector<4096x16xf32>
      %get3A_659 = arith.constant 0 : index
      %get3A_660 = vector.load %arg5[%get3A_659] : memref<16xf32, #tpu.memory_space<vmem>>, vector<16xf32>
      %broadcast_in_dim3A_661 = vector.shape_cast %get3A_660 : vector<16xf32> to vector<1x16xf32>
      %add3A_662 = vector.broadcast %broadcast_in_dim3A_661 : vector<1x16xf32> to vector<4096x16xf32>
      %add3A_663 = arith.addf %dot_general3A_658, %add3A_662 : vector<4096x16xf32>
      %swap3A_664 = arith.constant 0 : index
      %swap3A_665 = arith.constant 0 : index
      %swap3A_666 = vector.load %arg9[%swap3A_664, %swap3A_665] : memref<4096x16xf32, #tpu.memory_space<vmem>>, vector<4096x16xf32>
      tpu.vector_store %arg9[%swap3A_664, %swap3A_665], %add3A_663 {strides = array<i32>} : memref<4096x16xf32, #tpu.memory_space<vmem>>, vector<4096x16xf32>,
    } else {
    }
    %mul3A = arith.constant 1024 : i32
    %mul3A_2 = arith.muli %arg0, %mul3A : i32
    %add3A = arith.constant 2048 : i32
    %add3A_3 = arith.addi %add3A, %mul3A_2 : i32
    %get3A = arith.index_cast %add3A_3 : i32 to index
    %get3A_4 = arith.constant 0 : index
    %get3A_5 = vector.load %arg9[%get3A, %get3A_4] : memref<4096x16xf32, #tpu.memory_space<vmem>>, vector<1024x16xf32>
    %get3A_6 = arith.constant 0 : index
    %get3A_7 = arith.constant 0 : index
    %get3A_8 = vector.load %arg9[%get3A_6, %get3A_7] : memref<4096x16xf32, #tpu.memory_space<vmem>>, vector<4096x16xf32>
    %dot_general3A = arith.constant dense<0.000000e+00> : vector<1024x4096xf32>
    %dot_general3A_9 = tpu.matmul %get3A_5, %get3A_8, %dot_general3A {dimension_numbers = #tpu.dot_dimension_numbers<[1], [1], [0], [0], [0, 0, 1, 0], [], []>, transpose_lhs_hint = false} : vector<1024x16xf32>, vector<4096x16xf32>, vector<1024x4096xf32> -> vector<1024x4096xf32>
    %iota3A = tpu.iota {dimensions = array<i32: 1>} : vector<1024x128xi32>
    %broadcast_in_dim3A = arith.constant -3.000000e+38 : f32
    %broadcast_in_dim3A_10 = vector.broadcast %broadcast_in_dim3A : f32 to vector<1024x128xf32>
    %broadcast_in_dim3A_11 = arith.constant 4096 : i32
    %broadcast_in_dim3A_12 = vector.broadcast %broadcast_in_dim3A_11 : i32 to vector<1024x128xi32>
    %slice3A = vector.extract_strided_slice %dot_general3A_9 {offsets = [0, 0], sizes = [1024, 128], strides = [1, 1]} : vector<1024x4096xf32> to vector<1024x128xf32>
    %add3A_13 = arith.constant 0 : i32
    %add3A_14 = vector.broadcast %add3A_13 : i32 to vector<1024x128xi32>
    %add3A_15 = arith.addi %iota3A, %add3A_14 : vector<1024x128xi32>
    %gt3A = arith.cmpf ogt, %slice3A, %broadcast_in_dim3A_10 : vector<1024x128xf32>
    %max3A = arith.maximumf %broadcast_in_dim3A_10, %slice3A : vector<1024x128xf32>
    %min3A = arith.minimumf %broadcast_in_dim3A_10, %slice3A : vector<1024x128xf32>
    %select_n3A = arith.select %gt3A, %add3A_15, %broadcast_in_dim3A_12 : vector<1024x128xi1>, vector<1024x128xi32>
    %select_n3A_16 = arith.select %gt3A, %broadcast_in_dim3A_12, %add3A_15 : vector<1024x128xi1>, vector<1024x128xi32>
    %gt3A_17 = arith.cmpf ogt, %min3A, %broadcast_in_dim3A_10 : vector<1024x128xf32>
    %max3A_18 = arith.maximumf %broadcast_in_dim3A_10, %min3A : vector<1024x128xf32>
    %min3A_19 = arith.minimumf %broadcast_in_dim3A_10, %min3A : vector<1024x128xf32>
    %select_n3A_20 = arith.select %gt3A_17, %select_n3A_16, %broadcast_in_dim3A_12 : vector<1024x128xi1>, vector<1024x128xi32>
    %select_n3A_21 = arith.select %gt3A_17, %broadcast_in_dim3A_12, %select_n3A_16 : vector<1024x128xi1>, vector<1024x128xi32>
    %gt3A_22 = arith.cmpf ogt, %min3A_19, %broadcast_in_dim3A_10 : vector<1024x128xf32>
    %max3A_23 = arith.maximumf %broadcast_in_dim3A_10, %min3A_19 : vector<1024x128xf32>
    %select_n3A_24 = arith.select %gt3A_22, %select_n3A_21, %broadcast_in_dim3A_12 : vector<1024x128xi1>, vector<1024x128xi32>
    %slice3A_25 = vector.extract_strided_slice %dot_general3A_9 {offsets = [0, 128], sizes = [1024, 128], strides = [1, 1]} : vector<1024x4096xf32> to vector<1024x128xf32>
    %add3A_26 = arith.constant 128 : i32
    %add3A_27 = vector.broadcast %add3A_26 : i32 to vector<1024x128xi32>
    %add3A_28 = arith.addi %iota3A, %add3A_27 : vector<1024x128xi32>
    %gt3A_29 = arith.cmpf ogt, %slice3A_25, %max3A : vector<1024x128xf32>
    %max3A_30 = arith.maximumf %max3A, %slice3A_25 : vector<1024x128xf32>
    %min3A_31 = arith.minimumf %max3A, %slice3A_25 : vector<1024x128xf32>
    %select_n3A_32 = arith.select %gt3A_29, %add3A_28, %select_n3A : vector<1024x128xi1>, vector<1024x128xi32>
    %select_n3A_33 = arith.select %gt3A_29, %select_n3A, %add3A_28 : vector<1024x128xi1>, vector<1024x128xi32>
    %gt3A_34 = arith.cmpf ogt, %min3A_31, %max3A_18 : vector<1024x128xf32>
    %max3A_35 = arith.maximumf %max3A_18, %min3A_31 : vector<1024x128xf32>
    %min3A_36 = arith.minimumf %max3A_18, %min3A_31 : vector<1024x128xf32>
    %select_n3A_37 = arith.select %gt3A_34, %select_n3A_33, %select_n3A_20 : vector<1024x128xi1>, vector<1024x128xi32>
    %select_n3A_38 = arith.select %gt3A_34, %select_n3A_20, %select_n3A_33 : vector<1024x128xi1>, vector<1024x128xi32>
    %gt3A_39 = arith.cmpf ogt, %min3A_36, %max3A_23 : vector<1024x128xf32>
    %max3A_40 = arith.maximumf %max3A_23, %min3A_36 : vector<1024x128xf32>
    %select_n3A_41 = arith.select %gt3A_39, %select_n3A_38, %select_n3A_24 : vector<1024x128xi1>, vector<1024x128xi32>
    %slice3A_42 = vector.extract_strided_slice %dot_general3A_9 {offsets = [0, 256], sizes = [1024, 128], strides = [1, 1]} : vector<1024x4096xf32> to vector<1024x128xf32>
    %add3A_43 = arith.constant 256 : i32
    %add3A_44 = vector.broadcast %add3A_43 : i32 to vector<1024x128xi32>
    %add3A_45 = arith.addi %iota3A, %add3A_44 : vector<1024x128xi32>
    %gt3A_46 = arith.cmpf ogt, %slice3A_42, %max3A_30 : vector<1024x128xf32>
    %max3A_47 = arith.maximumf %max3A_30, %slice3A_42 : vector<1024x128xf32>
    %min3A_48 = arith.minimumf %max3A_30, %slice3A_42 : vector<1024x128xf32>
    %select_n3A_49 = arith.select %gt3A_46, %add3A_45, %select_n3A_32 : vector<1024x128xi1>, vector<1024x128xi32>
    %select_n3A_50 = arith.select %gt3A_46, %select_n3A_32, %add3A_45 : vector<1024x128xi1>, vector<1024x128xi32>
    %gt3A_51 = arith.cmpf ogt, %min3A_48, %max3A_35 : vector<1024x128xf32>
    %max3A_52 = arith.maximumf %max3A_35, %min3A_48 : vector<1024x128xf32>
    %min3A_53 = arith.minimumf %max3A_35, %min3A_48 : vector<1024x128xf32>
    %select_n3A_54 = arith.select %gt3A_51, %select_n3A_50, %select_n3A_37 : vector<1024x128xi1>, vector<1024x128xi32>
    %select_n3A_55 = arith.select %gt3A_51, %select_n3A_37, %select_n3A_50 : vector<1024x128xi1>, vector<1024x128xi32>
    %gt3A_56 = arith.cmpf ogt, %min3A_53, %max3A_40 : vector<1024x128xf32>
    %max3A_57 = arith.maximumf %max3A_40, %min3A_53 : vector<1024x128xf32>
    %select_n3A_58 = arith.select %gt3A_56, %select_n3A_55, %select_n3A_41 : vector<1024x128xi1>, vector<1024x128xi32>
    %slice3A_59 = vector.extract_strided_slice %dot_general3A_9 {offsets = [0, 384], sizes = [1024, 128], strides = [1, 1]} : vector<1024x4096xf32> to vector<1024x128xf32>
    %add3A_60 = arith.constant 384 : i32
    %add3A_61 = vector.broadcast %add3A_60 : i32 to vector<1024x128xi32>
    %add3A_62 = arith.addi %iota3A, %add3A_61 : vector<1024x128xi32>
    %gt3A_63 = arith.cmpf ogt, %slice3A_59, %max3A_47 : vector<1024x128xf32>
    %max3A_64 = arith.maximumf %max3A_47, %slice3A_59 : vector<1024x128xf32>
    %min3A_65 = arith.minimumf %max3A_47, %slice3A_59 : vector<1024x128xf32>
    %select_n3A_66 = arith.select %gt3A_63, %add3A_62, %select_n3A_49 : vector<1024x128xi1>, vector<1024x128xi32>
    %select_n3A_67 = arith.select %gt3A_63, %select_n3A_49, %add3A_62 : vector<1024x128xi1>, vector<1024x128xi32>
    %gt3A_68 = arith.cmpf ogt, %min3A_65, %max3A_52 : vector<1024x128xf32>
    %max3A_69 = arith.maximumf %max3A_52, %min3A_65 : vector<1024x128xf32>
    %min3A_70 = arith.minimumf %max3A_52, %min3A_65 : vector<1024x128xf32>
    %select_n3A_71 = arith.select %gt3A_68, %select_n3A_67, %select_n3A_54 : vector<1024x128xi1>, vector<1024x128xi32>
    %select_n3A_72 = arith.select %gt3A_68, %select_n3A_54, %select_n3A_67 : vector<1024x128xi1>, vector<1024x128xi32>
    %gt3A_73 = arith.cmpf ogt, %min3A_70, %max3A_57 : vector<1024x128xf32>
    %max3A_74 = arith.maximumf %max3A_57, %min3A_70 : vector<1024x128xf32>
    %select_n3A_75 = arith.select %gt3A_73, %select_n3A_72, %select_n3A_58 : vector<1024x128xi1>, vector<1024x128xi32>
    %slice3A_76 = vector.extract_strided_slice %dot_general3A_9 {offsets = [0, 512], sizes = [1024, 128], strides = [1, 1]} : vector<1024x4096xf32> to vector<1024x128xf32>
    %add3A_77 = arith.constant 512 : i32
    %add3A_78 = vector.broadcast %add3A_77 : i32 to vector<1024x128xi32>
    %add3A_79 = arith.addi %iota3A, %add3A_78 : vector<1024x128xi32>
    %gt3A_80 = arith.cmpf ogt, %slice3A_76, %max3A_64 : vector<1024x128xf32>
    %max3A_81 = arith.maximumf %max3A_64, %slice3A_76 : vector<1024x128xf32>
    %min3A_82 = arith.minimumf %max3A_64, %slice3A_76 : vector<1024x128xf32>
    %select_n3A_83 = arith.select %gt3A_80, %add3A_79, %select_n3A_66 : vector<1024x128xi1>, vector<1024x128xi32>
    %select_n3A_84 = arith.select %gt3A_80, %select_n3A_66, %add3A_79 : vector<1024x128xi1>, vector<1024x128xi32>
    %gt3A_85 = arith.cmpf ogt, %min3A_82, %max3A_69 : vector<1024x128xf32>
    %max3A_86 = arith.maximumf %max3A_69, %min3A_82 : vector<1024x128xf32>
    %min3A_87 = arith.minimumf %max3A_69, %min3A_82 : vector<1024x128xf32>
    %select_n3A_88 = arith.select %gt3A_85, %select_n3A_84, %select_n3A_71 : vector<1024x128xi1>, vector<1024x128xi32>
    %select_n3A_89 = arith.select %gt3A_85, %select_n3A_71, %select_n3A_84 : vector<1024x128xi1>, vector<1024x128xi32>
    %gt3A_90 = arith.cmpf ogt, %min3A_87, %max3A_74 : vector<1024x128xf32>
    %max3A_91 = arith.maximumf %max3A_74, %min3A_87 : vector<1024x128xf32>
    %select_n3A_92 = arith.select %gt3A_90, %select_n3A_89, %select_n3A_75 : vector<1024x128xi1>, vector<1024x128xi32>
    %slice3A_93 = vector.extract_strided_slice %dot_general3A_9 {offsets = [0, 640], sizes = [1024, 128], strides = [1, 1]} : vector<1024x4096xf32> to vector<1024x128xf32>
    %add3A_94 = arith.constant 640 : i32
    %add3A_95 = vector.broadcast %add3A_94 : i32 to vector<1024x128xi32>
    %add3A_96 = arith.addi %iota3A, %add3A_95 : vector<1024x128xi32>
    %gt3A_97 = arith.cmpf ogt, %slice3A_93, %max3A_81 : vector<1024x128xf32>
    %max3A_98 = arith.maximumf %max3A_81, %slice3A_93 : vector<1024x128xf32>
    %min3A_99 = arith.minimumf %max3A_81, %slice3A_93 : vector<1024x128xf32>
    %select_n3A_100 = arith.select %gt3A_97, %add3A_96, %select_n3A_83 : vector<1024x128xi1>, vector<1024x128xi32>
    %select_n3A_101 = arith.select %gt3A_97, %select_n3A_83, %add3A_96 : vector<1024x128xi1>, vector<1024x128xi32>
    %gt3A_102 = arith.cmpf ogt, %min3A_99, %max3A_86 : vector<1024x128xf32>
    %max3A_103 = arith.maximumf %max3A_86, %min3A_99 : vector<1024x128xf32>
    %min3A_104 = arith.minimumf %max3A_86, %min3A_99 : vector<1024x128xf32>
    %select_n3A_105 = arith.select %gt3A_102, %select_n3A_101, %select_n3A_88 : vector<1024x128xi1>, vector<1024x128xi32>
    %select_n3A_106 = arith.select %gt3A_102, %select_n3A_88, %select_n3A_101 : vector<1024x128xi1>, vector<1024x128xi32>
    %gt3A_107 = arith.cmpf ogt, %min3A_104, %max3A_91 : vector<1024x128xf32>
    %max3A_108 = arith.maximumf %max3A_91, %min3A_104 : vector<1024x128xf32>
    %select_n3A_109 = arith.select %gt3A_107, %select_n3A_106, %select_n3A_92 : vector<1024x128xi1>, vector<1024x128xi32>
    %slice3A_110 = vector.extract_strided_slice %dot_general3A_9 {offsets = [0, 768], sizes = [1024, 128], strides = [1, 1]} : vector<1024x4096xf32> to vector<1024x128xf32>
    %add3A_111 = arith.constant 768 : i32
    %add3A_112 = vector.broadcast %add3A_111 : i32 to vector<1024x128xi32>
    %add3A_113 = arith.addi %iota3A, %add3A_112 : vector<1024x128xi32>
    %gt3A_114 = arith.cmpf ogt, %slice3A_110, %max3A_98 : vector<1024x128xf32>
    %max3A_115 = arith.maximumf %max3A_98, %slice3A_110 : vector<1024x128xf32>
    %min3A_116 = arith.minimumf %max3A_98, %slice3A_110 : vector<1024x128xf32>
    %select_n3A_117 = arith.select %gt3A_114, %add3A_113, %select_n3A_100 : vector<1024x128xi1>, vector<1024x128xi32>
    %select_n3A_118 = arith.select %gt3A_114, %select_n3A_100, %add3A_113 : vector<1024x128xi1>, vector<1024x128xi32>
    %gt3A_119 = arith.cmpf ogt, %min3A_116, %max3A_103 : vector<1024x128xf32>
    %max3A_120 = arith.maximumf %max3A_103, %min3A_116 : vector<1024x128xf32>
    %min3A_121 = arith.minimumf %max3A_103, %min3A_116 : vector<1024x128xf32>
    %select_n3A_122 = arith.select %gt3A_119, %select_n3A_118, %select_n3A_105 : vector<1024x128xi1>, vector<1024x128xi32>
    %select_n3A_123 = arith.select %gt3A_119, %select_n3A_105, %select_n3A_118 : vector<1024x128xi1>, vector<1024x128xi32>
    %gt3A_124 = arith.cmpf ogt, %min3A_121, %max3A_108 : vector<1024x128xf32>
    %max3A_125 = arith.maximumf %max3A_108, %min3A_121 : vector<1024x128xf32>
    %select_n3A_126 = arith.select %gt3A_124, %select_n3A_123, %select_n3A_109 : vector<1024x128xi1>, vector<1024x128xi32>
    %slice3A_127 = vector.extract_strided_slice %dot_general3A_9 {offsets = [0, 896], sizes = [1024, 128], strides = [1, 1]} : vector<1024x4096xf32> to vector<1024x128xf32>
    %add3A_128 = arith.constant 896 : i32
    %add3A_129 = vector.broadcast %add3A_128 : i32 to vector<1024x128xi32>
    %add3A_130 = arith.addi %iota3A, %add3A_129 : vector<1024x128xi32>
    %gt3A_131 = arith.cmpf ogt, %slice3A_127, %max3A_115 : vector<1024x128xf32>
    %max3A_132 = arith.maximumf %max3A_115, %slice3A_127 : vector<1024x128xf32>
    %min3A_133 = arith.minimumf %max3A_115, %slice3A_127 : vector<1024x128xf32>
    %select_n3A_134 = arith.select %gt3A_131, %add3A_130, %select_n3A_117 : vector<1024x128xi1>, vector<1024x128xi32>
    %select_n3A_135 = arith.select %gt3A_131, %select_n3A_117, %add3A_130 : vector<1024x128xi1>, vector<1024x128xi32>
    %gt3A_136 = arith.cmpf ogt, %min3A_133, %max3A_120 : vector<1024x128xf32>
    %max3A_137 = arith.maximumf %max3A_120, %min3A_133 : vector<1024x128xf32>
    %min3A_138 = arith.minimumf %max3A_120, %min3A_133 : vector<1024x128xf32>
    %select_n3A_139 = arith.select %gt3A_136, %select_n3A_135, %select_n3A_122 : vector<1024x128xi1>, vector<1024x128xi32>
    %select_n3A_140 = arith.select %gt3A_136, %select_n3A_122, %select_n3A_135 : vector<1024x128xi1>, vector<1024x128xi32>
    %gt3A_141 = arith.cmpf ogt, %min3A_138, %max3A_125 : vector<1024x128xf32>
    %max3A_142 = arith.maximumf %max3A_125, %min3A_138 : vector<1024x128xf32>
    %select_n3A_143 = arith.select %gt3A_141, %select_n3A_140, %select_n3A_126 : vector<1024x128xi1>, vector<1024x128xi32>
    %slice3A_144 = vector.extract_strided_slice %dot_general3A_9 {offsets = [0, 1024], sizes = [1024, 128], strides = [1, 1]} : vector<1024x4096xf32> to vector<1024x128xf32>
    %add3A_145 = arith.constant 1024 : i32
    %add3A_146 = vector.broadcast %add3A_145 : i32 to vector<1024x128xi32>
    %add3A_147 = arith.addi %iota3A, %add3A_146 : vector<1024x128xi32>
    %gt3A_148 = arith.cmpf ogt, %slice3A_144, %max3A_132 : vector<1024x128xf32>
    %max3A_149 = arith.maximumf %max3A_132, %slice3A_144 : vector<1024x128xf32>
    %min3A_150 = arith.minimumf %max3A_132, %slice3A_144 : vector<1024x128xf32>
    %select_n3A_151 = arith.select %gt3A_148, %add3A_147, %select_n3A_134 : vector<1024x128xi1>, vector<1024x128xi32>
    %select_n3A_152 = arith.select %gt3A_148, %select_n3A_134, %add3A_147 : vector<1024x128xi1>, vector<1024x128xi32>
    %gt3A_153 = arith.cmpf ogt, %min3A_150, %max3A_137 : vector<1024x128xf32>
    %max3A_154 = arith.maximumf %max3A_137, %min3A_150 : vector<1024x128xf32>
    %min3A_155 = arith.minimumf %max3A_137, %min3A_150 : vector<1024x128xf32>
    %select_n3A_156 = arith.select %gt3A_153, %select_n3A_152, %select_n3A_139 : vector<1024x128xi1>, vector<1024x128xi32>
    %select_n3A_157 = arith.select %gt3A_153, %select_n3A_139, %select_n3A_152 : vector<1024x128xi1>, vector<1024x128xi32>
    %gt3A_158 = arith.cmpf ogt, %min3A_155, %max3A_142 : vector<1024x128xf32>
    %max3A_159 = arith.maximumf %max3A_142, %min3A_155 : vector<1024x128xf32>
    %select_n3A_160 = arith.select %gt3A_158, %select_n3A_157, %select_n3A_143 : vector<1024x128xi1>, vector<1024x128xi32>
    %slice3A_161 = vector.extract_strided_slice %dot_general3A_9 {offsets = [0, 1152], sizes = [1024, 128], strides = [1, 1]} : vector<1024x4096xf32> to vector<1024x128xf32>
    %add3A_162 = arith.constant 1152 : i32
    %add3A_163 = vector.broadcast %add3A_162 : i32 to vector<1024x128xi32>
    %add3A_164 = arith.addi %iota3A, %add3A_163 : vector<1024x128xi32>
    %gt3A_165 = arith.cmpf ogt, %slice3A_161, %max3A_149 : vector<1024x128xf32>
    %max3A_166 = arith.maximumf %max3A_149, %slice3A_161 : vector<1024x128xf32>
    %min3A_167 = arith.minimumf %max3A_149, %slice3A_161 : vector<1024x128xf32>
    %select_n3A_168 = arith.select %gt3A_165, %add3A_164, %select_n3A_151 : vector<1024x128xi1>, vector<1024x128xi32>
    %select_n3A_169 = arith.select %gt3A_165, %select_n3A_151, %add3A_164 : vector<1024x128xi1>, vector<1024x128xi32>
    %gt3A_170 = arith.cmpf ogt, %min3A_167, %max3A_154 : vector<1024x128xf32>
    %max3A_171 = arith.maximumf %max3A_154, %min3A_167 : vector<1024x128xf32>
    %min3A_172 = arith.minimumf %max3A_154, %min3A_167 : vector<1024x128xf32>
    %select_n3A_173 = arith.select %gt3A_170, %select_n3A_169, %select_n3A_156 : vector<1024x128xi1>, vector<1024x128xi32>
    %select_n3A_174 = arith.select %gt3A_170, %select_n3A_156, %select_n3A_169 : vector<1024x128xi1>, vector<1024x128xi32>
    %gt3A_175 = arith.cmpf ogt, %min3A_172, %max3A_159 : vector<1024x128xf32>
    %max3A_176 = arith.maximumf %max3A_159, %min3A_172 : vector<1024x128xf32>
    %select_n3A_177 = arith.select %gt3A_175, %select_n3A_174, %select_n3A_160 : vector<1024x128xi1>, vector<1024x128xi32>
    %slice3A_178 = vector.extract_strided_slice %dot_general3A_9 {offsets = [0, 1280], sizes = [1024, 128], strides = [1, 1]} : vector<1024x4096xf32> to vector<1024x128xf32>
    %add3A_179 = arith.constant 1280 : i32
    %add3A_180 = vector.broadcast %add3A_179 : i32 to vector<1024x128xi32>
    %add3A_181 = arith.addi %iota3A, %add3A_180 : vector<1024x128xi32>
    %gt3A_182 = arith.cmpf ogt, %slice3A_178, %max3A_166 : vector<1024x128xf32>
    %max3A_183 = arith.maximumf %max3A_166, %slice3A_178 : vector<1024x128xf32>
    %min3A_184 = arith.minimumf %max3A_166, %slice3A_178 : vector<1024x128xf32>
    %select_n3A_185 = arith.select %gt3A_182, %add3A_181, %select_n3A_168 : vector<1024x128xi1>, vector<1024x128xi32>
    %select_n3A_186 = arith.select %gt3A_182, %select_n3A_168, %add3A_181 : vector<1024x128xi1>, vector<1024x128xi32>
    %gt3A_187 = arith.cmpf ogt, %min3A_184, %max3A_171 : vector<1024x128xf32>
    %max3A_188 = arith.maximumf %max3A_171, %min3A_184 : vector<1024x128xf32>
    %min3A_189 = arith.minimumf %max3A_171, %min3A_184 : vector<1024x128xf32>
    %select_n3A_190 = arith.select %gt3A_187, %select_n3A_186, %select_n3A_173 : vector<1024x128xi1>, vector<1024x128xi32>
    %select_n3A_191 = arith.select %gt3A_187, %select_n3A_173, %select_n3A_186 : vector<1024x128xi1>, vector<1024x128xi32>
    %gt3A_192 = arith.cmpf ogt, %min3A_189, %max3A_176 : vector<1024x128xf32>
    %max3A_193 = arith.maximumf %max3A_176, %min3A_189 : vector<1024x128xf32>
    %select_n3A_194 = arith.select %gt3A_192, %select_n3A_191, %select_n3A_177 : vector<1024x128xi1>, vector<1024x128xi32>
    %slice3A_195 = vector.extract_strided_slice %dot_general3A_9 {offsets = [0, 1408], sizes = [1024, 128], strides = [1, 1]} : vector<1024x4096xf32> to vector<1024x128xf32>
    %add3A_196 = arith.constant 1408 : i32
    %add3A_197 = vector.broadcast %add3A_196 : i32 to vector<1024x128xi32>
    %add3A_198 = arith.addi %iota3A, %add3A_197 : vector<1024x128xi32>
    %gt3A_199 = arith.cmpf ogt, %slice3A_195, %max3A_183 : vector<1024x128xf32>
    %max3A_200 = arith.maximumf %max3A_183, %slice3A_195 : vector<1024x128xf32>
    %min3A_201 = arith.minimumf %max3A_183, %slice3A_195 : vector<1024x128xf32>
    %select_n3A_202 = arith.select %gt3A_199, %add3A_198, %select_n3A_185 : vector<1024x128xi1>, vector<1024x128xi32>
    %select_n3A_203 = arith.select %gt3A_199, %select_n3A_185, %add3A_198 : vector<1024x128xi1>, vector<1024x128xi32>
    %gt3A_204 = arith.cmpf ogt, %min3A_201, %max3A_188 : vector<1024x128xf32>
    %max3A_205 = arith.maximumf %max3A_188, %min3A_201 : vector<1024x128xf32>
    %min3A_206 = arith.minimumf %max3A_188, %min3A_201 : vector<1024x128xf32>
    %select_n3A_207 = arith.select %gt3A_204, %select_n3A_203, %select_n3A_190 : vector<1024x128xi1>, vector<1024x128xi32>
    %select_n3A_208 = arith.select %gt3A_204, %select_n3A_190, %select_n3A_203 : vector<1024x128xi1>, vector<1024x128xi32>
    %gt3A_209 = arith.cmpf ogt, %min3A_206, %max3A_193 : vector<1024x128xf32>
    %max3A_210 = arith.maximumf %max3A_193, %min3A_206 : vector<1024x128xf32>
    %select_n3A_211 = arith.select %gt3A_209, %select_n3A_208, %select_n3A_194 : vector<1024x128xi1>, vector<1024x128xi32>
    %slice3A_212 = vector.extract_strided_slice %dot_general3A_9 {offsets = [0, 1536], sizes = [1024, 128], strides = [1, 1]} : vector<1024x4096xf32> to vector<1024x128xf32>
    %add3A_213 = arith.constant 1536 : i32
    %add3A_214 = vector.broadcast %add3A_213 : i32 to vector<1024x128xi32>
    %add3A_215 = arith.addi %iota3A, %add3A_214 : vector<1024x128xi32>
    %gt3A_216 = arith.cmpf ogt, %slice3A_212, %max3A_200 : vector<1024x128xf32>
    %max3A_217 = arith.maximumf %max3A_200, %slice3A_212 : vector<1024x128xf32>
    %min3A_218 = arith.minimumf %max3A_200, %slice3A_212 : vector<1024x128xf32>
    %select_n3A_219 = arith.select %gt3A_216, %add3A_215, %select_n3A_202 : vector<1024x128xi1>, vector<1024x128xi32>
    %select_n3A_220 = arith.select %gt3A_216, %select_n3A_202, %add3A_215 : vector<1024x128xi1>, vector<1024x128xi32>
    %gt3A_221 = arith.cmpf ogt, %min3A_218, %max3A_205 : vector<1024x128xf32>
    %max3A_222 = arith.maximumf %max3A_205, %min3A_218 : vector<1024x128xf32>
    %min3A_223 = arith.minimumf %max3A_205, %min3A_218 : vector<1024x128xf32>
    %select_n3A_224 = arith.select %gt3A_221, %select_n3A_220, %select_n3A_207 : vector<1024x128xi1>, vector<1024x128xi32>
    %select_n3A_225 = arith.select %gt3A_221, %select_n3A_207, %select_n3A_220 : vector<1024x128xi1>, vector<1024x128xi32>
    %gt3A_226 = arith.cmpf ogt, %min3A_223, %max3A_210 : vector<1024x128xf32>
    %max3A_227 = arith.maximumf %max3A_210, %min3A_223 : vector<1024x128xf32>
    %select_n3A_228 = arith.select %gt3A_226, %select_n3A_225, %select_n3A_211 : vector<1024x128xi1>, vector<1024x128xi32>
    %slice3A_229 = vector.extract_strided_slice %dot_general3A_9 {offsets = [0, 1664], sizes = [1024, 128], strides = [1, 1]} : vector<1024x4096xf32> to vector<1024x128xf32>
    %add3A_230 = arith.constant 1664 : i32
    %add3A_231 = vector.broadcast %add3A_230 : i32 to vector<1024x128xi32>
    %add3A_232 = arith.addi %iota3A, %add3A_231 : vector<1024x128xi32>
    %gt3A_233 = arith.cmpf ogt, %slice3A_229, %max3A_217 : vector<1024x128xf32>
    %max3A_234 = arith.maximumf %max3A_217, %slice3A_229 : vector<1024x128xf32>
    %min3A_235 = arith.minimumf %max3A_217, %slice3A_229 : vector<1024x128xf32>
    %select_n3A_236 = arith.select %gt3A_233, %add3A_232, %select_n3A_219 : vector<1024x128xi1>, vector<1024x128xi32>
    %select_n3A_237 = arith.select %gt3A_233, %select_n3A_219, %add3A_232 : vector<1024x128xi1>, vector<1024x128xi32>
    %gt3A_238 = arith.cmpf ogt, %min3A_235, %max3A_222 : vector<1024x128xf32>
    %max3A_239 = arith.maximumf %max3A_222, %min3A_235 : vector<1024x128xf32>
    %min3A_240 = arith.minimumf %max3A_222, %min3A_235 : vector<1024x128xf32>
    %select_n3A_241 = arith.select %gt3A_238, %select_n3A_237, %select_n3A_224 : vector<1024x128xi1>, vector<1024x128xi32>
    %select_n3A_242 = arith.select %gt3A_238, %select_n3A_224, %select_n3A_237 : vector<1024x128xi1>, vector<1024x128xi32>
    %gt3A_243 = arith.cmpf ogt, %min3A_240, %max3A_227 : vector<1024x128xf32>
    %max3A_244 = arith.maximumf %max3A_227, %min3A_240 : vector<1024x128xf32>
    %select_n3A_245 = arith.select %gt3A_243, %select_n3A_242, %select_n3A_228 : vector<1024x128xi1>, vector<1024x128xi32>
    %slice3A_246 = vector.extract_strided_slice %dot_general3A_9 {offsets = [0, 1792], sizes = [1024, 128], strides = [1, 1]} : vector<1024x4096xf32> to vector<1024x128xf32>
    %add3A_247 = arith.constant 1792 : i32
    %add3A_248 = vector.broadcast %add3A_247 : i32 to vector<1024x128xi32>
    %add3A_249 = arith.addi %iota3A, %add3A_248 : vector<1024x128xi32>
    %gt3A_250 = arith.cmpf ogt, %slice3A_246, %max3A_234 : vector<1024x128xf32>
    %max3A_251 = arith.maximumf %max3A_234, %slice3A_246 : vector<1024x128xf32>
    %min3A_252 = arith.minimumf %max3A_234, %slice3A_246 : vector<1024x128xf32>
    %select_n3A_253 = arith.select %gt3A_250, %add3A_249, %select_n3A_236 : vector<1024x128xi1>, vector<1024x128xi32>
    %select_n3A_254 = arith.select %gt3A_250, %select_n3A_236, %add3A_249 : vector<1024x128xi1>, vector<1024x128xi32>
    %gt3A_255 = arith.cmpf ogt, %min3A_252, %max3A_239 : vector<1024x128xf32>
    %max3A_256 = arith.maximumf %max3A_239, %min3A_252 : vector<1024x128xf32>
    %min3A_257 = arith.minimumf %max3A_239, %min3A_252 : vector<1024x128xf32>
    %select_n3A_258 = arith.select %gt3A_255, %select_n3A_254, %select_n3A_241 : vector<1024x128xi1>, vector<1024x128xi32>
    %select_n3A_259 = arith.select %gt3A_255, %select_n3A_241, %select_n3A_254 : vector<1024x128xi1>, vector<1024x128xi32>
    %gt3A_260 = arith.cmpf ogt, %min3A_257, %max3A_244 : vector<1024x128xf32>
    %max3A_261 = arith.maximumf %max3A_244, %min3A_257 : vector<1024x128xf32>
    %select_n3A_262 = arith.select %gt3A_260, %select_n3A_259, %select_n3A_245 : vector<1024x128xi1>, vector<1024x128xi32>
    %slice3A_263 = vector.extract_strided_slice %dot_general3A_9 {offsets = [0, 1920], sizes = [1024, 128], strides = [1, 1]} : vector<1024x4096xf32> to vector<1024x128xf32>
    %add3A_264 = arith.constant 1920 : i32
    %add3A_265 = vector.broadcast %add3A_264 : i32 to vector<1024x128xi32>
    %add3A_266 = arith.addi %iota3A, %add3A_265 : vector<1024x128xi32>
    %gt3A_267 = arith.cmpf ogt, %slice3A_263, %max3A_251 : vector<1024x128xf32>
    %max3A_268 = arith.maximumf %max3A_251, %slice3A_263 : vector<1024x128xf32>
    %min3A_269 = arith.minimumf %max3A_251, %slice3A_263 : vector<1024x128xf32>
    %select_n3A_270 = arith.select %gt3A_267, %add3A_266, %select_n3A_253 : vector<1024x128xi1>, vector<1024x128xi32>
    %select_n3A_271 = arith.select %gt3A_267, %select_n3A_253, %add3A_266 : vector<1024x128xi1>, vector<1024x128xi32>
    %gt3A_272 = arith.cmpf ogt, %min3A_269, %max3A_256 : vector<1024x128xf32>
    %max3A_273 = arith.maximumf %max3A_256, %min3A_269 : vector<1024x128xf32>
    %min3A_274 = arith.minimumf %max3A_256, %min3A_269 : vector<1024x128xf32>
    %select_n3A_275 = arith.select %gt3A_272, %select_n3A_271, %select_n3A_258 : vector<1024x128xi1>, vector<1024x128xi32>
    %select_n3A_276 = arith.select %gt3A_272, %select_n3A_258, %select_n3A_271 : vector<1024x128xi1>, vector<1024x128xi32>
    %gt3A_277 = arith.cmpf ogt, %min3A_274, %max3A_261 : vector<1024x128xf32>
    %max3A_278 = arith.maximumf %max3A_261, %min3A_274 : vector<1024x128xf32>
    %select_n3A_279 = arith.select %gt3A_277, %select_n3A_276, %select_n3A_262 : vector<1024x128xi1>, vector<1024x128xi32>
    %slice3A_280 = vector.extract_strided_slice %dot_general3A_9 {offsets = [0, 2048], sizes = [1024, 128], strides = [1, 1]} : vector<1024x4096xf32> to vector<1024x128xf32>
    %add3A_281 = arith.constant 2048 : i32
    %add3A_282 = vector.broadcast %add3A_281 : i32 to vector<1024x128xi32>
    %add3A_283 = arith.addi %iota3A, %add3A_282 : vector<1024x128xi32>
    %gt3A_284 = arith.cmpf ogt, %slice3A_280, %max3A_268 : vector<1024x128xf32>
    %max3A_285 = arith.maximumf %max3A_268, %slice3A_280 : vector<1024x128xf32>
    %min3A_286 = arith.minimumf %max3A_268, %slice3A_280 : vector<1024x128xf32>
    %select_n3A_287 = arith.select %gt3A_284, %add3A_283, %select_n3A_270 : vector<1024x128xi1>, vector<1024x128xi32>
    %select_n3A_288 = arith.select %gt3A_284, %select_n3A_270, %add3A_283 : vector<1024x128xi1>, vector<1024x128xi32>
    %gt3A_289 = arith.cmpf ogt, %min3A_286, %max3A_273 : vector<1024x128xf32>
    %max3A_290 = arith.maximumf %max3A_273, %min3A_286 : vector<1024x128xf32>
    %min3A_291 = arith.minimumf %max3A_273, %min3A_286 : vector<1024x128xf32>
    %select_n3A_292 = arith.select %gt3A_289, %select_n3A_288, %select_n3A_275 : vector<1024x128xi1>, vector<1024x128xi32>
    %select_n3A_293 = arith.select %gt3A_289, %select_n3A_275, %select_n3A_288 : vector<1024x128xi1>, vector<1024x128xi32>
    %gt3A_294 = arith.cmpf ogt, %min3A_291, %max3A_278 : vector<1024x128xf32>
    %max3A_295 = arith.maximumf %max3A_278, %min3A_291 : vector<1024x128xf32>
    %select_n3A_296 = arith.select %gt3A_294, %select_n3A_293, %select_n3A_279 : vector<1024x128xi1>, vector<1024x128xi32>
    %slice3A_297 = vector.extract_strided_slice %dot_general3A_9 {offsets = [0, 2176], sizes = [1024, 128], strides = [1, 1]} : vector<1024x4096xf32> to vector<1024x128xf32>
    %add3A_298 = arith.constant 2176 : i32
    %add3A_299 = vector.broadcast %add3A_298 : i32 to vector<1024x128xi32>
    %add3A_300 = arith.addi %iota3A, %add3A_299 : vector<1024x128xi32>
    %gt3A_301 = arith.cmpf ogt, %slice3A_297, %max3A_285 : vector<1024x128xf32>
    %max3A_302 = arith.maximumf %max3A_285, %slice3A_297 : vector<1024x128xf32>
    %min3A_303 = arith.minimumf %max3A_285, %slice3A_297 : vector<1024x128xf32>
    %select_n3A_304 = arith.select %gt3A_301, %add3A_300, %select_n3A_287 : vector<1024x128xi1>, vector<1024x128xi32>
    %select_n3A_305 = arith.select %gt3A_301, %select_n3A_287, %add3A_300 : vector<1024x128xi1>, vector<1024x128xi32>
    %gt3A_306 = arith.cmpf ogt, %min3A_303, %max3A_290 : vector<1024x128xf32>
    %max3A_307 = arith.maximumf %max3A_290, %min3A_303 : vector<1024x128xf32>
    %min3A_308 = arith.minimumf %max3A_290, %min3A_303 : vector<1024x128xf32>
    %select_n3A_309 = arith.select %gt3A_306, %select_n3A_305, %select_n3A_292 : vector<1024x128xi1>, vector<1024x128xi32>
    %select_n3A_310 = arith.select %gt3A_306, %select_n3A_292, %select_n3A_305 : vector<1024x128xi1>, vector<1024x128xi32>
    %gt3A_311 = arith.cmpf ogt, %min3A_308, %max3A_295 : vector<1024x128xf32>
    %max3A_312 = arith.maximumf %max3A_295, %min3A_308 : vector<1024x128xf32>
    %select_n3A_313 = arith.select %gt3A_311, %select_n3A_310, %select_n3A_296 : vector<1024x128xi1>, vector<1024x128xi32>
    %slice3A_314 = vector.extract_strided_slice %dot_general3A_9 {offsets = [0, 2304], sizes = [1024, 128], strides = [1, 1]} : vector<1024x4096xf32> to vector<1024x128xf32>
    %add3A_315 = arith.constant 2304 : i32
    %add3A_316 = vector.broadcast %add3A_315 : i32 to vector<1024x128xi32>
    %add3A_317 = arith.addi %iota3A, %add3A_316 : vector<1024x128xi32>
    %gt3A_318 = arith.cmpf ogt, %slice3A_314, %max3A_302 : vector<1024x128xf32>
    %max3A_319 = arith.maximumf %max3A_302, %slice3A_314 : vector<1024x128xf32>
    %min3A_320 = arith.minimumf %max3A_302, %slice3A_314 : vector<1024x128xf32>
    %select_n3A_321 = arith.select %gt3A_318, %add3A_317, %select_n3A_304 : vector<1024x128xi1>, vector<1024x128xi32>
    %select_n3A_322 = arith.select %gt3A_318, %select_n3A_304, %add3A_317 : vector<1024x128xi1>, vector<1024x128xi32>
    %gt3A_323 = arith.cmpf ogt, %min3A_320, %max3A_307 : vector<1024x128xf32>
    %max3A_324 = arith.maximumf %max3A_307, %min3A_320 : vector<1024x128xf32>
    %min3A_325 = arith.minimumf %max3A_307, %min3A_320 : vector<1024x128xf32>
    %select_n3A_326 = arith.select %gt3A_323, %select_n3A_322, %select_n3A_309 : vector<1024x128xi1>, vector<1024x128xi32>
    %select_n3A_327 = arith.select %gt3A_323, %select_n3A_309, %select_n3A_322 : vector<1024x128xi1>, vector<1024x128xi32>
    %gt3A_328 = arith.cmpf ogt, %min3A_325, %max3A_312 : vector<1024x128xf32>
    %max3A_329 = arith.maximumf %max3A_312, %min3A_325 : vector<1024x128xf32>
    %select_n3A_330 = arith.select %gt3A_328, %select_n3A_327, %select_n3A_313 : vector<1024x128xi1>, vector<1024x128xi32>
    %slice3A_331 = vector.extract_strided_slice %dot_general3A_9 {offsets = [0, 2432], sizes = [1024, 128], strides = [1, 1]} : vector<1024x4096xf32> to vector<1024x128xf32>
    %add3A_332 = arith.constant 2432 : i32
    %add3A_333 = vector.broadcast %add3A_332 : i32 to vector<1024x128xi32>
    %add3A_334 = arith.addi %iota3A, %add3A_333 : vector<1024x128xi32>
    %gt3A_335 = arith.cmpf ogt, %slice3A_331, %max3A_319 : vector<1024x128xf32>
    %max3A_336 = arith.maximumf %max3A_319, %slice3A_331 : vector<1024x128xf32>
    %min3A_337 = arith.minimumf %max3A_319, %slice3A_331 : vector<1024x128xf32>
    %select_n3A_338 = arith.select %gt3A_335, %add3A_334, %select_n3A_321 : vector<1024x128xi1>, vector<1024x128xi32>
    %select_n3A_339 = arith.select %gt3A_335, %select_n3A_321, %add3A_334 : vector<1024x128xi1>, vector<1024x128xi32>
    %gt3A_340 = arith.cmpf ogt, %min3A_337, %max3A_324 : vector<1024x128xf32>
    %max3A_341 = arith.maximumf %max3A_324, %min3A_337 : vector<1024x128xf32>
    %min3A_342 = arith.minimumf %max3A_324, %min3A_337 : vector<1024x128xf32>
    %select_n3A_343 = arith.select %gt3A_340, %select_n3A_339, %select_n3A_326 : vector<1024x128xi1>, vector<1024x128xi32>
    %select_n3A_344 = arith.select %gt3A_340, %select_n3A_326, %select_n3A_339 : vector<1024x128xi1>, vector<1024x128xi32>
    %gt3A_345 = arith.cmpf ogt, %min3A_342, %max3A_329 : vector<1024x128xf32>
    %max3A_346 = arith.maximumf %max3A_329, %min3A_342 : vector<1024x128xf32>
    %select_n3A_347 = arith.select %gt3A_345, %select_n3A_344, %select_n3A_330 : vector<1024x128xi1>, vector<1024x128xi32>
    %slice3A_348 = vector.extract_strided_slice %dot_general3A_9 {offsets = [0, 2560], sizes = [1024, 128], strides = [1, 1]} : vector<1024x4096xf32> to vector<1024x128xf32>
    %add3A_349 = arith.constant 2560 : i32
    %add3A_350 = vector.broadcast %add3A_349 : i32 to vector<1024x128xi32>
    %add3A_351 = arith.addi %iota3A, %add3A_350 : vector<1024x128xi32>
    %gt3A_352 = arith.cmpf ogt, %slice3A_348, %max3A_336 : vector<1024x128xf32>
    %max3A_353 = arith.maximumf %max3A_336, %slice3A_348 : vector<1024x128xf32>
    %min3A_354 = arith.minimumf %max3A_336, %slice3A_348 : vector<1024x128xf32>
    %select_n3A_355 = arith.select %gt3A_352, %add3A_351, %select_n3A_338 : vector<1024x128xi1>, vector<1024x128xi32>
    %select_n3A_356 = arith.select %gt3A_352, %select_n3A_338, %add3A_351 : vector<1024x128xi1>, vector<1024x128xi32>
    %gt3A_357 = arith.cmpf ogt, %min3A_354, %max3A_341 : vector<1024x128xf32>
    %max3A_358 = arith.maximumf %max3A_341, %min3A_354 : vector<1024x128xf32>
    %min3A_359 = arith.minimumf %max3A_341, %min3A_354 : vector<1024x128xf32>
    %select_n3A_360 = arith.select %gt3A_357, %select_n3A_356, %select_n3A_343 : vector<1024x128xi1>, vector<1024x128xi32>
    %select_n3A_361 = arith.select %gt3A_357, %select_n3A_343, %select_n3A_356 : vector<1024x128xi1>, vector<1024x128xi32>
    %gt3A_362 = arith.cmpf ogt, %min3A_359, %max3A_346 : vector<1024x128xf32>
    %max3A_363 = arith.maximumf %max3A_346, %min3A_359 : vector<1024x128xf32>
    %select_n3A_364 = arith.select %gt3A_362, %select_n3A_361, %select_n3A_347 : vector<1024x128xi1>, vector<1024x128xi32>
    %slice3A_365 = vector.extract_strided_slice %dot_general3A_9 {offsets = [0, 2688], sizes = [1024, 128], strides = [1, 1]} : vector<1024x4096xf32> to vector<1024x128xf32>
    %add3A_366 = arith.constant 2688 : i32
    %add3A_367 = vector.broadcast %add3A_366 : i32 to vector<1024x128xi32>
    %add3A_368 = arith.addi %iota3A, %add3A_367 : vector<1024x128xi32>
    %gt3A_369 = arith.cmpf ogt, %slice3A_365, %max3A_353 : vector<1024x128xf32>
    %max3A_370 = arith.maximumf %max3A_353, %slice3A_365 : vector<1024x128xf32>
    %min3A_371 = arith.minimumf %max3A_353, %slice3A_365 : vector<1024x128xf32>
    %select_n3A_372 = arith.select %gt3A_369, %add3A_368, %select_n3A_355 : vector<1024x128xi1>, vector<1024x128xi32>
    %select_n3A_373 = arith.select %gt3A_369, %select_n3A_355, %add3A_368 : vector<1024x128xi1>, vector<1024x128xi32>
    %gt3A_374 = arith.cmpf ogt, %min3A_371, %max3A_358 : vector<1024x128xf32>
    %max3A_375 = arith.maximumf %max3A_358, %min3A_371 : vector<1024x128xf32>
    %min3A_376 = arith.minimumf %max3A_358, %min3A_371 : vector<1024x128xf32>
    %select_n3A_377 = arith.select %gt3A_374, %select_n3A_373, %select_n3A_360 : vector<1024x128xi1>, vector<1024x128xi32>
    %select_n3A_378 = arith.select %gt3A_374, %select_n3A_360, %select_n3A_373 : vector<1024x128xi1>, vector<1024x128xi32>
    %gt3A_379 = arith.cmpf ogt, %min3A_376, %max3A_363 : vector<1024x128xf32>
    %max3A_380 = arith.maximumf %max3A_363, %min3A_376 : vector<1024x128xf32>
    %select_n3A_381 = arith.select %gt3A_379, %select_n3A_378, %select_n3A_364 : vector<1024x128xi1>, vector<1024x128xi32>
    %slice3A_382 = vector.extract_strided_slice %dot_general3A_9 {offsets = [0, 2816], sizes = [1024, 128], strides = [1, 1]} : vector<1024x4096xf32> to vector<1024x128xf32>
    %add3A_383 = arith.constant 2816 : i32
    %add3A_384 = vector.broadcast %add3A_383 : i32 to vector<1024x128xi32>
    %add3A_385 = arith.addi %iota3A, %add3A_384 : vector<1024x128xi32>
    %gt3A_386 = arith.cmpf ogt, %slice3A_382, %max3A_370 : vector<1024x128xf32>
    %max3A_387 = arith.maximumf %max3A_370, %slice3A_382 : vector<1024x128xf32>
    %min3A_388 = arith.minimumf %max3A_370, %slice3A_382 : vector<1024x128xf32>
    %select_n3A_389 = arith.select %gt3A_386, %add3A_385, %select_n3A_372 : vector<1024x128xi1>, vector<1024x128xi32>
    %select_n3A_390 = arith.select %gt3A_386, %select_n3A_372, %add3A_385 : vector<1024x128xi1>, vector<1024x128xi32>
    %gt3A_391 = arith.cmpf ogt, %min3A_388, %max3A_375 : vector<1024x128xf32>
    %max3A_392 = arith.maximumf %max3A_375, %min3A_388 : vector<1024x128xf32>
    %min3A_393 = arith.minimumf %max3A_375, %min3A_388 : vector<1024x128xf32>
    %select_n3A_394 = arith.select %gt3A_391, %select_n3A_390, %select_n3A_377 : vector<1024x128xi1>, vector<1024x128xi32>
    %select_n3A_395 = arith.select %gt3A_391, %select_n3A_377, %select_n3A_390 : vector<1024x128xi1>, vector<1024x128xi32>
    %gt3A_396 = arith.cmpf ogt, %min3A_393, %max3A_380 : vector<1024x128xf32>
    %max3A_397 = arith.maximumf %max3A_380, %min3A_393 : vector<1024x128xf32>
    %select_n3A_398 = arith.select %gt3A_396, %select_n3A_395, %select_n3A_381 : vector<1024x128xi1>, vector<1024x128xi32>
    %slice3A_399 = vector.extract_strided_slice %dot_general3A_9 {offsets = [0, 2944], sizes = [1024, 128], strides = [1, 1]} : vector<1024x4096xf32> to vector<1024x128xf32>
    %add3A_400 = arith.constant 2944 : i32
    %add3A_401 = vector.broadcast %add3A_400 : i32 to vector<1024x128xi32>
    %add3A_402 = arith.addi %iota3A, %add3A_401 : vector<1024x128xi32>
    %gt3A_403 = arith.cmpf ogt, %slice3A_399, %max3A_387 : vector<1024x128xf32>
    %max3A_404 = arith.maximumf %max3A_387, %slice3A_399 : vector<1024x128xf32>
    %min3A_405 = arith.minimumf %max3A_387, %slice3A_399 : vector<1024x128xf32>
    %select_n3A_406 = arith.select %gt3A_403, %add3A_402, %select_n3A_389 : vector<1024x128xi1>, vector<1024x128xi32>
    %select_n3A_407 = arith.select %gt3A_403, %select_n3A_389, %add3A_402 : vector<1024x128xi1>, vector<1024x128xi32>
    %gt3A_408 = arith.cmpf ogt, %min3A_405, %max3A_392 : vector<1024x128xf32>
    %max3A_409 = arith.maximumf %max3A_392, %min3A_405 : vector<1024x128xf32>
    %min3A_410 = arith.minimumf %max3A_392, %min3A_405 : vector<1024x128xf32>
    %select_n3A_411 = arith.select %gt3A_408, %select_n3A_407, %select_n3A_394 : vector<1024x128xi1>, vector<1024x128xi32>
    %select_n3A_412 = arith.select %gt3A_408, %select_n3A_394, %select_n3A_407 : vector<1024x128xi1>, vector<1024x128xi32>
    %gt3A_413 = arith.cmpf ogt, %min3A_410, %max3A_397 : vector<1024x128xf32>
    %max3A_414 = arith.maximumf %max3A_397, %min3A_410 : vector<1024x128xf32>
    %select_n3A_415 = arith.select %gt3A_413, %select_n3A_412, %select_n3A_398 : vector<1024x128xi1>, vector<1024x128xi32>
    %slice3A_416 = vector.extract_strided_slice %dot_general3A_9 {offsets = [0, 3072], sizes = [1024, 128], strides = [1, 1]} : vector<1024x4096xf32> to vector<1024x128xf32>
    %add3A_417 = arith.constant 3072 : i32
    %add3A_418 = vector.broadcast %add3A_417 : i32 to vector<1024x128xi32>
    %add3A_419 = arith.addi %iota3A, %add3A_418 : vector<1024x128xi32>
    %gt3A_420 = arith.cmpf ogt, %slice3A_416, %max3A_404 : vector<1024x128xf32>
    %max3A_421 = arith.maximumf %max3A_404, %slice3A_416 : vector<1024x128xf32>
    %min3A_422 = arith.minimumf %max3A_404, %slice3A_416 : vector<1024x128xf32>
    %select_n3A_423 = arith.select %gt3A_420, %add3A_419, %select_n3A_406 : vector<1024x128xi1>, vector<1024x128xi32>
    %select_n3A_424 = arith.select %gt3A_420, %select_n3A_406, %add3A_419 : vector<1024x128xi1>, vector<1024x128xi32>
    %gt3A_425 = arith.cmpf ogt, %min3A_422, %max3A_409 : vector<1024x128xf32>
    %max3A_426 = arith.maximumf %max3A_409, %min3A_422 : vector<1024x128xf32>
    %min3A_427 = arith.minimumf %max3A_409, %min3A_422 : vector<1024x128xf32>
    %select_n3A_428 = arith.select %gt3A_425, %select_n3A_424, %select_n3A_411 : vector<1024x128xi1>, vector<1024x128xi32>
    %select_n3A_429 = arith.select %gt3A_425, %select_n3A_411, %select_n3A_424 : vector<1024x128xi1>, vector<1024x128xi32>
    %gt3A_430 = arith.cmpf ogt, %min3A_427, %max3A_414 : vector<1024x128xf32>
    %max3A_431 = arith.maximumf %max3A_414, %min3A_427 : vector<1024x128xf32>
    %select_n3A_432 = arith.select %gt3A_430, %select_n3A_429, %select_n3A_415 : vector<1024x128xi1>, vector<1024x128xi32>
    %slice3A_433 = vector.extract_strided_slice %dot_general3A_9 {offsets = [0, 3200], sizes = [1024, 128], strides = [1, 1]} : vector<1024x4096xf32> to vector<1024x128xf32>
    %add3A_434 = arith.constant 3200 : i32
    %add3A_435 = vector.broadcast %add3A_434 : i32 to vector<1024x128xi32>
    %add3A_436 = arith.addi %iota3A, %add3A_435 : vector<1024x128xi32>
    %gt3A_437 = arith.cmpf ogt, %slice3A_433, %max3A_421 : vector<1024x128xf32>
    %max3A_438 = arith.maximumf %max3A_421, %slice3A_433 : vector<1024x128xf32>
    %min3A_439 = arith.minimumf %max3A_421, %slice3A_433 : vector<1024x128xf32>
    %select_n3A_440 = arith.select %gt3A_437, %add3A_436, %select_n3A_423 : vector<1024x128xi1>, vector<1024x128xi32>
    %select_n3A_441 = arith.select %gt3A_437, %select_n3A_423, %add3A_436 : vector<1024x128xi1>, vector<1024x128xi32>
    %gt3A_442 = arith.cmpf ogt, %min3A_439, %max3A_426 : vector<1024x128xf32>
    %max3A_443 = arith.maximumf %max3A_426, %min3A_439 : vector<1024x128xf32>
    %min3A_444 = arith.minimumf %max3A_426, %min3A_439 : vector<1024x128xf32>
    %select_n3A_445 = arith.select %gt3A_442, %select_n3A_441, %select_n3A_428 : vector<1024x128xi1>, vector<1024x128xi32>
    %select_n3A_446 = arith.select %gt3A_442, %select_n3A_428, %select_n3A_441 : vector<1024x128xi1>, vector<1024x128xi32>
    %gt3A_447 = arith.cmpf ogt, %min3A_444, %max3A_431 : vector<1024x128xf32>
    %max3A_448 = arith.maximumf %max3A_431, %min3A_444 : vector<1024x128xf32>
    %select_n3A_449 = arith.select %gt3A_447, %select_n3A_446, %select_n3A_432 : vector<1024x128xi1>, vector<1024x128xi32>
    %slice3A_450 = vector.extract_strided_slice %dot_general3A_9 {offsets = [0, 3328], sizes = [1024, 128], strides = [1, 1]} : vector<1024x4096xf32> to vector<1024x128xf32>
    %add3A_451 = arith.constant 3328 : i32
    %add3A_452 = vector.broadcast %add3A_451 : i32 to vector<1024x128xi32>
    %add3A_453 = arith.addi %iota3A, %add3A_452 : vector<1024x128xi32>
    %gt3A_454 = arith.cmpf ogt, %slice3A_450, %max3A_438 : vector<1024x128xf32>
    %max3A_455 = arith.maximumf %max3A_438, %slice3A_450 : vector<1024x128xf32>
    %min3A_456 = arith.minimumf %max3A_438, %slice3A_450 : vector<1024x128xf32>
    %select_n3A_457 = arith.select %gt3A_454, %add3A_453, %select_n3A_440 : vector<1024x128xi1>, vector<1024x128xi32>
    %select_n3A_458 = arith.select %gt3A_454, %select_n3A_440, %add3A_453 : vector<1024x128xi1>, vector<1024x128xi32>
    %gt3A_459 = arith.cmpf ogt, %min3A_456, %max3A_443 : vector<1024x128xf32>
    %max3A_460 = arith.maximumf %max3A_443, %min3A_456 : vector<1024x128xf32>
    %min3A_461 = arith.minimumf %max3A_443, %min3A_456 : vector<1024x128xf32>
    %select_n3A_462 = arith.select %gt3A_459, %select_n3A_458, %select_n3A_445 : vector<1024x128xi1>, vector<1024x128xi32>
    %select_n3A_463 = arith.select %gt3A_459, %select_n3A_445, %select_n3A_458 : vector<1024x128xi1>, vector<1024x128xi32>
    %gt3A_464 = arith.cmpf ogt, %min3A_461, %max3A_448 : vector<1024x128xf32>
    %max3A_465 = arith.maximumf %max3A_448, %min3A_461 : vector<1024x128xf32>
    %select_n3A_466 = arith.select %gt3A_464, %select_n3A_463, %select_n3A_449 : vector<1024x128xi1>, vector<1024x128xi32>
    %slice3A_467 = vector.extract_strided_slice %dot_general3A_9 {offsets = [0, 3456], sizes = [1024, 128], strides = [1, 1]} : vector<1024x4096xf32> to vector<1024x128xf32>
    %add3A_468 = arith.constant 3456 : i32
    %add3A_469 = vector.broadcast %add3A_468 : i32 to vector<1024x128xi32>
    %add3A_470 = arith.addi %iota3A, %add3A_469 : vector<1024x128xi32>
    %gt3A_471 = arith.cmpf ogt, %slice3A_467, %max3A_455 : vector<1024x128xf32>
    %max3A_472 = arith.maximumf %max3A_455, %slice3A_467 : vector<1024x128xf32>
    %min3A_473 = arith.minimumf %max3A_455, %slice3A_467 : vector<1024x128xf32>
    %select_n3A_474 = arith.select %gt3A_471, %add3A_470, %select_n3A_457 : vector<1024x128xi1>, vector<1024x128xi32>
    %select_n3A_475 = arith.select %gt3A_471, %select_n3A_457, %add3A_470 : vector<1024x128xi1>, vector<1024x128xi32>
    %gt3A_476 = arith.cmpf ogt, %min3A_473, %max3A_460 : vector<1024x128xf32>
    %max3A_477 = arith.maximumf %max3A_460, %min3A_473 : vector<1024x128xf32>
    %min3A_478 = arith.minimumf %max3A_460, %min3A_473 : vector<1024x128xf32>
    %select_n3A_479 = arith.select %gt3A_476, %select_n3A_475, %select_n3A_462 : vector<1024x128xi1>, vector<1024x128xi32>
    %select_n3A_480 = arith.select %gt3A_476, %select_n3A_462, %select_n3A_475 : vector<1024x128xi1>, vector<1024x128xi32>
    %gt3A_481 = arith.cmpf ogt, %min3A_478, %max3A_465 : vector<1024x128xf32>
    %max3A_482 = arith.maximumf %max3A_465, %min3A_478 : vector<1024x128xf32>
    %select_n3A_483 = arith.select %gt3A_481, %select_n3A_480, %select_n3A_466 : vector<1024x128xi1>, vector<1024x128xi32>
    %slice3A_484 = vector.extract_strided_slice %dot_general3A_9 {offsets = [0, 3584], sizes = [1024, 128], strides = [1, 1]} : vector<1024x4096xf32> to vector<1024x128xf32>
    %add3A_485 = arith.constant 3584 : i32
    %add3A_486 = vector.broadcast %add3A_485 : i32 to vector<1024x128xi32>
    %add3A_487 = arith.addi %iota3A, %add3A_486 : vector<1024x128xi32>
    %gt3A_488 = arith.cmpf ogt, %slice3A_484, %max3A_472 : vector<1024x128xf32>
    %max3A_489 = arith.maximumf %max3A_472, %slice3A_484 : vector<1024x128xf32>
    %min3A_490 = arith.minimumf %max3A_472, %slice3A_484 : vector<1024x128xf32>
    %select_n3A_491 = arith.select %gt3A_488, %add3A_487, %select_n3A_474 : vector<1024x128xi1>, vector<1024x128xi32>
    %select_n3A_492 = arith.select %gt3A_488, %select_n3A_474, %add3A_487 : vector<1024x128xi1>, vector<1024x128xi32>
    %gt3A_493 = arith.cmpf ogt, %min3A_490, %max3A_477 : vector<1024x128xf32>
    %max3A_494 = arith.maximumf %max3A_477, %min3A_490 : vector<1024x128xf32>
    %min3A_495 = arith.minimumf %max3A_477, %min3A_490 : vector<1024x128xf32>
    %select_n3A_496 = arith.select %gt3A_493, %select_n3A_492, %select_n3A_479 : vector<1024x128xi1>, vector<1024x128xi32>
    %select_n3A_497 = arith.select %gt3A_493, %select_n3A_479, %select_n3A_492 : vector<1024x128xi1>, vector<1024x128xi32>
    %gt3A_498 = arith.cmpf ogt, %min3A_495, %max3A_482 : vector<1024x128xf32>
    %max3A_499 = arith.maximumf %max3A_482, %min3A_495 : vector<1024x128xf32>
    %select_n3A_500 = arith.select %gt3A_498, %select_n3A_497, %select_n3A_483 : vector<1024x128xi1>, vector<1024x128xi32>
    %slice3A_501 = vector.extract_strided_slice %dot_general3A_9 {offsets = [0, 3712], sizes = [1024, 128], strides = [1, 1]} : vector<1024x4096xf32> to vector<1024x128xf32>
    %add3A_502 = arith.constant 3712 : i32
    %add3A_503 = vector.broadcast %add3A_502 : i32 to vector<1024x128xi32>
    %add3A_504 = arith.addi %iota3A, %add3A_503 : vector<1024x128xi32>
    %gt3A_505 = arith.cmpf ogt, %slice3A_501, %max3A_489 : vector<1024x128xf32>
    %max3A_506 = arith.maximumf %max3A_489, %slice3A_501 : vector<1024x128xf32>
    %min3A_507 = arith.minimumf %max3A_489, %slice3A_501 : vector<1024x128xf32>
    %select_n3A_508 = arith.select %gt3A_505, %add3A_504, %select_n3A_491 : vector<1024x128xi1>, vector<1024x128xi32>
    %select_n3A_509 = arith.select %gt3A_505, %select_n3A_491, %add3A_504 : vector<1024x128xi1>, vector<1024x128xi32>
    %gt3A_510 = arith.cmpf ogt, %min3A_507, %max3A_494 : vector<1024x128xf32>
    %max3A_511 = arith.maximumf %max3A_494, %min3A_507 : vector<1024x128xf32>
    %min3A_512 = arith.minimumf %max3A_494, %min3A_507 : vector<1024x128xf32>
    %select_n3A_513 = arith.select %gt3A_510, %select_n3A_509, %select_n3A_496 : vector<1024x128xi1>, vector<1024x128xi32>
    %select_n3A_514 = arith.select %gt3A_510, %select_n3A_496, %select_n3A_509 : vector<1024x128xi1>, vector<1024x128xi32>
    %gt3A_515 = arith.cmpf ogt, %min3A_512, %max3A_499 : vector<1024x128xf32>
    %max3A_516 = arith.maximumf %max3A_499, %min3A_512 : vector<1024x128xf32>
    %select_n3A_517 = arith.select %gt3A_515, %select_n3A_514, %select_n3A_500 : vector<1024x128xi1>, vector<1024x128xi32>
    %slice3A_518 = vector.extract_strided_slice %dot_general3A_9 {offsets = [0, 3840], sizes = [1024, 128], strides = [1, 1]} : vector<1024x4096xf32> to vector<1024x128xf32>
    %add3A_519 = arith.constant 3840 : i32
    %add3A_520 = vector.broadcast %add3A_519 : i32 to vector<1024x128xi32>
    %add3A_521 = arith.addi %iota3A, %add3A_520 : vector<1024x128xi32>
    %gt3A_522 = arith.cmpf ogt, %slice3A_518, %max3A_506 : vector<1024x128xf32>
    %max3A_523 = arith.maximumf %max3A_506, %slice3A_518 : vector<1024x128xf32>
    %min3A_524 = arith.minimumf %max3A_506, %slice3A_518 : vector<1024x128xf32>
    %select_n3A_525 = arith.select %gt3A_522, %add3A_521, %select_n3A_508 : vector<1024x128xi1>, vector<1024x128xi32>
    %select_n3A_526 = arith.select %gt3A_522, %select_n3A_508, %add3A_521 : vector<1024x128xi1>, vector<1024x128xi32>
    %gt3A_527 = arith.cmpf ogt, %min3A_524, %max3A_511 : vector<1024x128xf32>
    %max3A_528 = arith.maximumf %max3A_511, %min3A_524 : vector<1024x128xf32>
    %min3A_529 = arith.minimumf %max3A_511, %min3A_524 : vector<1024x128xf32>
    %select_n3A_530 = arith.select %gt3A_527, %select_n3A_526, %select_n3A_513 : vector<1024x128xi1>, vector<1024x128xi32>
    %select_n3A_531 = arith.select %gt3A_527, %select_n3A_513, %select_n3A_526 : vector<1024x128xi1>, vector<1024x128xi32>
    %gt3A_532 = arith.cmpf ogt, %min3A_529, %max3A_516 : vector<1024x128xf32>
    %max3A_533 = arith.maximumf %max3A_516, %min3A_529 : vector<1024x128xf32>
    %select_n3A_534 = arith.select %gt3A_532, %select_n3A_531, %select_n3A_517 : vector<1024x128xi1>, vector<1024x128xi32>
    %slice3A_535 = vector.extract_strided_slice %dot_general3A_9 {offsets = [0, 3968], sizes = [1024, 128], strides = [1, 1]} : vector<1024x4096xf32> to vector<1024x128xf32>
    %add3A_536 = arith.constant 3968 : i32
    %add3A_537 = vector.broadcast %add3A_536 : i32 to vector<1024x128xi32>
    %add3A_538 = arith.addi %iota3A, %add3A_537 : vector<1024x128xi32>
    %gt3A_539 = arith.cmpf ogt, %slice3A_535, %max3A_523 : vector<1024x128xf32>
    %max3A_540 = arith.maximumf %max3A_523, %slice3A_535 : vector<1024x128xf32>
    %min3A_541 = arith.minimumf %max3A_523, %slice3A_535 : vector<1024x128xf32>
    %select_n3A_542 = arith.select %gt3A_539, %add3A_538, %select_n3A_525 : vector<1024x128xi1>, vector<1024x128xi32>
    %select_n3A_543 = arith.select %gt3A_539, %select_n3A_525, %add3A_538 : vector<1024x128xi1>, vector<1024x128xi32>
    %gt3A_544 = arith.cmpf ogt, %min3A_541, %max3A_528 : vector<1024x128xf32>
    %max3A_545 = arith.maximumf %max3A_528, %min3A_541 : vector<1024x128xf32>
    %min3A_546 = arith.minimumf %max3A_528, %min3A_541 : vector<1024x128xf32>
    %select_n3A_547 = arith.select %gt3A_544, %select_n3A_543, %select_n3A_530 : vector<1024x128xi1>, vector<1024x128xi32>
    %select_n3A_548 = arith.select %gt3A_544, %select_n3A_530, %select_n3A_543 : vector<1024x128xi1>, vector<1024x128xi32>
    %gt3A_549 = arith.cmpf ogt, %min3A_546, %max3A_533 : vector<1024x128xf32>
    %max3A_550 = arith.maximumf %max3A_533, %min3A_546 : vector<1024x128xf32>
    %select_n3A_551 = arith.select %gt3A_549, %select_n3A_548, %select_n3A_534 : vector<1024x128xi1>, vector<1024x128xi32>
    %reduce_max3A = arith.constant dense<0xFF800000> : vector<1024xf32>
    %reduce_max3A_552 = vector.multi_reduction <maximumf>, %max3A_540, %reduce_max3A [1] : vector<1024x128xf32> to vector<1024xf32>
    %broadcast_in_dim3A_553 = vector.shape_cast %reduce_max3A_552 : vector<1024xf32> to vector<1024x1xf32>
    %eq3A_554 = vector.broadcast %broadcast_in_dim3A_553 : vector<1024x1xf32> to vector<1024x128xf32>
    %eq3A_555 = arith.cmpf oeq, %max3A_540, %eq3A_554 : vector<1024x128xf32>
    %jit3A = arith.constant 4096 : i32
    %broadcast_in_dim3A_556 = vector.broadcast %jit3A : i32 to vector<1024x128xi32>
    %select_n3A_557 = arith.select %eq3A_555, %select_n3A_542, %broadcast_in_dim3A_556 : vector<1024x128xi1>, vector<1024x128xi32>
    %reduce_min3A = arith.constant dense<2147483647> : vector<1024xi32>
    %reduce_min3A_558 = vector.multi_reduction <minsi>, %select_n3A_557, %reduce_min3A [1] : vector<1024x128xi32> to vector<1024xi32>
    %broadcast_in_dim3A_559 = vector.shape_cast %reduce_min3A_558 : vector<1024xi32> to vector<1024x1xi32>
    %eq3A_560 = vector.broadcast %broadcast_in_dim3A_559 : vector<1024x1xi32> to vector<1024x128xi32>
    %eq3A_561 = arith.cmpi eq, %select_n3A_542, %eq3A_560 : vector<1024x128xi32>
    %select_n3A_562 = arith.select %eq3A_561, %max3A_545, %max3A_540 : vector<1024x128xi1>, vector<1024x128xf32>
    %select_n3A_563 = arith.select %eq3A_561, %select_n3A_547, %select_n3A_542 : vector<1024x128xi1>, vector<1024x128xi32>
    %select_n3A_564 = arith.select %eq3A_561, %max3A_550, %max3A_545 : vector<1024x128xi1>, vector<1024x128xf32>
    %select_n3A_565 = arith.select %eq3A_561, %select_n3A_551, %select_n3A_547 : vector<1024x128xi1>, vector<1024x128xi32>
    %reduce_max3A_566 = arith.constant dense<0xFF800000> : vector<1024xf32>
    %reduce_max3A_567 = vector.multi_reduction <maximumf>, %select_n3A_562, %reduce_max3A_566 [1] : vector<1024x128xf32> to vector<1024xf32>
    %broadcast_in_dim3A_568 = vector.shape_cast %reduce_max3A_567 : vector<1024xf32> to vector<1024x1xf32>
    %eq3A_569 = vector.broadcast %broadcast_in_dim3A_568 : vector<1024x1xf32> to vector<1024x128xf32>
    %eq3A_570 = arith.cmpf oeq, %select_n3A_562, %eq3A_569 : vector<1024x128xf32>
    %jit3A_571 = arith.constant 4096 : i32
    %broadcast_in_dim3A_572 = vector.broadcast %jit3A_571 : i32 to vector<1024x128xi32>
    %select_n3A_573 = arith.select %eq3A_570, %select_n3A_563, %broadcast_in_dim3A_572 : vector<1024x128xi1>, vector<1024x128xi32>
    %reduce_min3A_574 = arith.constant dense<2147483647> : vector<1024xi32>
    %reduce_min3A_575 = vector.multi_reduction <minsi>, %select_n3A_573, %reduce_min3A_574 [1] : vector<1024x128xi32> to vector<1024xi32>
    %broadcast_in_dim3A_576 = vector.shape_cast %reduce_min3A_575 : vector<1024xi32> to vector<1024x1xi32>
    %eq3A_577 = vector.broadcast %broadcast_in_dim3A_576 : vector<1024x1xi32> to vector<1024x128xi32>
    %eq3A_578 = arith.cmpi eq, %select_n3A_563, %eq3A_577 : vector<1024x128xi32>
    %select_n3A_579 = arith.select %eq3A_578, %select_n3A_564, %select_n3A_562 : vector<1024x128xi1>, vector<1024x128xf32>
    %select_n3A_580 = arith.select %eq3A_578, %select_n3A_565, %select_n3A_563 : vector<1024x128xi1>, vector<1024x128xi32>
    %reduce_max3A_581 = arith.constant dense<0xFF800000> : vector<1024xf32>
    %reduce_max3A_582 = vector.multi_reduction <maximumf>, %select_n3A_579, %reduce_max3A_581 [1] : vector<1024x128xf32> to vector<1024xf32>
    %broadcast_in_dim3A_583 = vector.shape_cast %reduce_max3A_582 : vector<1024xf32> to vector<1024x1xf32>
    %eq3A_584 = vector.broadcast %broadcast_in_dim3A_583 : vector<1024x1xf32> to vector<1024x128xf32>
    %eq3A_585 = arith.cmpf oeq, %select_n3A_579, %eq3A_584 : vector<1024x128xf32>
    %jit3A_586 = arith.constant 4096 : i32
    %broadcast_in_dim3A_587 = vector.broadcast %jit3A_586 : i32 to vector<1024x128xi32>
    %select_n3A_588 = arith.select %eq3A_585, %select_n3A_580, %broadcast_in_dim3A_587 : vector<1024x128xi1>, vector<1024x128xi32>
    %reduce_min3A_589 = arith.constant dense<2147483647> : vector<1024xi32>
    %reduce_min3A_590 = vector.multi_reduction <minsi>, %select_n3A_588, %reduce_min3A_589 [1] : vector<1024x128xi32> to vector<1024xi32>
    %broadcast_in_dim3A_591 = arith.constant 1.000000e+00 : f32
    %broadcast_in_dim3A_592 = vector.broadcast %broadcast_in_dim3A_591 : f32 to vector<1024xf32>
    %sub3A = arith.subf %reduce_max3A_567, %reduce_max3A_552 : vector<1024xf32>
    %exp3A = math.exp %sub3A : vector<1024xf32>
    %sub3A_593 = arith.subf %reduce_max3A_582, %reduce_max3A_552 : vector<1024xf32>
    %exp3A_594 = math.exp %sub3A_593 : vector<1024xf32>
    %add3A_595 = arith.addf %broadcast_in_dim3A_592, %exp3A : vector<1024xf32>
    %add3A_596 = arith.addf %add3A_595, %exp3A_594 : vector<1024xf32>
    %div3A = arith.divf %broadcast_in_dim3A_592, %add3A_596 : vector<1024xf32>
    %div3A_597 = arith.divf %exp3A, %add3A_596 : vector<1024xf32>
    %div3A_598 = arith.divf %exp3A_594, %add3A_596 : vector<1024xf32>
    %broadcast_in_dim3A_599 = vector.shape_cast %div3A : vector<1024xf32> to vector<1024x1xf32>
    %broadcast_in_dim3A_600 = vector.shape_cast %div3A_597 : vector<1024xf32> to vector<1024x1xf32>
    %broadcast_in_dim3A_601 = vector.shape_cast %div3A_598 : vector<1024xf32> to vector<1024x1xf32>
    %concatenate3A = tpu.concatenate %broadcast_in_dim3A_599, %broadcast_in_dim3A_600, %broadcast_in_dim3A_601 in 1 : vector<1024x1xf32>, vector<1024x1xf32>, vector<1024x1xf32> -> vector<1024x3xf32>
    %swap3A = arith.constant 0 : index
    %swap3A_602 = arith.constant 0 : index
    %swap3A_603 = vector.load %arg6[%swap3A, %swap3A_602] : memref<1024x3xf32, #tpu.memory_space<vmem>>, vector<1024x3xf32>
    tpu.vector_store %arg6[%swap3A, %swap3A_602], %concatenate3A {strides = array<i32>} : memref<1024x3xf32, #tpu.memory_space<vmem>>, vector<1024x3xf32>,
    %reshape3A = vector.shape_cast %div3A : vector<1024xf32> to vector<8x128xf32>
    %reshape3A_604 = vector.shape_cast %div3A_597 : vector<1024xf32> to vector<8x128xf32>
    %reshape3A_605 = vector.shape_cast %div3A_598 : vector<1024xf32> to vector<8x128xf32>
    %broadcast_in_dim3A_606 = arith.constant 0.000000e+00 : f32
    %broadcast_in_dim3A_607 = vector.broadcast %broadcast_in_dim3A_606 : f32 to vector<8x128xf32>
    %stack3A = vector.shape_cast %reshape3A : vector<8x128xf32> to vector<8x1x128xf32>
    %stack3A_608 = vector.shape_cast %reshape3A_604 : vector<8x128xf32> to vector<8x1x128xf32>
    %stack3A_609 = vector.shape_cast %reshape3A_605 : vector<8x128xf32> to vector<8x1x128xf32>
    %stack3A_610 = vector.shape_cast %broadcast_in_dim3A_607 : vector<8x128xf32> to vector<8x1x128xf32>
    %stack3A_611 = vector.shape_cast %broadcast_in_dim3A_607 : vector<8x128xf32> to vector<8x1x128xf32>
    %stack3A_612 = vector.shape_cast %broadcast_in_dim3A_607 : vector<8x128xf32> to vector<8x1x128xf32>
    %stack3A_613 = vector.shape_cast %broadcast_in_dim3A_607 : vector<8x128xf32> to vector<8x1x128xf32>
    %stack3A_614 = vector.shape_cast %broadcast_in_dim3A_607 : vector<8x128xf32> to vector<8x1x128xf32>
    %stack3A_615 = tpu.concatenate %stack3A, %stack3A_608, %stack3A_609, %stack3A_610, %stack3A_611, %stack3A_612, %stack3A_613, %stack3A_614 in 1 : vector<8x1x128xf32>, vector<8x1x128xf32>, vector<8x1x128xf32>, vector<8x1x128xf32>, vector<8x1x128xf32>, vector<8x1x128xf32>, vector<8x1x128xf32>, vector<8x1x128xf32> -> vector<8x8x128xf32>
    %swap3A_616 = arith.constant 0 : index
    %swap3A_617 = arith.constant 0 : index
    %swap3A_618 = arith.constant 0 : index
    %swap3A_619 = vector.load %arg7[%swap3A_616, %swap3A_617, %swap3A_618] : memref<8x8x128xf32, #tpu.memory_space<vmem>>, vector<8x8x128xf32>
    tpu.vector_store %arg7[%swap3A_616, %swap3A_617, %swap3A_618], %stack3A_615 {strides = array<i32>} : memref<8x8x128xf32, #tpu.memory_space<vmem>>, vector<8x8x128xf32>,
    %reshape3A_620 = vector.shape_cast %reduce_min3A_558 : vector<1024xi32> to vector<8x128xi32>
    %reshape3A_621 = vector.shape_cast %reduce_min3A_575 : vector<1024xi32> to vector<8x128xi32>
    %reshape3A_622 = vector.shape_cast %reduce_min3A_590 : vector<1024xi32> to vector<8x128xi32>
    %broadcast_in_dim3A_623 = arith.constant 0 : i32
    %broadcast_in_dim3A_624 = vector.broadcast %broadcast_in_dim3A_623 : i32 to vector<8x128xi32>
    %stack3A_625 = vector.shape_cast %reshape3A_620 : vector<8x128xi32> to vector<8x1x128xi32>
    %stack3A_626 = vector.shape_cast %reshape3A_621 : vector<8x128xi32> to vector<8x1x128xi32>
    %stack3A_627 = vector.shape_cast %reshape3A_622 : vector<8x128xi32> to vector<8x1x128xi32>
    %stack3A_628 = vector.shape_cast %broadcast_in_dim3A_624 : vector<8x128xi32> to vector<8x1x128xi32>
    %stack3A_629 = vector.shape_cast %broadcast_in_dim3A_624 : vector<8x128xi32> to vector<8x1x128xi32>
    %stack3A_630 = vector.shape_cast %broadcast_in_dim3A_624 : vector<8x128xi32> to vector<8x1x128xi32>
    %stack3A_631 = vector.shape_cast %broadcast_in_dim3A_624 : vector<8x128xi32> to vector<8x1x128xi32>
    %stack3A_632 = vector.shape_cast %broadcast_in_dim3A_624 : vector<8x128xi32> to vector<8x1x128xi32>
    %stack3A_633 = tpu.concatenate %stack3A_625, %stack3A_626, %stack3A_627, %stack3A_628, %stack3A_629, %stack3A_630, %stack3A_631, %stack3A_632 in 1 : vector<8x1x128xi32>, vector<8x1x128xi32>, vector<8x1x128xi32>, vector<8x1x128xi32>, vector<8x1x128xi32>, vector<8x1x128xi32>, vector<8x1x128xi32>, vector<8x1x128xi32> -> vector<8x8x128xi32>
    %swap3A_634 = arith.constant 0 : index
    %swap3A_635 = arith.constant 0 : index
    %swap3A_636 = arith.constant 0 : index
    %swap3A_637 = vector.load %arg8[%swap3A_634, %swap3A_635, %swap3A_636] : memref<8x8x128xi32, #tpu.memory_space<vmem>>, vector<8x8x128xi32>
    tpu.vector_store %arg8[%swap3A_634, %swap3A_635, %swap3A_636], %stack3A_633 {strides = array<i32>} : memref<8x8x128xi32, #tpu.memory_space<vmem>>, vector<8x8x128xi32>,
    return
  }
  func.func @transform_0(%arg0: i32) -> (i32, i32) {
    %c0_i32 = arith.constant 0 : i32
    %c0_i32_0 = arith.constant 0 : i32
    %c0_i32_1 = arith.constant 0 : i32
    return %c0_i32, %c0_i32_0 : i32, i32
  }
  func.func @transform_1(%arg0: i32) -> (i32, i32) {
    %c0_i32 = arith.constant 0 : i32
    %c0_i32_0 = arith.constant 0 : i32
    %c0_i32_1 = arith.constant 0 : i32
    return %c0_i32, %c0_i32_0 : i32, i32
  }
  func.func @transform_2(%arg0: i32) -> i32 {
    %c0_i32 = arith.constant 0 : i32
    %c0_i32_0 = arith.constant 0 : i32
    return %c0_i32 : i32
  }
  func.func @transform_3(%arg0: i32) -> (i32, i32) {
    %c0_i32 = arith.constant 0 : i32
    %c0_i32_0 = arith.constant 0 : i32
    %c0_i32_1 = arith.constant 0 : i32
    return %c0_i32, %c0_i32_0 : i32, i32
  }
  func.func @transform_4(%arg0: i32) -> i32 {
    %c0_i32 = arith.constant 0 : i32
    %c0_i32_0 = arith.constant 0 : i32
    return %c0_i32 : i32
  }
  func.func @transform_5(%arg0: i32) -> (i32, i32) {
    %c0_i32 = arith.constant 0 : i32
    %c0_i32_0 = arith.constant 0 : i32
    return %arg0, %c0_i32 : i32, i32
  }
  func.func @transform_6(%arg0: i32) -> (i32, i32, i32) {
    %c0_i32 = arith.constant 0 : i32
    %c0_i32_0 = arith.constant 0 : i32
    %c0_i32_1 = arith.constant 0 : i32
    return %arg0, %c0_i32, %c0_i32_0 : i32, i32, i32
  }
  func.func @transform_7(%arg0: i32) -> (i32, i32, i32) {
    %c0_i32 = arith.constant 0 : i32
    %c0_i32_0 = arith.constant 0 : i32
    %c0_i32_1 = arith.constant 0 : i32
    return %arg0, %c0_i32, %c0_i32_0 : i32, i32, i32
  }
}

module attributes {stable_mosaic.version = 14 : i64} {
  func.func @_topk_tc_body(%arg0: i32, %arg1: memref<4096x16xf32, #tpu.memory_space<vmem>>, %arg2: memref<16x8xf32, #tpu.memory_space<vmem>>, %arg3: memref<8xf32, #tpu.memory_space<vmem>>, %arg4: memref<8x16xf32, #tpu.memory_space<vmem>>, %arg5: memref<16xf32, #tpu.memory_space<vmem>>, %arg6: memref<1024x3xf32, #tpu.memory_space<vmem>>, %arg7: memref<8x8x128xf32, #tpu.memory_space<vmem>>, %arg8: memref<8x8x128xi32, #tpu.memory_space<vmem>>, %arg9: memref<4096x16xf32, #tpu.memory_space<vmem>>) attributes {dimension_semantics = [#tpu.dimension_semantics<arbitrary>], iteration_bounds = array<i64: 2>, scalar_prefetch = 0 : i64, scratch_operands = 1 : i64, tpu.core_type = #tpu.core_type<tc>, window_params = [{pipeline_mode = #tpu.pipeline_mode<synchronous>, transform_indices = @transform_0, window_bounds = array<i64: 4096, 16>}, {pipeline_mode = #tpu.pipeline_mode<synchronous>, transform_indices = @transform_1, window_bounds = array<i64: 16, 8>}, {pipeline_mode = #tpu.pipeline_mode<synchronous>, transform_indices = @transform_2, window_bounds = array<i64: 8>}, {pipeline_mode = #tpu.pipeline_mode<synchronous>, transform_indices = @transform_3, window_bounds = array<i64: 8, 16>}, {pipeline_mode = #tpu.pipeline_mode<synchronous>, transform_indices = @transform_4, window_bounds = array<i64: 16>}, {transform_indices = @transform_5, window_bounds = array<i64: 1024, 3>}, {transform_indices = @transform_6, window_bounds = array<i64: 8, 8, 128>}, {transform_indices = @transform_7, window_bounds = array<i64: 8, 8, 128>}]} {
    %eq3A = arith.constant 0 : i32
    %eq3A_0 = arith.cmpi eq, %arg0, %eq3A : i32
    %convert_element_type3A = arith.extui %eq3A_0 : i1 to i32
    %cond3A = arith.constant 0 : i32
    %cond3A_1 = arith.cmpi ne, %convert_element_type3A, %cond3A : i32
    scf.if %cond3A_1 {
      %get3A_638 = arith.constant 0 : index
      %get3A_639 = arith.constant 0 : index
      %get3A_640 = vector.load %arg1[%get3A_638, %get3A_639] : memref<4096x16xf32, #tpu.memory_space<vmem>>, vector<4096x16xf32>
      %get3A_641 = arith.constant 0 : index
      %get3A_642 = arith.constant 0 : index
      %get3A_643 = vector.load %arg2[%get3A_641, %get3A_642] : memref<16x8xf32, #tpu.memory_space<vmem>>, vector<16x8xf32>
      %dot_general3A_644 = arith.constant dense<0.000000e+00> : vector<4096x8xf32>
      %dot_general3A_645 = tpu.matmul %get3A_640, %get3A_643, %dot_general3A_644 {dimension_numbers = #tpu.dot_dimension_numbers<[1], [0], [0], [1], [0, 0, 1, 1], [], []>, transpose_lhs_hint = false} : vector<4096x16xf32>, vector<16x8xf32>, vector<4096x8xf32> -> vector<4096x8xf32>
      %get3A_646 = arith.constant 0 : index
      %get3A_647 = vector.load %arg3[%get3A_646] : memref<8xf32, #tpu.memory_space<vmem>>, vector<8xf32>
      %broadcast_in_dim3A_648 = vector.shape_cast %get3A_647 : vector<8xf32> to vector<1x8xf32>
      %add3A_649 = vector.broadcast %broadcast_in_dim3A_648 : vector<1x8xf32> to vector<4096x8xf32>
      %add3A_650 = arith.addf %dot_general3A_645, %add3A_649 : vector<4096x8xf32>
      %max3A_651 = arith.constant 0.000000e+00 : f32
      %max3A_652 = vector.broadcast %max3A_651 : f32 to vector<4096x8xf32>
      %max3A_653 = arith.maximumf %add3A_650, %max3A_652 : vector<4096x8xf32>
      %get3A_654 = arith.constant 0 : index
      %get3A_655 = arith.constant 0 : index
      %get3A_656 = vector.load %arg4[%get3A_654, %get3A_655] : memref<8x16xf32, #tpu.memory_space<vmem>>, vector<8x16xf32>
      %dot_general3A_657 = arith.constant dense<0.000000e+00> : vector<4096x16xf32>
      %dot_general3A_658 = tpu.matmul %max3A_653, %get3A_656, %dot_general3A_657 {dimension_numbers = #tpu.dot_dimension_numbers<[1], [0], [0], [1], [0, 0, 1, 1], [], []>, transpose_lhs_hint = false} : vector<4096x8xf32>, vector<8x16xf32>, vector<4096x16xf32> -> vector<4096x16xf32>
      %get3A_659 = arith.constant 0 : index
      %get3A_660 = vector.load %arg5[%get3A_659] : memref<16xf32, #tpu.memory_space<vmem>>, vector<16xf32>
      %broadcast_in_dim3A_661 = vector.shape_cast %get3A_660 : vector<16xf32> to vector<1x16xf32>
      %add3A_662 = vector.broadcast %broadcast_in_dim3A_661 : vector<1x16xf32> to vector<4096x16xf32>
      %add3A_663 = arith.addf %dot_general3A_658, %add3A_662 : vector<4096x16xf32>
      %swap3A_664 = arith.constant 0 : index
      %swap3A_665 = arith.constant 0 : index
      %swap3A_666 = vector.load %arg9[%swap3A_664, %swap3A_665] : memref<4096x16xf32, #tpu.memory_space<vmem>>, vector<4096x16xf32>
      tpu.vector_store %arg9[%swap3A_664, %swap3A_665], %add3A_663 {strides = array<i32>} : memref<4096x16xf32, #tpu.memory_space<vmem>>, vector<4096x16xf32>,
    } else {
    }
    %mul3A = arith.constant 1024 : i32
    %mul3A_2 = arith.muli %arg0, %mul3A : i32
    %add3A = arith.constant 0 : i32
    %add3A_3 = arith.addi %add3A, %mul3A_2 : i32
    %get3A = arith.index_cast %add3A_3 : i32 to index
    %get3A_4 = arith.constant 0 : index
    %get3A_5 = vector.load %arg9[%get3A, %get3A_4] : memref<4096x16xf32, #tpu.memory_space<vmem>>, vector<1024x16xf32>
    %get3A_6 = arith.constant 0 : index
    %get3A_7 = arith.constant 0 : index
    %get3A_8 = vector.load %arg9[%get3A_6, %get3A_7] : memref<4096x16xf32, #tpu.memory_space<vmem>>, vector<4096x16xf32>
    %dot_general3A = arith.constant dense<0.000000e+00> : vector<1024x4096xf32>
    %dot_general3A_9 = tpu.matmul %get3A_5, %get3A_8, %dot_general3A {dimension_numbers = #tpu.dot_dimension_numbers<[1], [1], [0], [0], [0, 0, 1, 0], [], []>, transpose_lhs_hint = false} : vector<1024x16xf32>, vector<4096x16xf32>, vector<1024x4096xf32> -> vector<1024x4096xf32>
    %iota3A = tpu.iota {dimensions = array<i32: 1>} : vector<1024x128xi32>
    %broadcast_in_dim3A = arith.constant -3.000000e+38 : f32
    %broadcast_in_dim3A_10 = vector.broadcast %broadcast_in_dim3A : f32 to vector<1024x128xf32>
    %broadcast_in_dim3A_11 = arith.constant 4096 : i32
    %broadcast_in_dim3A_12 = vector.broadcast %broadcast_in_dim3A_11 : i32 to vector<1024x128xi32>
    %slice3A = vector.extract_strided_slice %dot_general3A_9 {offsets = [0, 0], sizes = [1024, 128], strides = [1, 1]} : vector<1024x4096xf32> to vector<1024x128xf32>
    %add3A_13 = arith.constant 0 : i32
    %add3A_14 = vector.broadcast %add3A_13 : i32 to vector<1024x128xi32>
    %add3A_15 = arith.addi %iota3A, %add3A_14 : vector<1024x128xi32>
    %gt3A = arith.cmpf ogt, %slice3A, %broadcast_in_dim3A_10 : vector<1024x128xf32>
    %max3A = arith.maximumf %broadcast_in_dim3A_10, %slice3A : vector<1024x128xf32>
    %min3A = arith.minimumf %broadcast_in_dim3A_10, %slice3A : vector<1024x128xf32>
    %select_n3A = arith.select %gt3A, %add3A_15, %broadcast_in_dim3A_12 : vector<1024x128xi1>, vector<1024x128xi32>
    %select_n3A_16 = arith.select %gt3A, %broadcast_in_dim3A_12, %add3A_15 : vector<1024x128xi1>, vector<1024x128xi32>
    %gt3A_17 = arith.cmpf ogt, %min3A, %broadcast_in_dim3A_10 : vector<1024x128xf32>
    %max3A_18 = arith.maximumf %broadcast_in_dim3A_10, %min3A : vector<1024x128xf32>
    %min3A_19 = arith.minimumf %broadcast_in_dim3A_10, %min3A : vector<1024x128xf32>
    %select_n3A_20 = arith.select %gt3A_17, %select_n3A_16, %broadcast_in_dim3A_12 : vector<1024x128xi1>, vector<1024x128xi32>
    %select_n3A_21 = arith.select %gt3A_17, %broadcast_in_dim3A_12, %select_n3A_16 : vector<1024x128xi1>, vector<1024x128xi32>
    %gt3A_22 = arith.cmpf ogt, %min3A_19, %broadcast_in_dim3A_10 : vector<1024x128xf32>
    %max3A_23 = arith.maximumf %broadcast_in_dim3A_10, %min3A_19 : vector<1024x128xf32>
    %select_n3A_24 = arith.select %gt3A_22, %select_n3A_21, %broadcast_in_dim3A_12 : vector<1024x128xi1>, vector<1024x128xi32>
    %slice3A_25 = vector.extract_strided_slice %dot_general3A_9 {offsets = [0, 128], sizes = [1024, 128], strides = [1, 1]} : vector<1024x4096xf32> to vector<1024x128xf32>
    %add3A_26 = arith.constant 128 : i32
    %add3A_27 = vector.broadcast %add3A_26 : i32 to vector<1024x128xi32>
    %add3A_28 = arith.addi %iota3A, %add3A_27 : vector<1024x128xi32>
    %gt3A_29 = arith.cmpf ogt, %slice3A_25, %max3A : vector<1024x128xf32>
    %max3A_30 = arith.maximumf %max3A, %slice3A_25 : vector<1024x128xf32>
    %min3A_31 = arith.minimumf %max3A, %slice3A_25 : vector<1024x128xf32>
    %select_n3A_32 = arith.select %gt3A_29, %add3A_28, %select_n3A : vector<1024x128xi1>, vector<1024x128xi32>
    %select_n3A_33 = arith.select %gt3A_29, %select_n3A, %add3A_28 : vector<1024x128xi1>, vector<1024x128xi32>
    %gt3A_34 = arith.cmpf ogt, %min3A_31, %max3A_18 : vector<1024x128xf32>
    %max3A_35 = arith.maximumf %max3A_18, %min3A_31 : vector<1024x128xf32>
    %min3A_36 = arith.minimumf %max3A_18, %min3A_31 : vector<1024x128xf32>
    %select_n3A_37 = arith.select %gt3A_34, %select_n3A_33, %select_n3A_20 : vector<1024x128xi1>, vector<1024x128xi32>
    %select_n3A_38 = arith.select %gt3A_34, %select_n3A_20, %select_n3A_33 : vector<1024x128xi1>, vector<1024x128xi32>
    %gt3A_39 = arith.cmpf ogt, %min3A_36, %max3A_23 : vector<1024x128xf32>
    %max3A_40 = arith.maximumf %max3A_23, %min3A_36 : vector<1024x128xf32>
    %select_n3A_41 = arith.select %gt3A_39, %select_n3A_38, %select_n3A_24 : vector<1024x128xi1>, vector<1024x128xi32>
    %slice3A_42 = vector.extract_strided_slice %dot_general3A_9 {offsets = [0, 256], sizes = [1024, 128], strides = [1, 1]} : vector<1024x4096xf32> to vector<1024x128xf32>
    %add3A_43 = arith.constant 256 : i32
    %add3A_44 = vector.broadcast %add3A_43 : i32 to vector<1024x128xi32>
    %add3A_45 = arith.addi %iota3A, %add3A_44 : vector<1024x128xi32>
    %gt3A_46 = arith.cmpf ogt, %slice3A_42, %max3A_30 : vector<1024x128xf32>
    %max3A_47 = arith.maximumf %max3A_30, %slice3A_42 : vector<1024x128xf32>
    %min3A_48 = arith.minimumf %max3A_30, %slice3A_42 : vector<1024x128xf32>
    %select_n3A_49 = arith.select %gt3A_46, %add3A_45, %select_n3A_32 : vector<1024x128xi1>, vector<1024x128xi32>
    %select_n3A_50 = arith.select %gt3A_46, %select_n3A_32, %add3A_45 : vector<1024x128xi1>, vector<1024x128xi32>
    %gt3A_51 = arith.cmpf ogt, %min3A_48, %max3A_35 : vector<1024x128xf32>
    %max3A_52 = arith.maximumf %max3A_35, %min3A_48 : vector<1024x128xf32>
    %min3A_53 = arith.minimumf %max3A_35, %min3A_48 : vector<1024x128xf32>
    %select_n3A_54 = arith.select %gt3A_51, %select_n3A_50, %select_n3A_37 : vector<1024x128xi1>, vector<1024x128xi32>
    %select_n3A_55 = arith.select %gt3A_51, %select_n3A_37, %select_n3A_50 : vector<1024x128xi1>, vector<1024x128xi32>
    %gt3A_56 = arith.cmpf ogt, %min3A_53, %max3A_40 : vector<1024x128xf32>
    %max3A_57 = arith.maximumf %max3A_40, %min3A_53 : vector<1024x128xf32>
    %select_n3A_58 = arith.select %gt3A_56, %select_n3A_55, %select_n3A_41 : vector<1024x128xi1>, vector<1024x128xi32>
    %slice3A_59 = vector.extract_strided_slice %dot_general3A_9 {offsets = [0, 384], sizes = [1024, 128], strides = [1, 1]} : vector<1024x4096xf32> to vector<1024x128xf32>
    %add3A_60 = arith.constant 384 : i32
    %add3A_61 = vector.broadcast %add3A_60 : i32 to vector<1024x128xi32>
    %add3A_62 = arith.addi %iota3A, %add3A_61 : vector<1024x128xi32>
    %gt3A_63 = arith.cmpf ogt, %slice3A_59, %max3A_47 : vector<1024x128xf32>
    %max3A_64 = arith.maximumf %max3A_47, %slice3A_59 : vector<1024x128xf32>
    %min3A_65 = arith.minimumf %max3A_47, %slice3A_59 : vector<1024x128xf32>
    %select_n3A_66 = arith.select %gt3A_63, %add3A_62, %select_n3A_49 : vector<1024x128xi1>, vector<1024x128xi32>
    %select_n3A_67 = arith.select %gt3A_63, %select_n3A_49, %add3A_62 : vector<1024x128xi1>, vector<1024x128xi32>
    %gt3A_68 = arith.cmpf ogt, %min3A_65, %max3A_52 : vector<1024x128xf32>
    %max3A_69 = arith.maximumf %max3A_52, %min3A_65 : vector<1024x128xf32>
    %min3A_70 = arith.minimumf %max3A_52, %min3A_65 : vector<1024x128xf32>
    %select_n3A_71 = arith.select %gt3A_68, %select_n3A_67, %select_n3A_54 : vector<1024x128xi1>, vector<1024x128xi32>
    %select_n3A_72 = arith.select %gt3A_68, %select_n3A_54, %select_n3A_67 : vector<1024x128xi1>, vector<1024x128xi32>
    %gt3A_73 = arith.cmpf ogt, %min3A_70, %max3A_57 : vector<1024x128xf32>
    %max3A_74 = arith.maximumf %max3A_57, %min3A_70 : vector<1024x128xf32>
    %select_n3A_75 = arith.select %gt3A_73, %select_n3A_72, %select_n3A_58 : vector<1024x128xi1>, vector<1024x128xi32>
    %slice3A_76 = vector.extract_strided_slice %dot_general3A_9 {offsets = [0, 512], sizes = [1024, 128], strides = [1, 1]} : vector<1024x4096xf32> to vector<1024x128xf32>
    %add3A_77 = arith.constant 512 : i32
    %add3A_78 = vector.broadcast %add3A_77 : i32 to vector<1024x128xi32>
    %add3A_79 = arith.addi %iota3A, %add3A_78 : vector<1024x128xi32>
    %gt3A_80 = arith.cmpf ogt, %slice3A_76, %max3A_64 : vector<1024x128xf32>
    %max3A_81 = arith.maximumf %max3A_64, %slice3A_76 : vector<1024x128xf32>
    %min3A_82 = arith.minimumf %max3A_64, %slice3A_76 : vector<1024x128xf32>
    %select_n3A_83 = arith.select %gt3A_80, %add3A_79, %select_n3A_66 : vector<1024x128xi1>, vector<1024x128xi32>
    %select_n3A_84 = arith.select %gt3A_80, %select_n3A_66, %add3A_79 : vector<1024x128xi1>, vector<1024x128xi32>
    %gt3A_85 = arith.cmpf ogt, %min3A_82, %max3A_69 : vector<1024x128xf32>
    %max3A_86 = arith.maximumf %max3A_69, %min3A_82 : vector<1024x128xf32>
    %min3A_87 = arith.minimumf %max3A_69, %min3A_82 : vector<1024x128xf32>
    %select_n3A_88 = arith.select %gt3A_85, %select_n3A_84, %select_n3A_71 : vector<1024x128xi1>, vector<1024x128xi32>
    %select_n3A_89 = arith.select %gt3A_85, %select_n3A_71, %select_n3A_84 : vector<1024x128xi1>, vector<1024x128xi32>
    %gt3A_90 = arith.cmpf ogt, %min3A_87, %max3A_74 : vector<1024x128xf32>
    %max3A_91 = arith.maximumf %max3A_74, %min3A_87 : vector<1024x128xf32>
    %select_n3A_92 = arith.select %gt3A_90, %select_n3A_89, %select_n3A_75 : vector<1024x128xi1>, vector<1024x128xi32>
    %slice3A_93 = vector.extract_strided_slice %dot_general3A_9 {offsets = [0, 640], sizes = [1024, 128], strides = [1, 1]} : vector<1024x4096xf32> to vector<1024x128xf32>
    %add3A_94 = arith.constant 640 : i32
    %add3A_95 = vector.broadcast %add3A_94 : i32 to vector<1024x128xi32>
    %add3A_96 = arith.addi %iota3A, %add3A_95 : vector<1024x128xi32>
    %gt3A_97 = arith.cmpf ogt, %slice3A_93, %max3A_81 : vector<1024x128xf32>
    %max3A_98 = arith.maximumf %max3A_81, %slice3A_93 : vector<1024x128xf32>
    %min3A_99 = arith.minimumf %max3A_81, %slice3A_93 : vector<1024x128xf32>
    %select_n3A_100 = arith.select %gt3A_97, %add3A_96, %select_n3A_83 : vector<1024x128xi1>, vector<1024x128xi32>
    %select_n3A_101 = arith.select %gt3A_97, %select_n3A_83, %add3A_96 : vector<1024x128xi1>, vector<1024x128xi32>
    %gt3A_102 = arith.cmpf ogt, %min3A_99, %max3A_86 : vector<1024x128xf32>
    %max3A_103 = arith.maximumf %max3A_86, %min3A_99 : vector<1024x128xf32>
    %min3A_104 = arith.minimumf %max3A_86, %min3A_99 : vector<1024x128xf32>
    %select_n3A_105 = arith.select %gt3A_102, %select_n3A_101, %select_n3A_88 : vector<1024x128xi1>, vector<1024x128xi32>
    %select_n3A_106 = arith.select %gt3A_102, %select_n3A_88, %select_n3A_101 : vector<1024x128xi1>, vector<1024x128xi32>
    %gt3A_107 = arith.cmpf ogt, %min3A_104, %max3A_91 : vector<1024x128xf32>
    %max3A_108 = arith.maximumf %max3A_91, %min3A_104 : vector<1024x128xf32>
    %select_n3A_109 = arith.select %gt3A_107, %select_n3A_106, %select_n3A_92 : vector<1024x128xi1>, vector<1024x128xi32>
    %slice3A_110 = vector.extract_strided_slice %dot_general3A_9 {offsets = [0, 768], sizes = [1024, 128], strides = [1, 1]} : vector<1024x4096xf32> to vector<1024x128xf32>
    %add3A_111 = arith.constant 768 : i32
    %add3A_112 = vector.broadcast %add3A_111 : i32 to vector<1024x128xi32>
    %add3A_113 = arith.addi %iota3A, %add3A_112 : vector<1024x128xi32>
    %gt3A_114 = arith.cmpf ogt, %slice3A_110, %max3A_98 : vector<1024x128xf32>
    %max3A_115 = arith.maximumf %max3A_98, %slice3A_110 : vector<1024x128xf32>
    %min3A_116 = arith.minimumf %max3A_98, %slice3A_110 : vector<1024x128xf32>
    %select_n3A_117 = arith.select %gt3A_114, %add3A_113, %select_n3A_100 : vector<1024x128xi1>, vector<1024x128xi32>
    %select_n3A_118 = arith.select %gt3A_114, %select_n3A_100, %add3A_113 : vector<1024x128xi1>, vector<1024x128xi32>
    %gt3A_119 = arith.cmpf ogt, %min3A_116, %max3A_103 : vector<1024x128xf32>
    %max3A_120 = arith.maximumf %max3A_103, %min3A_116 : vector<1024x128xf32>
    %min3A_121 = arith.minimumf %max3A_103, %min3A_116 : vector<1024x128xf32>
    %select_n3A_122 = arith.select %gt3A_119, %select_n3A_118, %select_n3A_105 : vector<1024x128xi1>, vector<1024x128xi32>
    %select_n3A_123 = arith.select %gt3A_119, %select_n3A_105, %select_n3A_118 : vector<1024x128xi1>, vector<1024x128xi32>
    %gt3A_124 = arith.cmpf ogt, %min3A_121, %max3A_108 : vector<1024x128xf32>
    %max3A_125 = arith.maximumf %max3A_108, %min3A_121 : vector<1024x128xf32>
    %select_n3A_126 = arith.select %gt3A_124, %select_n3A_123, %select_n3A_109 : vector<1024x128xi1>, vector<1024x128xi32>
    %slice3A_127 = vector.extract_strided_slice %dot_general3A_9 {offsets = [0, 896], sizes = [1024, 128], strides = [1, 1]} : vector<1024x4096xf32> to vector<1024x128xf32>
    %add3A_128 = arith.constant 896 : i32
    %add3A_129 = vector.broadcast %add3A_128 : i32 to vector<1024x128xi32>
    %add3A_130 = arith.addi %iota3A, %add3A_129 : vector<1024x128xi32>
    %gt3A_131 = arith.cmpf ogt, %slice3A_127, %max3A_115 : vector<1024x128xf32>
    %max3A_132 = arith.maximumf %max3A_115, %slice3A_127 : vector<1024x128xf32>
    %min3A_133 = arith.minimumf %max3A_115, %slice3A_127 : vector<1024x128xf32>
    %select_n3A_134 = arith.select %gt3A_131, %add3A_130, %select_n3A_117 : vector<1024x128xi1>, vector<1024x128xi32>
    %select_n3A_135 = arith.select %gt3A_131, %select_n3A_117, %add3A_130 : vector<1024x128xi1>, vector<1024x128xi32>
    %gt3A_136 = arith.cmpf ogt, %min3A_133, %max3A_120 : vector<1024x128xf32>
    %max3A_137 = arith.maximumf %max3A_120, %min3A_133 : vector<1024x128xf32>
    %min3A_138 = arith.minimumf %max3A_120, %min3A_133 : vector<1024x128xf32>
    %select_n3A_139 = arith.select %gt3A_136, %select_n3A_135, %select_n3A_122 : vector<1024x128xi1>, vector<1024x128xi32>
    %select_n3A_140 = arith.select %gt3A_136, %select_n3A_122, %select_n3A_135 : vector<1024x128xi1>, vector<1024x128xi32>
    %gt3A_141 = arith.cmpf ogt, %min3A_138, %max3A_125 : vector<1024x128xf32>
    %max3A_142 = arith.maximumf %max3A_125, %min3A_138 : vector<1024x128xf32>
    %select_n3A_143 = arith.select %gt3A_141, %select_n3A_140, %select_n3A_126 : vector<1024x128xi1>, vector<1024x128xi32>
    %slice3A_144 = vector.extract_strided_slice %dot_general3A_9 {offsets = [0, 1024], sizes = [1024, 128], strides = [1, 1]} : vector<1024x4096xf32> to vector<1024x128xf32>
    %add3A_145 = arith.constant 1024 : i32
    %add3A_146 = vector.broadcast %add3A_145 : i32 to vector<1024x128xi32>
    %add3A_147 = arith.addi %iota3A, %add3A_146 : vector<1024x128xi32>
    %gt3A_148 = arith.cmpf ogt, %slice3A_144, %max3A_132 : vector<1024x128xf32>
    %max3A_149 = arith.maximumf %max3A_132, %slice3A_144 : vector<1024x128xf32>
    %min3A_150 = arith.minimumf %max3A_132, %slice3A_144 : vector<1024x128xf32>
    %select_n3A_151 = arith.select %gt3A_148, %add3A_147, %select_n3A_134 : vector<1024x128xi1>, vector<1024x128xi32>
    %select_n3A_152 = arith.select %gt3A_148, %select_n3A_134, %add3A_147 : vector<1024x128xi1>, vector<1024x128xi32>
    %gt3A_153 = arith.cmpf ogt, %min3A_150, %max3A_137 : vector<1024x128xf32>
    %max3A_154 = arith.maximumf %max3A_137, %min3A_150 : vector<1024x128xf32>
    %min3A_155 = arith.minimumf %max3A_137, %min3A_150 : vector<1024x128xf32>
    %select_n3A_156 = arith.select %gt3A_153, %select_n3A_152, %select_n3A_139 : vector<1024x128xi1>, vector<1024x128xi32>
    %select_n3A_157 = arith.select %gt3A_153, %select_n3A_139, %select_n3A_152 : vector<1024x128xi1>, vector<1024x128xi32>
    %gt3A_158 = arith.cmpf ogt, %min3A_155, %max3A_142 : vector<1024x128xf32>
    %max3A_159 = arith.maximumf %max3A_142, %min3A_155 : vector<1024x128xf32>
    %select_n3A_160 = arith.select %gt3A_158, %select_n3A_157, %select_n3A_143 : vector<1024x128xi1>, vector<1024x128xi32>
    %slice3A_161 = vector.extract_strided_slice %dot_general3A_9 {offsets = [0, 1152], sizes = [1024, 128], strides = [1, 1]} : vector<1024x4096xf32> to vector<1024x128xf32>
    %add3A_162 = arith.constant 1152 : i32
    %add3A_163 = vector.broadcast %add3A_162 : i32 to vector<1024x128xi32>
    %add3A_164 = arith.addi %iota3A, %add3A_163 : vector<1024x128xi32>
    %gt3A_165 = arith.cmpf ogt, %slice3A_161, %max3A_149 : vector<1024x128xf32>
    %max3A_166 = arith.maximumf %max3A_149, %slice3A_161 : vector<1024x128xf32>
    %min3A_167 = arith.minimumf %max3A_149, %slice3A_161 : vector<1024x128xf32>
    %select_n3A_168 = arith.select %gt3A_165, %add3A_164, %select_n3A_151 : vector<1024x128xi1>, vector<1024x128xi32>
    %select_n3A_169 = arith.select %gt3A_165, %select_n3A_151, %add3A_164 : vector<1024x128xi1>, vector<1024x128xi32>
    %gt3A_170 = arith.cmpf ogt, %min3A_167, %max3A_154 : vector<1024x128xf32>
    %max3A_171 = arith.maximumf %max3A_154, %min3A_167 : vector<1024x128xf32>
    %min3A_172 = arith.minimumf %max3A_154, %min3A_167 : vector<1024x128xf32>
    %select_n3A_173 = arith.select %gt3A_170, %select_n3A_169, %select_n3A_156 : vector<1024x128xi1>, vector<1024x128xi32>
    %select_n3A_174 = arith.select %gt3A_170, %select_n3A_156, %select_n3A_169 : vector<1024x128xi1>, vector<1024x128xi32>
    %gt3A_175 = arith.cmpf ogt, %min3A_172, %max3A_159 : vector<1024x128xf32>
    %max3A_176 = arith.maximumf %max3A_159, %min3A_172 : vector<1024x128xf32>
    %select_n3A_177 = arith.select %gt3A_175, %select_n3A_174, %select_n3A_160 : vector<1024x128xi1>, vector<1024x128xi32>
    %slice3A_178 = vector.extract_strided_slice %dot_general3A_9 {offsets = [0, 1280], sizes = [1024, 128], strides = [1, 1]} : vector<1024x4096xf32> to vector<1024x128xf32>
    %add3A_179 = arith.constant 1280 : i32
    %add3A_180 = vector.broadcast %add3A_179 : i32 to vector<1024x128xi32>
    %add3A_181 = arith.addi %iota3A, %add3A_180 : vector<1024x128xi32>
    %gt3A_182 = arith.cmpf ogt, %slice3A_178, %max3A_166 : vector<1024x128xf32>
    %max3A_183 = arith.maximumf %max3A_166, %slice3A_178 : vector<1024x128xf32>
    %min3A_184 = arith.minimumf %max3A_166, %slice3A_178 : vector<1024x128xf32>
    %select_n3A_185 = arith.select %gt3A_182, %add3A_181, %select_n3A_168 : vector<1024x128xi1>, vector<1024x128xi32>
    %select_n3A_186 = arith.select %gt3A_182, %select_n3A_168, %add3A_181 : vector<1024x128xi1>, vector<1024x128xi32>
    %gt3A_187 = arith.cmpf ogt, %min3A_184, %max3A_171 : vector<1024x128xf32>
    %max3A_188 = arith.maximumf %max3A_171, %min3A_184 : vector<1024x128xf32>
    %min3A_189 = arith.minimumf %max3A_171, %min3A_184 : vector<1024x128xf32>
    %select_n3A_190 = arith.select %gt3A_187, %select_n3A_186, %select_n3A_173 : vector<1024x128xi1>, vector<1024x128xi32>
    %select_n3A_191 = arith.select %gt3A_187, %select_n3A_173, %select_n3A_186 : vector<1024x128xi1>, vector<1024x128xi32>
    %gt3A_192 = arith.cmpf ogt, %min3A_189, %max3A_176 : vector<1024x128xf32>
    %max3A_193 = arith.maximumf %max3A_176, %min3A_189 : vector<1024x128xf32>
    %select_n3A_194 = arith.select %gt3A_192, %select_n3A_191, %select_n3A_177 : vector<1024x128xi1>, vector<1024x128xi32>
    %slice3A_195 = vector.extract_strided_slice %dot_general3A_9 {offsets = [0, 1408], sizes = [1024, 128], strides = [1, 1]} : vector<1024x4096xf32> to vector<1024x128xf32>
    %add3A_196 = arith.constant 1408 : i32
    %add3A_197 = vector.broadcast %add3A_196 : i32 to vector<1024x128xi32>
    %add3A_198 = arith.addi %iota3A, %add3A_197 : vector<1024x128xi32>
    %gt3A_199 = arith.cmpf ogt, %slice3A_195, %max3A_183 : vector<1024x128xf32>
    %max3A_200 = arith.maximumf %max3A_183, %slice3A_195 : vector<1024x128xf32>
    %min3A_201 = arith.minimumf %max3A_183, %slice3A_195 : vector<1024x128xf32>
    %select_n3A_202 = arith.select %gt3A_199, %add3A_198, %select_n3A_185 : vector<1024x128xi1>, vector<1024x128xi32>
    %select_n3A_203 = arith.select %gt3A_199, %select_n3A_185, %add3A_198 : vector<1024x128xi1>, vector<1024x128xi32>
    %gt3A_204 = arith.cmpf ogt, %min3A_201, %max3A_188 : vector<1024x128xf32>
    %max3A_205 = arith.maximumf %max3A_188, %min3A_201 : vector<1024x128xf32>
    %min3A_206 = arith.minimumf %max3A_188, %min3A_201 : vector<1024x128xf32>
    %select_n3A_207 = arith.select %gt3A_204, %select_n3A_203, %select_n3A_190 : vector<1024x128xi1>, vector<1024x128xi32>
    %select_n3A_208 = arith.select %gt3A_204, %select_n3A_190, %select_n3A_203 : vector<1024x128xi1>, vector<1024x128xi32>
    %gt3A_209 = arith.cmpf ogt, %min3A_206, %max3A_193 : vector<1024x128xf32>
    %max3A_210 = arith.maximumf %max3A_193, %min3A_206 : vector<1024x128xf32>
    %select_n3A_211 = arith.select %gt3A_209, %select_n3A_208, %select_n3A_194 : vector<1024x128xi1>, vector<1024x128xi32>
    %slice3A_212 = vector.extract_strided_slice %dot_general3A_9 {offsets = [0, 1536], sizes = [1024, 128], strides = [1, 1]} : vector<1024x4096xf32> to vector<1024x128xf32>
    %add3A_213 = arith.constant 1536 : i32
    %add3A_214 = vector.broadcast %add3A_213 : i32 to vector<1024x128xi32>
    %add3A_215 = arith.addi %iota3A, %add3A_214 : vector<1024x128xi32>
    %gt3A_216 = arith.cmpf ogt, %slice3A_212, %max3A_200 : vector<1024x128xf32>
    %max3A_217 = arith.maximumf %max3A_200, %slice3A_212 : vector<1024x128xf32>
    %min3A_218 = arith.minimumf %max3A_200, %slice3A_212 : vector<1024x128xf32>
    %select_n3A_219 = arith.select %gt3A_216, %add3A_215, %select_n3A_202 : vector<1024x128xi1>, vector<1024x128xi32>
    %select_n3A_220 = arith.select %gt3A_216, %select_n3A_202, %add3A_215 : vector<1024x128xi1>, vector<1024x128xi32>
    %gt3A_221 = arith.cmpf ogt, %min3A_218, %max3A_205 : vector<1024x128xf32>
    %max3A_222 = arith.maximumf %max3A_205, %min3A_218 : vector<1024x128xf32>
    %min3A_223 = arith.minimumf %max3A_205, %min3A_218 : vector<1024x128xf32>
    %select_n3A_224 = arith.select %gt3A_221, %select_n3A_220, %select_n3A_207 : vector<1024x128xi1>, vector<1024x128xi32>
    %select_n3A_225 = arith.select %gt3A_221, %select_n3A_207, %select_n3A_220 : vector<1024x128xi1>, vector<1024x128xi32>
    %gt3A_226 = arith.cmpf ogt, %min3A_223, %max3A_210 : vector<1024x128xf32>
    %max3A_227 = arith.maximumf %max3A_210, %min3A_223 : vector<1024x128xf32>
    %select_n3A_228 = arith.select %gt3A_226, %select_n3A_225, %select_n3A_211 : vector<1024x128xi1>, vector<1024x128xi32>
    %slice3A_229 = vector.extract_strided_slice %dot_general3A_9 {offsets = [0, 1664], sizes = [1024, 128], strides = [1, 1]} : vector<1024x4096xf32> to vector<1024x128xf32>
    %add3A_230 = arith.constant 1664 : i32
    %add3A_231 = vector.broadcast %add3A_230 : i32 to vector<1024x128xi32>
    %add3A_232 = arith.addi %iota3A, %add3A_231 : vector<1024x128xi32>
    %gt3A_233 = arith.cmpf ogt, %slice3A_229, %max3A_217 : vector<1024x128xf32>
    %max3A_234 = arith.maximumf %max3A_217, %slice3A_229 : vector<1024x128xf32>
    %min3A_235 = arith.minimumf %max3A_217, %slice3A_229 : vector<1024x128xf32>
    %select_n3A_236 = arith.select %gt3A_233, %add3A_232, %select_n3A_219 : vector<1024x128xi1>, vector<1024x128xi32>
    %select_n3A_237 = arith.select %gt3A_233, %select_n3A_219, %add3A_232 : vector<1024x128xi1>, vector<1024x128xi32>
    %gt3A_238 = arith.cmpf ogt, %min3A_235, %max3A_222 : vector<1024x128xf32>
    %max3A_239 = arith.maximumf %max3A_222, %min3A_235 : vector<1024x128xf32>
    %min3A_240 = arith.minimumf %max3A_222, %min3A_235 : vector<1024x128xf32>
    %select_n3A_241 = arith.select %gt3A_238, %select_n3A_237, %select_n3A_224 : vector<1024x128xi1>, vector<1024x128xi32>
    %select_n3A_242 = arith.select %gt3A_238, %select_n3A_224, %select_n3A_237 : vector<1024x128xi1>, vector<1024x128xi32>
    %gt3A_243 = arith.cmpf ogt, %min3A_240, %max3A_227 : vector<1024x128xf32>
    %max3A_244 = arith.maximumf %max3A_227, %min3A_240 : vector<1024x128xf32>
    %select_n3A_245 = arith.select %gt3A_243, %select_n3A_242, %select_n3A_228 : vector<1024x128xi1>, vector<1024x128xi32>
    %slice3A_246 = vector.extract_strided_slice %dot_general3A_9 {offsets = [0, 1792], sizes = [1024, 128], strides = [1, 1]} : vector<1024x4096xf32> to vector<1024x128xf32>
    %add3A_247 = arith.constant 1792 : i32
    %add3A_248 = vector.broadcast %add3A_247 : i32 to vector<1024x128xi32>
    %add3A_249 = arith.addi %iota3A, %add3A_248 : vector<1024x128xi32>
    %gt3A_250 = arith.cmpf ogt, %slice3A_246, %max3A_234 : vector<1024x128xf32>
    %max3A_251 = arith.maximumf %max3A_234, %slice3A_246 : vector<1024x128xf32>
    %min3A_252 = arith.minimumf %max3A_234, %slice3A_246 : vector<1024x128xf32>
    %select_n3A_253 = arith.select %gt3A_250, %add3A_249, %select_n3A_236 : vector<1024x128xi1>, vector<1024x128xi32>
    %select_n3A_254 = arith.select %gt3A_250, %select_n3A_236, %add3A_249 : vector<1024x128xi1>, vector<1024x128xi32>
    %gt3A_255 = arith.cmpf ogt, %min3A_252, %max3A_239 : vector<1024x128xf32>
    %max3A_256 = arith.maximumf %max3A_239, %min3A_252 : vector<1024x128xf32>
    %min3A_257 = arith.minimumf %max3A_239, %min3A_252 : vector<1024x128xf32>
    %select_n3A_258 = arith.select %gt3A_255, %select_n3A_254, %select_n3A_241 : vector<1024x128xi1>, vector<1024x128xi32>
    %select_n3A_259 = arith.select %gt3A_255, %select_n3A_241, %select_n3A_254 : vector<1024x128xi1>, vector<1024x128xi32>
    %gt3A_260 = arith.cmpf ogt, %min3A_257, %max3A_244 : vector<1024x128xf32>
    %max3A_261 = arith.maximumf %max3A_244, %min3A_257 : vector<1024x128xf32>
    %select_n3A_262 = arith.select %gt3A_260, %select_n3A_259, %select_n3A_245 : vector<1024x128xi1>, vector<1024x128xi32>
    %slice3A_263 = vector.extract_strided_slice %dot_general3A_9 {offsets = [0, 1920], sizes = [1024, 128], strides = [1, 1]} : vector<1024x4096xf32> to vector<1024x128xf32>
    %add3A_264 = arith.constant 1920 : i32
    %add3A_265 = vector.broadcast %add3A_264 : i32 to vector<1024x128xi32>
    %add3A_266 = arith.addi %iota3A, %add3A_265 : vector<1024x128xi32>
    %gt3A_267 = arith.cmpf ogt, %slice3A_263, %max3A_251 : vector<1024x128xf32>
    %max3A_268 = arith.maximumf %max3A_251, %slice3A_263 : vector<1024x128xf32>
    %min3A_269 = arith.minimumf %max3A_251, %slice3A_263 : vector<1024x128xf32>
    %select_n3A_270 = arith.select %gt3A_267, %add3A_266, %select_n3A_253 : vector<1024x128xi1>, vector<1024x128xi32>
    %select_n3A_271 = arith.select %gt3A_267, %select_n3A_253, %add3A_266 : vector<1024x128xi1>, vector<1024x128xi32>
    %gt3A_272 = arith.cmpf ogt, %min3A_269, %max3A_256 : vector<1024x128xf32>
    %max3A_273 = arith.maximumf %max3A_256, %min3A_269 : vector<1024x128xf32>
    %min3A_274 = arith.minimumf %max3A_256, %min3A_269 : vector<1024x128xf32>
    %select_n3A_275 = arith.select %gt3A_272, %select_n3A_271, %select_n3A_258 : vector<1024x128xi1>, vector<1024x128xi32>
    %select_n3A_276 = arith.select %gt3A_272, %select_n3A_258, %select_n3A_271 : vector<1024x128xi1>, vector<1024x128xi32>
    %gt3A_277 = arith.cmpf ogt, %min3A_274, %max3A_261 : vector<1024x128xf32>
    %max3A_278 = arith.maximumf %max3A_261, %min3A_274 : vector<1024x128xf32>
    %select_n3A_279 = arith.select %gt3A_277, %select_n3A_276, %select_n3A_262 : vector<1024x128xi1>, vector<1024x128xi32>
    %slice3A_280 = vector.extract_strided_slice %dot_general3A_9 {offsets = [0, 2048], sizes = [1024, 128], strides = [1, 1]} : vector<1024x4096xf32> to vector<1024x128xf32>
    %add3A_281 = arith.constant 2048 : i32
    %add3A_282 = vector.broadcast %add3A_281 : i32 to vector<1024x128xi32>
    %add3A_283 = arith.addi %iota3A, %add3A_282 : vector<1024x128xi32>
    %gt3A_284 = arith.cmpf ogt, %slice3A_280, %max3A_268 : vector<1024x128xf32>
    %max3A_285 = arith.maximumf %max3A_268, %slice3A_280 : vector<1024x128xf32>
    %min3A_286 = arith.minimumf %max3A_268, %slice3A_280 : vector<1024x128xf32>
    %select_n3A_287 = arith.select %gt3A_284, %add3A_283, %select_n3A_270 : vector<1024x128xi1>, vector<1024x128xi32>
    %select_n3A_288 = arith.select %gt3A_284, %select_n3A_270, %add3A_283 : vector<1024x128xi1>, vector<1024x128xi32>
    %gt3A_289 = arith.cmpf ogt, %min3A_286, %max3A_273 : vector<1024x128xf32>
    %max3A_290 = arith.maximumf %max3A_273, %min3A_286 : vector<1024x128xf32>
    %min3A_291 = arith.minimumf %max3A_273, %min3A_286 : vector<1024x128xf32>
    %select_n3A_292 = arith.select %gt3A_289, %select_n3A_288, %select_n3A_275 : vector<1024x128xi1>, vector<1024x128xi32>
    %select_n3A_293 = arith.select %gt3A_289, %select_n3A_275, %select_n3A_288 : vector<1024x128xi1>, vector<1024x128xi32>
    %gt3A_294 = arith.cmpf ogt, %min3A_291, %max3A_278 : vector<1024x128xf32>
    %max3A_295 = arith.maximumf %max3A_278, %min3A_291 : vector<1024x128xf32>
    %select_n3A_296 = arith.select %gt3A_294, %select_n3A_293, %select_n3A_279 : vector<1024x128xi1>, vector<1024x128xi32>
    %slice3A_297 = vector.extract_strided_slice %dot_general3A_9 {offsets = [0, 2176], sizes = [1024, 128], strides = [1, 1]} : vector<1024x4096xf32> to vector<1024x128xf32>
    %add3A_298 = arith.constant 2176 : i32
    %add3A_299 = vector.broadcast %add3A_298 : i32 to vector<1024x128xi32>
    %add3A_300 = arith.addi %iota3A, %add3A_299 : vector<1024x128xi32>
    %gt3A_301 = arith.cmpf ogt, %slice3A_297, %max3A_285 : vector<1024x128xf32>
    %max3A_302 = arith.maximumf %max3A_285, %slice3A_297 : vector<1024x128xf32>
    %min3A_303 = arith.minimumf %max3A_285, %slice3A_297 : vector<1024x128xf32>
    %select_n3A_304 = arith.select %gt3A_301, %add3A_300, %select_n3A_287 : vector<1024x128xi1>, vector<1024x128xi32>
    %select_n3A_305 = arith.select %gt3A_301, %select_n3A_287, %add3A_300 : vector<1024x128xi1>, vector<1024x128xi32>
    %gt3A_306 = arith.cmpf ogt, %min3A_303, %max3A_290 : vector<1024x128xf32>
    %max3A_307 = arith.maximumf %max3A_290, %min3A_303 : vector<1024x128xf32>
    %min3A_308 = arith.minimumf %max3A_290, %min3A_303 : vector<1024x128xf32>
    %select_n3A_309 = arith.select %gt3A_306, %select_n3A_305, %select_n3A_292 : vector<1024x128xi1>, vector<1024x128xi32>
    %select_n3A_310 = arith.select %gt3A_306, %select_n3A_292, %select_n3A_305 : vector<1024x128xi1>, vector<1024x128xi32>
    %gt3A_311 = arith.cmpf ogt, %min3A_308, %max3A_295 : vector<1024x128xf32>
    %max3A_312 = arith.maximumf %max3A_295, %min3A_308 : vector<1024x128xf32>
    %select_n3A_313 = arith.select %gt3A_311, %select_n3A_310, %select_n3A_296 : vector<1024x128xi1>, vector<1024x128xi32>
    %slice3A_314 = vector.extract_strided_slice %dot_general3A_9 {offsets = [0, 2304], sizes = [1024, 128], strides = [1, 1]} : vector<1024x4096xf32> to vector<1024x128xf32>
    %add3A_315 = arith.constant 2304 : i32
    %add3A_316 = vector.broadcast %add3A_315 : i32 to vector<1024x128xi32>
    %add3A_317 = arith.addi %iota3A, %add3A_316 : vector<1024x128xi32>
    %gt3A_318 = arith.cmpf ogt, %slice3A_314, %max3A_302 : vector<1024x128xf32>
    %max3A_319 = arith.maximumf %max3A_302, %slice3A_314 : vector<1024x128xf32>
    %min3A_320 = arith.minimumf %max3A_302, %slice3A_314 : vector<1024x128xf32>
    %select_n3A_321 = arith.select %gt3A_318, %add3A_317, %select_n3A_304 : vector<1024x128xi1>, vector<1024x128xi32>
    %select_n3A_322 = arith.select %gt3A_318, %select_n3A_304, %add3A_317 : vector<1024x128xi1>, vector<1024x128xi32>
    %gt3A_323 = arith.cmpf ogt, %min3A_320, %max3A_307 : vector<1024x128xf32>
    %max3A_324 = arith.maximumf %max3A_307, %min3A_320 : vector<1024x128xf32>
    %min3A_325 = arith.minimumf %max3A_307, %min3A_320 : vector<1024x128xf32>
    %select_n3A_326 = arith.select %gt3A_323, %select_n3A_322, %select_n3A_309 : vector<1024x128xi1>, vector<1024x128xi32>
    %select_n3A_327 = arith.select %gt3A_323, %select_n3A_309, %select_n3A_322 : vector<1024x128xi1>, vector<1024x128xi32>
    %gt3A_328 = arith.cmpf ogt, %min3A_325, %max3A_312 : vector<1024x128xf32>
    %max3A_329 = arith.maximumf %max3A_312, %min3A_325 : vector<1024x128xf32>
    %select_n3A_330 = arith.select %gt3A_328, %select_n3A_327, %select_n3A_313 : vector<1024x128xi1>, vector<1024x128xi32>
    %slice3A_331 = vector.extract_strided_slice %dot_general3A_9 {offsets = [0, 2432], sizes = [1024, 128], strides = [1, 1]} : vector<1024x4096xf32> to vector<1024x128xf32>
    %add3A_332 = arith.constant 2432 : i32
    %add3A_333 = vector.broadcast %add3A_332 : i32 to vector<1024x128xi32>
    %add3A_334 = arith.addi %iota3A, %add3A_333 : vector<1024x128xi32>
    %gt3A_335 = arith.cmpf ogt, %slice3A_331, %max3A_319 : vector<1024x128xf32>
    %max3A_336 = arith.maximumf %max3A_319, %slice3A_331 : vector<1024x128xf32>
    %min3A_337 = arith.minimumf %max3A_319, %slice3A_331 : vector<1024x128xf32>
    %select_n3A_338 = arith.select %gt3A_335, %add3A_334, %select_n3A_321 : vector<1024x128xi1>, vector<1024x128xi32>
    %select_n3A_339 = arith.select %gt3A_335, %select_n3A_321, %add3A_334 : vector<1024x128xi1>, vector<1024x128xi32>
    %gt3A_340 = arith.cmpf ogt, %min3A_337, %max3A_324 : vector<1024x128xf32>
    %max3A_341 = arith.maximumf %max3A_324, %min3A_337 : vector<1024x128xf32>
    %min3A_342 = arith.minimumf %max3A_324, %min3A_337 : vector<1024x128xf32>
    %select_n3A_343 = arith.select %gt3A_340, %select_n3A_339, %select_n3A_326 : vector<1024x128xi1>, vector<1024x128xi32>
    %select_n3A_344 = arith.select %gt3A_340, %select_n3A_326, %select_n3A_339 : vector<1024x128xi1>, vector<1024x128xi32>
    %gt3A_345 = arith.cmpf ogt, %min3A_342, %max3A_329 : vector<1024x128xf32>
    %max3A_346 = arith.maximumf %max3A_329, %min3A_342 : vector<1024x128xf32>
    %select_n3A_347 = arith.select %gt3A_345, %select_n3A_344, %select_n3A_330 : vector<1024x128xi1>, vector<1024x128xi32>
    %slice3A_348 = vector.extract_strided_slice %dot_general3A_9 {offsets = [0, 2560], sizes = [1024, 128], strides = [1, 1]} : vector<1024x4096xf32> to vector<1024x128xf32>
    %add3A_349 = arith.constant 2560 : i32
    %add3A_350 = vector.broadcast %add3A_349 : i32 to vector<1024x128xi32>
    %add3A_351 = arith.addi %iota3A, %add3A_350 : vector<1024x128xi32>
    %gt3A_352 = arith.cmpf ogt, %slice3A_348, %max3A_336 : vector<1024x128xf32>
    %max3A_353 = arith.maximumf %max3A_336, %slice3A_348 : vector<1024x128xf32>
    %min3A_354 = arith.minimumf %max3A_336, %slice3A_348 : vector<1024x128xf32>
    %select_n3A_355 = arith.select %gt3A_352, %add3A_351, %select_n3A_338 : vector<1024x128xi1>, vector<1024x128xi32>
    %select_n3A_356 = arith.select %gt3A_352, %select_n3A_338, %add3A_351 : vector<1024x128xi1>, vector<1024x128xi32>
    %gt3A_357 = arith.cmpf ogt, %min3A_354, %max3A_341 : vector<1024x128xf32>
    %max3A_358 = arith.maximumf %max3A_341, %min3A_354 : vector<1024x128xf32>
    %min3A_359 = arith.minimumf %max3A_341, %min3A_354 : vector<1024x128xf32>
    %select_n3A_360 = arith.select %gt3A_357, %select_n3A_356, %select_n3A_343 : vector<1024x128xi1>, vector<1024x128xi32>
    %select_n3A_361 = arith.select %gt3A_357, %select_n3A_343, %select_n3A_356 : vector<1024x128xi1>, vector<1024x128xi32>
    %gt3A_362 = arith.cmpf ogt, %min3A_359, %max3A_346 : vector<1024x128xf32>
    %max3A_363 = arith.maximumf %max3A_346, %min3A_359 : vector<1024x128xf32>
    %select_n3A_364 = arith.select %gt3A_362, %select_n3A_361, %select_n3A_347 : vector<1024x128xi1>, vector<1024x128xi32>
    %slice3A_365 = vector.extract_strided_slice %dot_general3A_9 {offsets = [0, 2688], sizes = [1024, 128], strides = [1, 1]} : vector<1024x4096xf32> to vector<1024x128xf32>
    %add3A_366 = arith.constant 2688 : i32
    %add3A_367 = vector.broadcast %add3A_366 : i32 to vector<1024x128xi32>
    %add3A_368 = arith.addi %iota3A, %add3A_367 : vector<1024x128xi32>
    %gt3A_369 = arith.cmpf ogt, %slice3A_365, %max3A_353 : vector<1024x128xf32>
    %max3A_370 = arith.maximumf %max3A_353, %slice3A_365 : vector<1024x128xf32>
    %min3A_371 = arith.minimumf %max3A_353, %slice3A_365 : vector<1024x128xf32>
    %select_n3A_372 = arith.select %gt3A_369, %add3A_368, %select_n3A_355 : vector<1024x128xi1>, vector<1024x128xi32>
    %select_n3A_373 = arith.select %gt3A_369, %select_n3A_355, %add3A_368 : vector<1024x128xi1>, vector<1024x128xi32>
    %gt3A_374 = arith.cmpf ogt, %min3A_371, %max3A_358 : vector<1024x128xf32>
    %max3A_375 = arith.maximumf %max3A_358, %min3A_371 : vector<1024x128xf32>
    %min3A_376 = arith.minimumf %max3A_358, %min3A_371 : vector<1024x128xf32>
    %select_n3A_377 = arith.select %gt3A_374, %select_n3A_373, %select_n3A_360 : vector<1024x128xi1>, vector<1024x128xi32>
    %select_n3A_378 = arith.select %gt3A_374, %select_n3A_360, %select_n3A_373 : vector<1024x128xi1>, vector<1024x128xi32>
    %gt3A_379 = arith.cmpf ogt, %min3A_376, %max3A_363 : vector<1024x128xf32>
    %max3A_380 = arith.maximumf %max3A_363, %min3A_376 : vector<1024x128xf32>
    %select_n3A_381 = arith.select %gt3A_379, %select_n3A_378, %select_n3A_364 : vector<1024x128xi1>, vector<1024x128xi32>
    %slice3A_382 = vector.extract_strided_slice %dot_general3A_9 {offsets = [0, 2816], sizes = [1024, 128], strides = [1, 1]} : vector<1024x4096xf32> to vector<1024x128xf32>
    %add3A_383 = arith.constant 2816 : i32
    %add3A_384 = vector.broadcast %add3A_383 : i32 to vector<1024x128xi32>
    %add3A_385 = arith.addi %iota3A, %add3A_384 : vector<1024x128xi32>
    %gt3A_386 = arith.cmpf ogt, %slice3A_382, %max3A_370 : vector<1024x128xf32>
    %max3A_387 = arith.maximumf %max3A_370, %slice3A_382 : vector<1024x128xf32>
    %min3A_388 = arith.minimumf %max3A_370, %slice3A_382 : vector<1024x128xf32>
    %select_n3A_389 = arith.select %gt3A_386, %add3A_385, %select_n3A_372 : vector<1024x128xi1>, vector<1024x128xi32>
    %select_n3A_390 = arith.select %gt3A_386, %select_n3A_372, %add3A_385 : vector<1024x128xi1>, vector<1024x128xi32>
    %gt3A_391 = arith.cmpf ogt, %min3A_388, %max3A_375 : vector<1024x128xf32>
    %max3A_392 = arith.maximumf %max3A_375, %min3A_388 : vector<1024x128xf32>
    %min3A_393 = arith.minimumf %max3A_375, %min3A_388 : vector<1024x128xf32>
    %select_n3A_394 = arith.select %gt3A_391, %select_n3A_390, %select_n3A_377 : vector<1024x128xi1>, vector<1024x128xi32>
    %select_n3A_395 = arith.select %gt3A_391, %select_n3A_377, %select_n3A_390 : vector<1024x128xi1>, vector<1024x128xi32>
    %gt3A_396 = arith.cmpf ogt, %min3A_393, %max3A_380 : vector<1024x128xf32>
    %max3A_397 = arith.maximumf %max3A_380, %min3A_393 : vector<1024x128xf32>
    %select_n3A_398 = arith.select %gt3A_396, %select_n3A_395, %select_n3A_381 : vector<1024x128xi1>, vector<1024x128xi32>
    %slice3A_399 = vector.extract_strided_slice %dot_general3A_9 {offsets = [0, 2944], sizes = [1024, 128], strides = [1, 1]} : vector<1024x4096xf32> to vector<1024x128xf32>
    %add3A_400 = arith.constant 2944 : i32
    %add3A_401 = vector.broadcast %add3A_400 : i32 to vector<1024x128xi32>
    %add3A_402 = arith.addi %iota3A, %add3A_401 : vector<1024x128xi32>
    %gt3A_403 = arith.cmpf ogt, %slice3A_399, %max3A_387 : vector<1024x128xf32>
    %max3A_404 = arith.maximumf %max3A_387, %slice3A_399 : vector<1024x128xf32>
    %min3A_405 = arith.minimumf %max3A_387, %slice3A_399 : vector<1024x128xf32>
    %select_n3A_406 = arith.select %gt3A_403, %add3A_402, %select_n3A_389 : vector<1024x128xi1>, vector<1024x128xi32>
    %select_n3A_407 = arith.select %gt3A_403, %select_n3A_389, %add3A_402 : vector<1024x128xi1>, vector<1024x128xi32>
    %gt3A_408 = arith.cmpf ogt, %min3A_405, %max3A_392 : vector<1024x128xf32>
    %max3A_409 = arith.maximumf %max3A_392, %min3A_405 : vector<1024x128xf32>
    %min3A_410 = arith.minimumf %max3A_392, %min3A_405 : vector<1024x128xf32>
    %select_n3A_411 = arith.select %gt3A_408, %select_n3A_407, %select_n3A_394 : vector<1024x128xi1>, vector<1024x128xi32>
    %select_n3A_412 = arith.select %gt3A_408, %select_n3A_394, %select_n3A_407 : vector<1024x128xi1>, vector<1024x128xi32>
    %gt3A_413 = arith.cmpf ogt, %min3A_410, %max3A_397 : vector<1024x128xf32>
    %max3A_414 = arith.maximumf %max3A_397, %min3A_410 : vector<1024x128xf32>
    %select_n3A_415 = arith.select %gt3A_413, %select_n3A_412, %select_n3A_398 : vector<1024x128xi1>, vector<1024x128xi32>
    %slice3A_416 = vector.extract_strided_slice %dot_general3A_9 {offsets = [0, 3072], sizes = [1024, 128], strides = [1, 1]} : vector<1024x4096xf32> to vector<1024x128xf32>
    %add3A_417 = arith.constant 3072 : i32
    %add3A_418 = vector.broadcast %add3A_417 : i32 to vector<1024x128xi32>
    %add3A_419 = arith.addi %iota3A, %add3A_418 : vector<1024x128xi32>
    %gt3A_420 = arith.cmpf ogt, %slice3A_416, %max3A_404 : vector<1024x128xf32>
    %max3A_421 = arith.maximumf %max3A_404, %slice3A_416 : vector<1024x128xf32>
    %min3A_422 = arith.minimumf %max3A_404, %slice3A_416 : vector<1024x128xf32>
    %select_n3A_423 = arith.select %gt3A_420, %add3A_419, %select_n3A_406 : vector<1024x128xi1>, vector<1024x128xi32>
    %select_n3A_424 = arith.select %gt3A_420, %select_n3A_406, %add3A_419 : vector<1024x128xi1>, vector<1024x128xi32>
    %gt3A_425 = arith.cmpf ogt, %min3A_422, %max3A_409 : vector<1024x128xf32>
    %max3A_426 = arith.maximumf %max3A_409, %min3A_422 : vector<1024x128xf32>
    %min3A_427 = arith.minimumf %max3A_409, %min3A_422 : vector<1024x128xf32>
    %select_n3A_428 = arith.select %gt3A_425, %select_n3A_424, %select_n3A_411 : vector<1024x128xi1>, vector<1024x128xi32>
    %select_n3A_429 = arith.select %gt3A_425, %select_n3A_411, %select_n3A_424 : vector<1024x128xi1>, vector<1024x128xi32>
    %gt3A_430 = arith.cmpf ogt, %min3A_427, %max3A_414 : vector<1024x128xf32>
    %max3A_431 = arith.maximumf %max3A_414, %min3A_427 : vector<1024x128xf32>
    %select_n3A_432 = arith.select %gt3A_430, %select_n3A_429, %select_n3A_415 : vector<1024x128xi1>, vector<1024x128xi32>
    %slice3A_433 = vector.extract_strided_slice %dot_general3A_9 {offsets = [0, 3200], sizes = [1024, 128], strides = [1, 1]} : vector<1024x4096xf32> to vector<1024x128xf32>
    %add3A_434 = arith.constant 3200 : i32
    %add3A_435 = vector.broadcast %add3A_434 : i32 to vector<1024x128xi32>
    %add3A_436 = arith.addi %iota3A, %add3A_435 : vector<1024x128xi32>
    %gt3A_437 = arith.cmpf ogt, %slice3A_433, %max3A_421 : vector<1024x128xf32>
    %max3A_438 = arith.maximumf %max3A_421, %slice3A_433 : vector<1024x128xf32>
    %min3A_439 = arith.minimumf %max3A_421, %slice3A_433 : vector<1024x128xf32>
    %select_n3A_440 = arith.select %gt3A_437, %add3A_436, %select_n3A_423 : vector<1024x128xi1>, vector<1024x128xi32>
    %select_n3A_441 = arith.select %gt3A_437, %select_n3A_423, %add3A_436 : vector<1024x128xi1>, vector<1024x128xi32>
    %gt3A_442 = arith.cmpf ogt, %min3A_439, %max3A_426 : vector<1024x128xf32>
    %max3A_443 = arith.maximumf %max3A_426, %min3A_439 : vector<1024x128xf32>
    %min3A_444 = arith.minimumf %max3A_426, %min3A_439 : vector<1024x128xf32>
    %select_n3A_445 = arith.select %gt3A_442, %select_n3A_441, %select_n3A_428 : vector<1024x128xi1>, vector<1024x128xi32>
    %select_n3A_446 = arith.select %gt3A_442, %select_n3A_428, %select_n3A_441 : vector<1024x128xi1>, vector<1024x128xi32>
    %gt3A_447 = arith.cmpf ogt, %min3A_444, %max3A_431 : vector<1024x128xf32>
    %max3A_448 = arith.maximumf %max3A_431, %min3A_444 : vector<1024x128xf32>
    %select_n3A_449 = arith.select %gt3A_447, %select_n3A_446, %select_n3A_432 : vector<1024x128xi1>, vector<1024x128xi32>
    %slice3A_450 = vector.extract_strided_slice %dot_general3A_9 {offsets = [0, 3328], sizes = [1024, 128], strides = [1, 1]} : vector<1024x4096xf32> to vector<1024x128xf32>
    %add3A_451 = arith.constant 3328 : i32
    %add3A_452 = vector.broadcast %add3A_451 : i32 to vector<1024x128xi32>
    %add3A_453 = arith.addi %iota3A, %add3A_452 : vector<1024x128xi32>
    %gt3A_454 = arith.cmpf ogt, %slice3A_450, %max3A_438 : vector<1024x128xf32>
    %max3A_455 = arith.maximumf %max3A_438, %slice3A_450 : vector<1024x128xf32>
    %min3A_456 = arith.minimumf %max3A_438, %slice3A_450 : vector<1024x128xf32>
    %select_n3A_457 = arith.select %gt3A_454, %add3A_453, %select_n3A_440 : vector<1024x128xi1>, vector<1024x128xi32>
    %select_n3A_458 = arith.select %gt3A_454, %select_n3A_440, %add3A_453 : vector<1024x128xi1>, vector<1024x128xi32>
    %gt3A_459 = arith.cmpf ogt, %min3A_456, %max3A_443 : vector<1024x128xf32>
    %max3A_460 = arith.maximumf %max3A_443, %min3A_456 : vector<1024x128xf32>
    %min3A_461 = arith.minimumf %max3A_443, %min3A_456 : vector<1024x128xf32>
    %select_n3A_462 = arith.select %gt3A_459, %select_n3A_458, %select_n3A_445 : vector<1024x128xi1>, vector<1024x128xi32>
    %select_n3A_463 = arith.select %gt3A_459, %select_n3A_445, %select_n3A_458 : vector<1024x128xi1>, vector<1024x128xi32>
    %gt3A_464 = arith.cmpf ogt, %min3A_461, %max3A_448 : vector<1024x128xf32>
    %max3A_465 = arith.maximumf %max3A_448, %min3A_461 : vector<1024x128xf32>
    %select_n3A_466 = arith.select %gt3A_464, %select_n3A_463, %select_n3A_449 : vector<1024x128xi1>, vector<1024x128xi32>
    %slice3A_467 = vector.extract_strided_slice %dot_general3A_9 {offsets = [0, 3456], sizes = [1024, 128], strides = [1, 1]} : vector<1024x4096xf32> to vector<1024x128xf32>
    %add3A_468 = arith.constant 3456 : i32
    %add3A_469 = vector.broadcast %add3A_468 : i32 to vector<1024x128xi32>
    %add3A_470 = arith.addi %iota3A, %add3A_469 : vector<1024x128xi32>
    %gt3A_471 = arith.cmpf ogt, %slice3A_467, %max3A_455 : vector<1024x128xf32>
    %max3A_472 = arith.maximumf %max3A_455, %slice3A_467 : vector<1024x128xf32>
    %min3A_473 = arith.minimumf %max3A_455, %slice3A_467 : vector<1024x128xf32>
    %select_n3A_474 = arith.select %gt3A_471, %add3A_470, %select_n3A_457 : vector<1024x128xi1>, vector<1024x128xi32>
    %select_n3A_475 = arith.select %gt3A_471, %select_n3A_457, %add3A_470 : vector<1024x128xi1>, vector<1024x128xi32>
    %gt3A_476 = arith.cmpf ogt, %min3A_473, %max3A_460 : vector<1024x128xf32>
    %max3A_477 = arith.maximumf %max3A_460, %min3A_473 : vector<1024x128xf32>
    %min3A_478 = arith.minimumf %max3A_460, %min3A_473 : vector<1024x128xf32>
    %select_n3A_479 = arith.select %gt3A_476, %select_n3A_475, %select_n3A_462 : vector<1024x128xi1>, vector<1024x128xi32>
    %select_n3A_480 = arith.select %gt3A_476, %select_n3A_462, %select_n3A_475 : vector<1024x128xi1>, vector<1024x128xi32>
    %gt3A_481 = arith.cmpf ogt, %min3A_478, %max3A_465 : vector<1024x128xf32>
    %max3A_482 = arith.maximumf %max3A_465, %min3A_478 : vector<1024x128xf32>
    %select_n3A_483 = arith.select %gt3A_481, %select_n3A_480, %select_n3A_466 : vector<1024x128xi1>, vector<1024x128xi32>
    %slice3A_484 = vector.extract_strided_slice %dot_general3A_9 {offsets = [0, 3584], sizes = [1024, 128], strides = [1, 1]} : vector<1024x4096xf32> to vector<1024x128xf32>
    %add3A_485 = arith.constant 3584 : i32
    %add3A_486 = vector.broadcast %add3A_485 : i32 to vector<1024x128xi32>
    %add3A_487 = arith.addi %iota3A, %add3A_486 : vector<1024x128xi32>
    %gt3A_488 = arith.cmpf ogt, %slice3A_484, %max3A_472 : vector<1024x128xf32>
    %max3A_489 = arith.maximumf %max3A_472, %slice3A_484 : vector<1024x128xf32>
    %min3A_490 = arith.minimumf %max3A_472, %slice3A_484 : vector<1024x128xf32>
    %select_n3A_491 = arith.select %gt3A_488, %add3A_487, %select_n3A_474 : vector<1024x128xi1>, vector<1024x128xi32>
    %select_n3A_492 = arith.select %gt3A_488, %select_n3A_474, %add3A_487 : vector<1024x128xi1>, vector<1024x128xi32>
    %gt3A_493 = arith.cmpf ogt, %min3A_490, %max3A_477 : vector<1024x128xf32>
    %max3A_494 = arith.maximumf %max3A_477, %min3A_490 : vector<1024x128xf32>
    %min3A_495 = arith.minimumf %max3A_477, %min3A_490 : vector<1024x128xf32>
    %select_n3A_496 = arith.select %gt3A_493, %select_n3A_492, %select_n3A_479 : vector<1024x128xi1>, vector<1024x128xi32>
    %select_n3A_497 = arith.select %gt3A_493, %select_n3A_479, %select_n3A_492 : vector<1024x128xi1>, vector<1024x128xi32>
    %gt3A_498 = arith.cmpf ogt, %min3A_495, %max3A_482 : vector<1024x128xf32>
    %max3A_499 = arith.maximumf %max3A_482, %min3A_495 : vector<1024x128xf32>
    %select_n3A_500 = arith.select %gt3A_498, %select_n3A_497, %select_n3A_483 : vector<1024x128xi1>, vector<1024x128xi32>
    %slice3A_501 = vector.extract_strided_slice %dot_general3A_9 {offsets = [0, 3712], sizes = [1024, 128], strides = [1, 1]} : vector<1024x4096xf32> to vector<1024x128xf32>
    %add3A_502 = arith.constant 3712 : i32
    %add3A_503 = vector.broadcast %add3A_502 : i32 to vector<1024x128xi32>
    %add3A_504 = arith.addi %iota3A, %add3A_503 : vector<1024x128xi32>
    %gt3A_505 = arith.cmpf ogt, %slice3A_501, %max3A_489 : vector<1024x128xf32>
    %max3A_506 = arith.maximumf %max3A_489, %slice3A_501 : vector<1024x128xf32>
    %min3A_507 = arith.minimumf %max3A_489, %slice3A_501 : vector<1024x128xf32>
    %select_n3A_508 = arith.select %gt3A_505, %add3A_504, %select_n3A_491 : vector<1024x128xi1>, vector<1024x128xi32>
    %select_n3A_509 = arith.select %gt3A_505, %select_n3A_491, %add3A_504 : vector<1024x128xi1>, vector<1024x128xi32>
    %gt3A_510 = arith.cmpf ogt, %min3A_507, %max3A_494 : vector<1024x128xf32>
    %max3A_511 = arith.maximumf %max3A_494, %min3A_507 : vector<1024x128xf32>
    %min3A_512 = arith.minimumf %max3A_494, %min3A_507 : vector<1024x128xf32>
    %select_n3A_513 = arith.select %gt3A_510, %select_n3A_509, %select_n3A_496 : vector<1024x128xi1>, vector<1024x128xi32>
    %select_n3A_514 = arith.select %gt3A_510, %select_n3A_496, %select_n3A_509 : vector<1024x128xi1>, vector<1024x128xi32>
    %gt3A_515 = arith.cmpf ogt, %min3A_512, %max3A_499 : vector<1024x128xf32>
    %max3A_516 = arith.maximumf %max3A_499, %min3A_512 : vector<1024x128xf32>
    %select_n3A_517 = arith.select %gt3A_515, %select_n3A_514, %select_n3A_500 : vector<1024x128xi1>, vector<1024x128xi32>
    %slice3A_518 = vector.extract_strided_slice %dot_general3A_9 {offsets = [0, 3840], sizes = [1024, 128], strides = [1, 1]} : vector<1024x4096xf32> to vector<1024x128xf32>
    %add3A_519 = arith.constant 3840 : i32
    %add3A_520 = vector.broadcast %add3A_519 : i32 to vector<1024x128xi32>
    %add3A_521 = arith.addi %iota3A, %add3A_520 : vector<1024x128xi32>
    %gt3A_522 = arith.cmpf ogt, %slice3A_518, %max3A_506 : vector<1024x128xf32>
    %max3A_523 = arith.maximumf %max3A_506, %slice3A_518 : vector<1024x128xf32>
    %min3A_524 = arith.minimumf %max3A_506, %slice3A_518 : vector<1024x128xf32>
    %select_n3A_525 = arith.select %gt3A_522, %add3A_521, %select_n3A_508 : vector<1024x128xi1>, vector<1024x128xi32>
    %select_n3A_526 = arith.select %gt3A_522, %select_n3A_508, %add3A_521 : vector<1024x128xi1>, vector<1024x128xi32>
    %gt3A_527 = arith.cmpf ogt, %min3A_524, %max3A_511 : vector<1024x128xf32>
    %max3A_528 = arith.maximumf %max3A_511, %min3A_524 : vector<1024x128xf32>
    %min3A_529 = arith.minimumf %max3A_511, %min3A_524 : vector<1024x128xf32>
    %select_n3A_530 = arith.select %gt3A_527, %select_n3A_526, %select_n3A_513 : vector<1024x128xi1>, vector<1024x128xi32>
    %select_n3A_531 = arith.select %gt3A_527, %select_n3A_513, %select_n3A_526 : vector<1024x128xi1>, vector<1024x128xi32>
    %gt3A_532 = arith.cmpf ogt, %min3A_529, %max3A_516 : vector<1024x128xf32>
    %max3A_533 = arith.maximumf %max3A_516, %min3A_529 : vector<1024x128xf32>
    %select_n3A_534 = arith.select %gt3A_532, %select_n3A_531, %select_n3A_517 : vector<1024x128xi1>, vector<1024x128xi32>
    %slice3A_535 = vector.extract_strided_slice %dot_general3A_9 {offsets = [0, 3968], sizes = [1024, 128], strides = [1, 1]} : vector<1024x4096xf32> to vector<1024x128xf32>
    %add3A_536 = arith.constant 3968 : i32
    %add3A_537 = vector.broadcast %add3A_536 : i32 to vector<1024x128xi32>
    %add3A_538 = arith.addi %iota3A, %add3A_537 : vector<1024x128xi32>
    %gt3A_539 = arith.cmpf ogt, %slice3A_535, %max3A_523 : vector<1024x128xf32>
    %max3A_540 = arith.maximumf %max3A_523, %slice3A_535 : vector<1024x128xf32>
    %min3A_541 = arith.minimumf %max3A_523, %slice3A_535 : vector<1024x128xf32>
    %select_n3A_542 = arith.select %gt3A_539, %add3A_538, %select_n3A_525 : vector<1024x128xi1>, vector<1024x128xi32>
    %select_n3A_543 = arith.select %gt3A_539, %select_n3A_525, %add3A_538 : vector<1024x128xi1>, vector<1024x128xi32>
    %gt3A_544 = arith.cmpf ogt, %min3A_541, %max3A_528 : vector<1024x128xf32>
    %max3A_545 = arith.maximumf %max3A_528, %min3A_541 : vector<1024x128xf32>
    %min3A_546 = arith.minimumf %max3A_528, %min3A_541 : vector<1024x128xf32>
    %select_n3A_547 = arith.select %gt3A_544, %select_n3A_543, %select_n3A_530 : vector<1024x128xi1>, vector<1024x128xi32>
    %select_n3A_548 = arith.select %gt3A_544, %select_n3A_530, %select_n3A_543 : vector<1024x128xi1>, vector<1024x128xi32>
    %gt3A_549 = arith.cmpf ogt, %min3A_546, %max3A_533 : vector<1024x128xf32>
    %max3A_550 = arith.maximumf %max3A_533, %min3A_546 : vector<1024x128xf32>
    %select_n3A_551 = arith.select %gt3A_549, %select_n3A_548, %select_n3A_534 : vector<1024x128xi1>, vector<1024x128xi32>
    %reduce_max3A = arith.constant dense<0xFF800000> : vector<1024xf32>
    %reduce_max3A_552 = vector.multi_reduction <maximumf>, %max3A_540, %reduce_max3A [1] : vector<1024x128xf32> to vector<1024xf32>
    %broadcast_in_dim3A_553 = vector.shape_cast %reduce_max3A_552 : vector<1024xf32> to vector<1024x1xf32>
    %eq3A_554 = vector.broadcast %broadcast_in_dim3A_553 : vector<1024x1xf32> to vector<1024x128xf32>
    %eq3A_555 = arith.cmpf oeq, %max3A_540, %eq3A_554 : vector<1024x128xf32>
    %jit3A = arith.constant 4096 : i32
    %broadcast_in_dim3A_556 = vector.broadcast %jit3A : i32 to vector<1024x128xi32>
    %select_n3A_557 = arith.select %eq3A_555, %select_n3A_542, %broadcast_in_dim3A_556 : vector<1024x128xi1>, vector<1024x128xi32>
    %reduce_min3A = arith.constant dense<2147483647> : vector<1024xi32>
    %reduce_min3A_558 = vector.multi_reduction <minsi>, %select_n3A_557, %reduce_min3A [1] : vector<1024x128xi32> to vector<1024xi32>
    %broadcast_in_dim3A_559 = vector.shape_cast %reduce_min3A_558 : vector<1024xi32> to vector<1024x1xi32>
    %eq3A_560 = vector.broadcast %broadcast_in_dim3A_559 : vector<1024x1xi32> to vector<1024x128xi32>
    %eq3A_561 = arith.cmpi eq, %select_n3A_542, %eq3A_560 : vector<1024x128xi32>
    %select_n3A_562 = arith.select %eq3A_561, %max3A_545, %max3A_540 : vector<1024x128xi1>, vector<1024x128xf32>
    %select_n3A_563 = arith.select %eq3A_561, %select_n3A_547, %select_n3A_542 : vector<1024x128xi1>, vector<1024x128xi32>
    %select_n3A_564 = arith.select %eq3A_561, %max3A_550, %max3A_545 : vector<1024x128xi1>, vector<1024x128xf32>
    %select_n3A_565 = arith.select %eq3A_561, %select_n3A_551, %select_n3A_547 : vector<1024x128xi1>, vector<1024x128xi32>
    %reduce_max3A_566 = arith.constant dense<0xFF800000> : vector<1024xf32>
    %reduce_max3A_567 = vector.multi_reduction <maximumf>, %select_n3A_562, %reduce_max3A_566 [1] : vector<1024x128xf32> to vector<1024xf32>
    %broadcast_in_dim3A_568 = vector.shape_cast %reduce_max3A_567 : vector<1024xf32> to vector<1024x1xf32>
    %eq3A_569 = vector.broadcast %broadcast_in_dim3A_568 : vector<1024x1xf32> to vector<1024x128xf32>
    %eq3A_570 = arith.cmpf oeq, %select_n3A_562, %eq3A_569 : vector<1024x128xf32>
    %jit3A_571 = arith.constant 4096 : i32
    %broadcast_in_dim3A_572 = vector.broadcast %jit3A_571 : i32 to vector<1024x128xi32>
    %select_n3A_573 = arith.select %eq3A_570, %select_n3A_563, %broadcast_in_dim3A_572 : vector<1024x128xi1>, vector<1024x128xi32>
    %reduce_min3A_574 = arith.constant dense<2147483647> : vector<1024xi32>
    %reduce_min3A_575 = vector.multi_reduction <minsi>, %select_n3A_573, %reduce_min3A_574 [1] : vector<1024x128xi32> to vector<1024xi32>
    %broadcast_in_dim3A_576 = vector.shape_cast %reduce_min3A_575 : vector<1024xi32> to vector<1024x1xi32>
    %eq3A_577 = vector.broadcast %broadcast_in_dim3A_576 : vector<1024x1xi32> to vector<1024x128xi32>
    %eq3A_578 = arith.cmpi eq, %select_n3A_563, %eq3A_577 : vector<1024x128xi32>
    %select_n3A_579 = arith.select %eq3A_578, %select_n3A_564, %select_n3A_562 : vector<1024x128xi1>, vector<1024x128xf32>
    %select_n3A_580 = arith.select %eq3A_578, %select_n3A_565, %select_n3A_563 : vector<1024x128xi1>, vector<1024x128xi32>
    %reduce_max3A_581 = arith.constant dense<0xFF800000> : vector<1024xf32>
    %reduce_max3A_582 = vector.multi_reduction <maximumf>, %select_n3A_579, %reduce_max3A_581 [1] : vector<1024x128xf32> to vector<1024xf32>
    %broadcast_in_dim3A_583 = vector.shape_cast %reduce_max3A_582 : vector<1024xf32> to vector<1024x1xf32>
    %eq3A_584 = vector.broadcast %broadcast_in_dim3A_583 : vector<1024x1xf32> to vector<1024x128xf32>
    %eq3A_585 = arith.cmpf oeq, %select_n3A_579, %eq3A_584 : vector<1024x128xf32>
    %jit3A_586 = arith.constant 4096 : i32
    %broadcast_in_dim3A_587 = vector.broadcast %jit3A_586 : i32 to vector<1024x128xi32>
    %select_n3A_588 = arith.select %eq3A_585, %select_n3A_580, %broadcast_in_dim3A_587 : vector<1024x128xi1>, vector<1024x128xi32>
    %reduce_min3A_589 = arith.constant dense<2147483647> : vector<1024xi32>
    %reduce_min3A_590 = vector.multi_reduction <minsi>, %select_n3A_588, %reduce_min3A_589 [1] : vector<1024x128xi32> to vector<1024xi32>
    %broadcast_in_dim3A_591 = arith.constant 1.000000e+00 : f32
    %broadcast_in_dim3A_592 = vector.broadcast %broadcast_in_dim3A_591 : f32 to vector<1024xf32>
    %sub3A = arith.subf %reduce_max3A_567, %reduce_max3A_552 : vector<1024xf32>
    %exp3A = math.exp %sub3A : vector<1024xf32>
    %sub3A_593 = arith.subf %reduce_max3A_582, %reduce_max3A_552 : vector<1024xf32>
    %exp3A_594 = math.exp %sub3A_593 : vector<1024xf32>
    %add3A_595 = arith.addf %broadcast_in_dim3A_592, %exp3A : vector<1024xf32>
    %add3A_596 = arith.addf %add3A_595, %exp3A_594 : vector<1024xf32>
    %div3A = arith.divf %broadcast_in_dim3A_592, %add3A_596 : vector<1024xf32>
    %div3A_597 = arith.divf %exp3A, %add3A_596 : vector<1024xf32>
    %div3A_598 = arith.divf %exp3A_594, %add3A_596 : vector<1024xf32>
    %broadcast_in_dim3A_599 = vector.shape_cast %div3A : vector<1024xf32> to vector<1024x1xf32>
    %broadcast_in_dim3A_600 = vector.shape_cast %div3A_597 : vector<1024xf32> to vector<1024x1xf32>
    %broadcast_in_dim3A_601 = vector.shape_cast %div3A_598 : vector<1024xf32> to vector<1024x1xf32>
    %concatenate3A = tpu.concatenate %broadcast_in_dim3A_599, %broadcast_in_dim3A_600, %broadcast_in_dim3A_601 in 1 : vector<1024x1xf32>, vector<1024x1xf32>, vector<1024x1xf32> -> vector<1024x3xf32>
    %swap3A = arith.constant 0 : index
    %swap3A_602 = arith.constant 0 : index
    %swap3A_603 = vector.load %arg6[%swap3A, %swap3A_602] : memref<1024x3xf32, #tpu.memory_space<vmem>>, vector<1024x3xf32>
    tpu.vector_store %arg6[%swap3A, %swap3A_602], %concatenate3A {strides = array<i32>} : memref<1024x3xf32, #tpu.memory_space<vmem>>, vector<1024x3xf32>,
    %reshape3A = vector.shape_cast %div3A : vector<1024xf32> to vector<8x128xf32>
    %reshape3A_604 = vector.shape_cast %div3A_597 : vector<1024xf32> to vector<8x128xf32>
    %reshape3A_605 = vector.shape_cast %div3A_598 : vector<1024xf32> to vector<8x128xf32>
    %broadcast_in_dim3A_606 = arith.constant 0.000000e+00 : f32
    %broadcast_in_dim3A_607 = vector.broadcast %broadcast_in_dim3A_606 : f32 to vector<8x128xf32>
    %stack3A = vector.shape_cast %reshape3A : vector<8x128xf32> to vector<8x1x128xf32>
    %stack3A_608 = vector.shape_cast %reshape3A_604 : vector<8x128xf32> to vector<8x1x128xf32>
    %stack3A_609 = vector.shape_cast %reshape3A_605 : vector<8x128xf32> to vector<8x1x128xf32>
    %stack3A_610 = vector.shape_cast %broadcast_in_dim3A_607 : vector<8x128xf32> to vector<8x1x128xf32>
    %stack3A_611 = vector.shape_cast %broadcast_in_dim3A_607 : vector<8x128xf32> to vector<8x1x128xf32>
    %stack3A_612 = vector.shape_cast %broadcast_in_dim3A_607 : vector<8x128xf32> to vector<8x1x128xf32>
    %stack3A_613 = vector.shape_cast %broadcast_in_dim3A_607 : vector<8x128xf32> to vector<8x1x128xf32>
    %stack3A_614 = vector.shape_cast %broadcast_in_dim3A_607 : vector<8x128xf32> to vector<8x1x128xf32>
    %stack3A_615 = tpu.concatenate %stack3A, %stack3A_608, %stack3A_609, %stack3A_610, %stack3A_611, %stack3A_612, %stack3A_613, %stack3A_614 in 1 : vector<8x1x128xf32>, vector<8x1x128xf32>, vector<8x1x128xf32>, vector<8x1x128xf32>, vector<8x1x128xf32>, vector<8x1x128xf32>, vector<8x1x128xf32>, vector<8x1x128xf32> -> vector<8x8x128xf32>
    %swap3A_616 = arith.constant 0 : index
    %swap3A_617 = arith.constant 0 : index
    %swap3A_618 = arith.constant 0 : index
    %swap3A_619 = vector.load %arg7[%swap3A_616, %swap3A_617, %swap3A_618] : memref<8x8x128xf32, #tpu.memory_space<vmem>>, vector<8x8x128xf32>
    tpu.vector_store %arg7[%swap3A_616, %swap3A_617, %swap3A_618], %stack3A_615 {strides = array<i32>} : memref<8x8x128xf32, #tpu.memory_space<vmem>>, vector<8x8x128xf32>,
    %reshape3A_620 = vector.shape_cast %reduce_min3A_558 : vector<1024xi32> to vector<8x128xi32>
    %reshape3A_621 = vector.shape_cast %reduce_min3A_575 : vector<1024xi32> to vector<8x128xi32>
    %reshape3A_622 = vector.shape_cast %reduce_min3A_590 : vector<1024xi32> to vector<8x128xi32>
    %broadcast_in_dim3A_623 = arith.constant 0 : i32
    %broadcast_in_dim3A_624 = vector.broadcast %broadcast_in_dim3A_623 : i32 to vector<8x128xi32>
    %stack3A_625 = vector.shape_cast %reshape3A_620 : vector<8x128xi32> to vector<8x1x128xi32>
    %stack3A_626 = vector.shape_cast %reshape3A_621 : vector<8x128xi32> to vector<8x1x128xi32>
    %stack3A_627 = vector.shape_cast %reshape3A_622 : vector<8x128xi32> to vector<8x1x128xi32>
    %stack3A_628 = vector.shape_cast %broadcast_in_dim3A_624 : vector<8x128xi32> to vector<8x1x128xi32>
    %stack3A_629 = vector.shape_cast %broadcast_in_dim3A_624 : vector<8x128xi32> to vector<8x1x128xi32>
    %stack3A_630 = vector.shape_cast %broadcast_in_dim3A_624 : vector<8x128xi32> to vector<8x1x128xi32>
    %stack3A_631 = vector.shape_cast %broadcast_in_dim3A_624 : vector<8x128xi32> to vector<8x1x128xi32>
    %stack3A_632 = vector.shape_cast %broadcast_in_dim3A_624 : vector<8x128xi32> to vector<8x1x128xi32>
    %stack3A_633 = tpu.concatenate %stack3A_625, %stack3A_626, %stack3A_627, %stack3A_628, %stack3A_629, %stack3A_630, %stack3A_631, %stack3A_632 in 1 : vector<8x1x128xi32>, vector<8x1x128xi32>, vector<8x1x128xi32>, vector<8x1x128xi32>, vector<8x1x128xi32>, vector<8x1x128xi32>, vector<8x1x128xi32>, vector<8x1x128xi32> -> vector<8x8x128xi32>
    %swap3A_634 = arith.constant 0 : index
    %swap3A_635 = arith.constant 0 : index
    %swap3A_636 = arith.constant 0 : index
    %swap3A_637 = vector.load %arg8[%swap3A_634, %swap3A_635, %swap3A_636] : memref<8x8x128xi32, #tpu.memory_space<vmem>>, vector<8x8x128xi32>
    tpu.vector_store %arg8[%swap3A_634, %swap3A_635, %swap3A_636], %stack3A_633 {strides = array<i32>} : memref<8x8x128xi32, #tpu.memory_space<vmem>>, vector<8x8x128xi32>,
    return
  }
  func.func @transform_0(%arg0: i32) -> (i32, i32) {
    %c0_i32 = arith.constant 0 : i32
    %c0_i32_0 = arith.constant 0 : i32
    %c0_i32_1 = arith.constant 0 : i32
    return %c0_i32, %c0_i32_0 : i32, i32
  }
  func.func @transform_1(%arg0: i32) -> (i32, i32) {
    %c0_i32 = arith.constant 0 : i32
    %c0_i32_0 = arith.constant 0 : i32
    %c0_i32_1 = arith.constant 0 : i32
    return %c0_i32, %c0_i32_0 : i32, i32
  }
  func.func @transform_2(%arg0: i32) -> i32 {
    %c0_i32 = arith.constant 0 : i32
    %c0_i32_0 = arith.constant 0 : i32
    return %c0_i32 : i32
  }
  func.func @transform_3(%arg0: i32) -> (i32, i32) {
    %c0_i32 = arith.constant 0 : i32
    %c0_i32_0 = arith.constant 0 : i32
    %c0_i32_1 = arith.constant 0 : i32
    return %c0_i32, %c0_i32_0 : i32, i32
  }
  func.func @transform_4(%arg0: i32) -> i32 {
    %c0_i32 = arith.constant 0 : i32
    %c0_i32_0 = arith.constant 0 : i32
    return %c0_i32 : i32
  }
  func.func @transform_5(%arg0: i32) -> (i32, i32) {
    %c0_i32 = arith.constant 0 : i32
    %c0_i32_0 = arith.constant 0 : i32
    return %arg0, %c0_i32 : i32, i32
  }
  func.func @transform_6(%arg0: i32) -> (i32, i32, i32) {
    %c0_i32 = arith.constant 0 : i32
    %c0_i32_0 = arith.constant 0 : i32
    %c0_i32_1 = arith.constant 0 : i32
    return %arg0, %c0_i32, %c0_i32_0 : i32, i32, i32
  }
  func.func @transform_7(%arg0: i32) -> (i32, i32, i32) {
    %c0_i32 = arith.constant 0 : i32
    %c0_i32_0 = arith.constant 0 : i32
    %c0_i32_1 = arith.constant 0 : i32
    return %arg0, %c0_i32, %c0_i32_0 : i32, i32, i32
  }
}

</mosaic_0001>

<sc_bundles>
// kernel: kernel.6.cloned.1.call-start
scs
__scs_entry_jumppad:
0x0: {  	(pc) =	sbr.rel $0x88, $3  }
0x1: {  	(tag) =	ssettag $0x0;
	lr =	simm.s32 $0x1  }
0x2: {  	[smem:$0x3F9C] =	sst lr;
	_ =	strace $0xD0000000  }
0x3: {  	_ = 	snop  }
0x4: {  	_ = 	snop  }
0x5: {  	_ = 	snop  }
0x6: {  	_ = 	snop  }
0x7: {  	_ = 	snop  }
__scs_overlays_trampoline_lowered:
0x8: {  	[smem:$0x3FAB] =	sst s0  }
0x9: {  	[smem:$0x3FAC] =	sst s1  }
0xa: {  	[smem:$0x3FAD] =	sst s2  }
0xb: {  	[smem:$0x3FAE] =	sst s3  }
0xc: {  	[smem:$0x3FAF] =	sst s4  }
0xd: {  	[smem:$0x3FB0] =	sst s5  }
0xe: {  	[smem:$0x3FB1] =	sst s6  }
0xf: {  	[smem:$0x3FB2] =	sst s7  }
0x10: {  	[smem:$0x3FB3] =	sst s8  }
0x11: {  	[smem:$0x3FB4] =	sst s9;
	s0 =	simm.s32 @!p0 $0x0  }
0x12: {  	s1 =	sld [smem:$0x3F9A];
	s0 =	simm.s32 @p0 $0x1  }
0x13: {  	[smem:$0x3FB5] =	sst s0;
	s0 =	simm.s32 @!p1 $0x0  }
0x14: {  	s2 =	sld [smem:$0x3F99];
	s0 =	simm.s32 @p1 $0x1  }
0x15: {  	[smem:$0x3FB6] =	sst s0;
	s0 =	simm.s32 @!p2 $0x0  }
0x16: {  	s3 =	sld [smem:$0x3FDB];
	s0 =	simm.s32 @p2 $0x1  }
0x17: {  	s4 =	simm.s32 $0x1BF5;
	[smem:$0x3FB8] =	sst s0  }
0x18: {  	s0 =	sld [smem:$0x3F9B];
	_ =	swait.ge [sflag:s4], $0x0  }
0x19: {  	s7 =	sld [smem:$0x3F9C]  }
0x1a: {  	s8 =	sadd.s32 $0xFFFFE003, lr  }
0x1b: {  	s9 =	sadd.s32 $0xFFFFFEF7, lr;
	s5 =	simm.s32 $0xFFFFFFFF;
	p2 =	slt.u32 s8, $0xFFFFF086  }
0x1c: {  	p1 =	slt.u32 s9, $0xF7A;
	s5 =	simm.s32 @!p2 $0x0  }
0x1d: {  	s5 =	simm.s32 @p1 $0x1;
	p0 =	seq.s32 s7, s2  }
0x1e: {  	s7 =	smul.u32 @!p0 $0xF7A, s2;
	p2 =	seq.s32 @!p0 s5, $0x0  }
0x1f: {  	s9 =	smul.u32 $0xF7A, s1;
	s8 =	simm.s32 @!p0 $0x1BF5;
	p2 =	por !p2, p0  }
0x20: {  	[sflag:s8] =	ssyncset.s32 @!p0 $0xFFFFF086;
	s6 =	sadd.s32 @!p0 s3, s7;
	s7 =	simm.s32 @!p0 $0x108  }
0x21: {  	s3 =	sadd.s32 s3, s9;
	s6 =	sadd.s32 @!p0 $0x88, s6;
	s7 =	simm.s32 @p2 $0x1082  }
0x22: {  	[simem:s7], [sflag:s8] =	dma.local @!p0 [hbm:s6], $0xF7A  }
0x23: {  	s9 =	sor.u32 $0xD0000000, s2;
	s6 =	simm.s32 $0x108;
	_ =	swait.ge @!p0 [sflag:s8], $0x0  }
0x24: {  	s3 =	sadd.s32 $0x88, s3;
	s6 =	simm.s32 @!p1 $0x1082;
	[sflag:s4] =	ssyncset.s32 $0xFFFFF086  }
0x25: {  	[simem:s6], [sflag:s4] =	dma.local [hbm:s3], $0xF7A  }
0x26: {  	[smem:$0x3F9C] =	sst s1;
	(tag) =	ssettag s2;
	_ =	strace s9  }
0x27: {  	s1 =	sld [smem:$0x3FAC]  }
0x28: {  	s2 =	sld [smem:$0x3FAD]  }
0x29: {  	s4 =	sld [smem:$0x3FAF]  }
0x2a: {  	p0 =	seq.s32 s5, $0x0;
	s5 =	sld [smem:$0x3FB0]  }
0x2b: {  	s6 =	sld [smem:$0x3FB1]  }
0x2c: {  	s7 =	sld [smem:$0x3FB2]  }
0x2d: {  	s3 =	simm.s32 $0x108;
	s8 =	sld [smem:$0x3FB3]  }
0x2e: {  	s3 =	simm.s32 @!p0 $0x1082;
	s9 =	sld [smem:$0x3FB4]  }
0x2f: {  	lr =	sadd.s32 s0, s3;
	s0 =	sld [smem:$0x3FAB]  }
0x30: {  	s3 =	sld [smem:$0x3FAE]  }
0x31: {  	[smem:$0x3FB7] =	sst s10  }
0x32: {  	s10 =	sld [smem:$0x3FB5];
	_ =	sdelay $0x3  }
0x33: {  	p0 =	seq.s32 s10, $0x1;
	s10 =	sld [smem:$0x3FB7];
	_ =	sdelay $0x3  }
0x34: {  	[smem:$0x3FB7] =	sst s10  }
0x35: {  	s10 =	sld [smem:$0x3FB6];
	_ =	sdelay $0x3  }
0x36: {  	p1 =	seq.s32 s10, $0x1;
	s10 =	sld [smem:$0x3FB7];
	_ =	sdelay $0x3  }
0x37: {  	[smem:$0x3FB7] =	sst s10  }
0x38: {  	s10 =	sld [smem:$0x3FB8]  }
0x39: {  	_ = 	snop;
	(pc) =	sbr.ind lr, $3  }
0x3a: {  	_ = 	snop  }
0x3b: {  	_ = 	snop  }
0x3c: {  	p2 =	seq.s32 s10, $0x1;
	s10 =	sld [smem:$0x3FB7]  }
0x3d: {  	_ =	shalt  }
0x3e: {  	_ =	shalt  }
0x3f: {  	_ =	shalt  }
0x40: {  	_ =	shalt  }
0x41: {  	_ =	shalt  }
0x42: {  	_ =	shalt  }
0x43: {  	_ =	shalt  }
0x44: {  	_ =	shalt  }
0x45: {  	_ =	shalt  }
0x46: {  	_ =	shalt  }
0x47: {  	_ =	shalt  }
0x48: {  	_ =	shalt  }
0x49: {  	_ =	shalt  }
0x4a: {  	_ =	shalt  }
0x4b: {  	_ =	shalt  }
0x4c: {  	_ =	shalt  }
0x4d: {  	_ =	shalt  }
0x4e: {  	_ =	shalt  }
0x4f: {  	_ =	shalt  }
0x50: {  	_ =	shalt  }
0x51: {  	_ =	shalt  }
0x52: {  	_ =	shalt  }
0x53: {  	_ =	shalt  }
0x54: {  	_ =	shalt  }
0x55: {  	_ =	shalt  }
0x56: {  	_ =	shalt  }
0x57: {  	_ =	shalt  }
0x58: {  	_ =	shalt  }
0x59: {  	_ =	shalt  }
0x5a: {  	_ =	shalt  }
0x5b: {  	_ =	shalt  }
0x5c: {  	_ =	shalt  }
0x5d: {  	_ =	shalt  }
0x5e: {  	_ =	shalt  }
0x5f: {  	_ =	shalt  }
0x60: {  	_ =	shalt  }
0x61: {  	_ =	shalt  }
0x62: {  	_ =	shalt  }
0x63: {  	_ =	shalt  }
0x64: {  	_ =	shalt  }
0x65: {  	_ =	shalt  }
0x66: {  	_ =	shalt  }
0x67: {  	_ =	shalt  }
0x68: {  	_ =	shalt  }
0x69: {  	_ =	shalt  }
0x6a: {  	_ =	shalt  }
0x6b: {  	_ =	shalt  }
0x6c: {  	_ =	shalt  }
0x6d: {  	_ =	shalt  }
0x6e: {  	_ =	shalt  }
0x6f: {  	_ =	shalt  }
0x70: {  	_ =	shalt  }
0x71: {  	_ =	shalt  }
0x72: {  	_ =	shalt  }
0x73: {  	_ =	shalt  }
0x74: {  	_ =	shalt  }
0x75: {  	_ =	shalt  }
0x76: {  	_ =	shalt  }
0x77: {  	_ =	shalt  }
0x78: {  	_ =	shalt  }
0x79: {  	_ =	shalt  }
0x7a: {  	_ =	shalt  }
0x7b: {  	_ =	shalt  }
0x7c: {  	_ =	shalt  }
0x7d: {  	_ =	shalt  }
0x7e: {  	_ =	shalt  }
0x7f: {  	_ =	shalt  }
0x80: {  	_ =	shalt  }
0x81: {  	_ =	shalt  }
0x82: {  	_ =	shalt  }
0x83: {  	_ =	shalt  }
0x84: {  	_ =	shalt  }
0x85: {  	_ =	shalt  }
0x86: {  	_ =	shalt  }
0x87: {  	_ =	shalt  }
.Lfunc_end0:
.L_simem_size_0:
called_computation_lowered:
.L_overlay_start_0:
0x88: {  	s2 =	sld [smem:$0x3FD9]  }
0x89: {  	s3 =	sld [smem:$0x3FFE];
	_ =	sdelay $0x1  }
0x8a: {  	s1 =	srdreg.scid  }
0x8b: {  	s0 =	sand.u32 $0x1, s1  }
0x8c: {  	s14 =	sshll.u32 s0, $0xA;
	s2 =	sadd.s32 s3, s2  }
0x8d: {  	s2 =	sadd.s32 s2, s14  }
0x8e: {  	[smem:$0x3FC3] =	sst s2  }
0x8f: {  	_ = 	snop  }
0x90: {  	s2 =	sld [smem:$0x3FD0];
	_ =	sdelay $0x2  }
0x91: {  	s15 =	simm.s32 $0xB;
	s4 =	simm.s32 $0x10  }
0x92: {  	[smem:s4], [sflag:s15] =	dma.local [hbm:s2], $0x1  }
0x93: {  	_ =	swait.eq [sflag:s15], $0x1  }
0x94: {  	[sflag:s15] =	ssyncset.done $0x0  }
0x95: {  	[sflag:s15] =	ssyncadd.s32 $0xFFFFFFFF  }
0x96: {  	s16 =	sld [smem:$0x11];
	(tm) =	ssettm $0x1  }
0x97: {  	s17 =	sld [smem:$0x3FFB];
	_ =	sdelay $0x3  }
0x98: {  	_ =	strace s17  }
0x99: {  	s3 =	sld [smem:$0x3FFC];
	_ =	sdelay $0x3  }
0x9a: {  	_ =	strace s3  }
0x9b: {  	s3 =	sld [smem:$0x3FFD];
	_ =	sdelay $0x3  }
0x9c: {  	_ =	strace s3  }
0x9d: {  	_ =	strace $0x8FFFFFFF  }
0x9e: {  	s18 =	sld [smem:$0x3FDB];
	_ =	sdelay $0x1  }
0x9f: {  	s19 =	simm.s32 $_scs_section_size  }
0xa0: {  	s5 =	simm.s32 $_size__tile_overlayer_lowered;
	s6 =	simm.s32 $_tile_overlayer_lowered  }
0xa1: {  	s22 =	simm.s32 $0x1BFF;
	s21 =	sshll.u32 s6, $0x1;
	s3 =	sadd.s32 s19, s18  }
0xa2: {  	s7 =	simm.s32 $0x0;
	s20 =	sshll.u32 s5, $0x1;
	s5 =	sadd.s32 s21, s3  }
0xa3: {  	[timem:s7], [sflag:s22] =	dma.local [hbm:s5], s20  }
0xa4: {  	_ =	swait.ge [sflag:s22], s20  }
0xa5: {  	s4 =	ssub.s32 $0x0, s20;
	[sflag:s22] =	ssyncset.done $0x0  }
0xa6: {  	[sflag:s22] =	ssyncadd.s32 s4;
	_ =	sdelay $0x1  }
0xa7: {  	s23 =	simm.s32 $0x1B8B  }
0xa8: {  	_ =	swait.ge [sflag:s23], $0x1  }
0xa9: {  	[sflag:s23] =	ssyncset.done $0x0  }
0xaa: {  	s25 =	simm.s32 $0x1B8E;
	s24 =	sld [smem:$0x3FFE];
	[sflag:s23] =	ssyncadd.s32 $0xFFFFFFFF  }
0xab: {  	s26 =	simm.s32 $execute0_lowered;
	[smem:$0x3FD2] =	sst s25  }
0xac: {  	s5 =	sshll.u32 s26, $0x1;
	_ =	strace $0x80000046;
	[dreg:$0x1] =	wrdreg $0xFFFFFFFF  }
0xad: {  	s28 =	simm.s32 $_size_execute0_lowered;
	s3 =	sadd.s32 s3, s5;
	[dreg:$0x0] =	wrdreg $0x0  }
0xae: {  	s5 =	sshll.u32 s28, $0x1;
	[dreg:$0x2] =	wrdreg s3  }
0xaf: {  	[dreg:$0x3] =	wrdreg s5  }
0xb0: {  	[dreg:$0x4] =	wrdreg $0xC0  }
0xb1: {  	_ =	task [dreg:s7], $0x5FFFF  }
0xb2: {  	[dreg:$0x1] =	wrdreg $0xFFFFFFFF  }
0xb3: {  	[dreg:$0x0] =	wrdreg $0x60  }
0xb4: {  	[dreg:$0x2] =	wrdreg s16  }
0xb5: {  	[dreg:$0x3] =	wrdreg s24  }
0xb6: {  	[dreg:$0x4] =	wrdreg $0x9  }
0xb7: {  	_ =	task.clear_ibuf [dreg:s7], $0x5FFFF;
	_ =	strace $0x90000046  }
0xb8: {  	s29 =	simm.s32 $0x9;
	_ =	strace $0x80000048  }
0xb9: {  	_ =	swait.ge [sflag:s29], $0x1  }
0xba: {  	[sflag:s29] =	ssyncadd.s32 $0xFFFFFFFF  }
0xbb: {  	_ =	strace $0x90000048  }
0xbc: {  	_ =	sfence  }
0xbd: {  	s30 =	sld [smem:$0x0];
	_ =	sdelay $0x2  }
0xbe: {  	s31 =	sshll.u32 s1, $0xD;
	s1 =	sshrl.u32 s1, $0x2  }
0xbf: {  	s3 =	sand.u32 $0x4000, s31;
	s1 =	sadd.s32 s1, s30  }
0xc0: {  	s0 =	sor.u32 s3, s0;
	s1 =	sshll.u32 s1, $0x11  }
0xc1: {  	s0 =	sor.u32 s1, s0  }
0xc2: {  	s0 =	sadd.s32 $0x8F2B, s0  }
0xc3: {  	[sflag:s0] =	ssyncadd.remote.s32 $0x1  }
0xc4: {  	_ =	sfence.sel $0xFFFF  }
0xc5: {  	[dreg:$0x0] =	wrdreg $0xFFFFFFFF;
	(pc) =	sbr.abs _section_cstart, $3  }
0xc6: {  	[dreg:$0x1] =	wrdreg $0xFFFFFFFF  }
0xc7: {  	_ =	task.clear_ibuf [dreg:s7], $0x2FFFF;
	_ =	strace $0x9FFFFFFF  }
0xc8: {  	(tm) =	ssettm $0x7FFFFFFF  }
0xc9: {  	_ =	shalt  }
tec
execute0_lowered:
.L_overlay_start_1:
0x0: {  	(tag) =	ssettag $0x1  }
0x1: {  	s1 =	srdreg.scid  }
0x2: {  	s0 =	stileid.u32;
	s2 =	rddreg [dreg:$0x0]  }
0x3: {  	s7 =	rddreg [dreg:$0x1];
	s3 =	simm.s32 $0x0;
	s8 =	simm.s32 $0x1  }
0x4: {  	s16 =	simm.s32 $0x40;
	s17 =	simm.s32 $0x80;
	s18 =	simm.s32 $0xC0  }
0x5: {  	s19 =	simm.s32 $0x4C0;
	s20 =	simm.s32 $0x8C0;
	s4 =	sand.u32 $0x1, s1  }
0x6: {  	s21 =	simm.s32 $0x10;
	s29 =	sshll.u32 s0, $0x7;
	s5 =	sshll.u32 s4, $0x6  }
0x7: {  	s22 =	simm.s32 $0x30;
	s23 =	simm.s32 $0xDB0;
	s6 =	sor.u32 s5, s29  }
0x8: {  	s24 =	simm.s32 $0x2;
	p1 =	seq.s32 s4, $0x1;
	p0 =	seq.s32 s6, $0x0  }
0x9: {  	s25 =	simm.s32 $0x0;
	[smem:$0x7FF] =	sst s3;
	p0 =	por !p0, !p1  }
0xa: {  	s10 =	sadd.s32 $0x2E00, s7;
	s11 =	sadd.s32 $0x2600, s7;
	p0 =	por !p0, !p0  }
0xb: {  	_ =	strace $0x80000047;
	s4 =	ssub.s32 $0x2, s4;
	s8 =	simm.s32 @!p0 $0x0  }
0xc: {  	s30 =	sshrl.u32 s4, $0x1;
	s9 =	smul.u32 $0x6, s6;
	s8 =	ssub.s32 s0, s8  }
0xd: {  	s6 =	sshll.u32 s6, $0x1;
	s15 =	ssub.s32 s4, s30;
	s8 =	sshll.u32 s8, $0xA  }
0xe: {  	s4 =	simm.s32 $0x1;
	s14 =	sadd.s32 s6, s7;
	s5 =	sor.u32 s5, s8  }
0xf: {  	s15 =	smax.u32 s15, $0x1;
	s13 =	sadd.s32 s9, s7;
	s8 =	sshrl.u32 s5, $0x3  }
0x10: {  	s14 =	sadd.s32 $0x3600, s14;
	s31 =	sor.u32 $0x10, s8;
	s12 =	sor.u32 $0x20, s8  }
0x11: {  	s5 =	sadd.s32 s10, s8;
	s8 =	sadd.s32 s11, s8;
	s6 =	sadd.s32 s10, s31  }
0x12: {  	s7 =	sadd.s32 s10, s12;
	s9 =	sadd.s32 s11, s31;
	s10 =	sadd.s32 s11, s12  }
0x13: {  	s11 =	sadd.s32 $0x4600, s13;
	s12 =	sadd.s32 $0x4602, s13;
	s13 =	sadd.s32 $0x4604, s13  }
.LBB2_1:
0x14: {  	[tilespmem:s3], [sflag:$0x1] =	stream.linear.gather [hbm4b:s5+s3], $0x40, $0x38;
	[tilespmem:$0x11B0] =	vst v63  }
0x15: {  	_ = 	snop  }
0x16: {  	[tilespmem:s16], [sflag:$0x1] =	stream.linear.gather [hbm4b:s6+s3], $0x40, $0x38;
	[tilespmem:$0x11B0] =	vst v63  }
0x17: {  	_ = 	snop  }
0x18: {  	[tilespmem:s17], [sflag:$0x1] =	stream.linear.gather [hbm4b:s7+s3], $0x40, $0x38;
	[tilespmem:$0x11B0] =	vst v63  }
0x19: {  	s28 =	simm.s32 $0xCC0  }
0x1a: {  	[tilespmem:s28], [sflag:$0x1] =	stream.linear.gather [hbm4b:s8+s3], $0x40, $0x38;
	[tilespmem:$0x11B0] =	vst v63  }
0x1b: {  	s29 =	simm.s32 $0xD10  }
0x1c: {  	[tilespmem:s29], [sflag:$0x1] =	stream.linear.gather [hbm4b:s9+s3], $0x40, $0x38;
	[tilespmem:$0x11B0] =	vst v63  }
0x1d: {  	s26 =	simm.s32 $0xD60  }
0x1e: {  	[tilespmem:s26], [sflag:$0x1] =	stream.linear.gather [hbm4b:s10+s3], $0x40, $0x38;
	[tilespmem:$0x11B0] =	vst v63  }
0x1f: {  	_ =	swait.ge [sflag:s4], $0x40  }
0x20: {  	[sflag:s4] =	ssyncset.done $0x0  }
0x21: {  	[sflag:s4] =	ssyncadd.s32 $0xFFFFFFC0  }
0x22: {  	_ =	swait.ge [sflag:s4], $0x40  }
0x23: {  	[sflag:s4] =	ssyncset.done $0x0  }
0x24: {  	[sflag:s4] =	ssyncadd.s32 $0xFFFFFFC0  }
0x25: {  	_ =	swait.ge [sflag:s4], $0x40  }
0x26: {  	[sflag:s4] =	ssyncset.done $0x0  }
0x27: {  	[sflag:s4] =	ssyncadd.s32 $0xFFFFFFC0  }
0x28: {  	[tilespmem:s18], [sflag:$0x1] =	stream.indirect.gather [hbm4b:s2+s16], $0x10, s3, s16, $0xb8;
	[tilespmem:$0x11B0] =	vst v63  }
0x29: {  	_ = 	snop  }
0x2a: {  	[tilespmem:s19], [sflag:$0x1] =	stream.indirect.gather [hbm4b:s2+s16], $0x10, s16, s16, $0xb8;
	[tilespmem:$0x11B0] =	vst v63  }
0x2b: {  	_ = 	snop  }
0x2c: {  	[tilespmem:s20], [sflag:$0x1] =	stream.indirect.gather [hbm4b:s2+s16], $0x10, s17, s16, $0xb8;
	[tilespmem:$0x11B0] =	vst v63  }
0x2d: {  	_ =	swait.ge [sflag:s4], $0x40  }
0x2e: {  	[sflag:s4] =	ssyncset.done $0x0  }
0x2f: {  	[sflag:s4] =	ssyncadd.s32 $0xFFFFFFC0  }
0x30: {  	_ =	swait.ge [sflag:s4], $0x40  }
0x31: {  	[sflag:s4] =	ssyncset.done $0x0  }
0x32: {  	[sflag:s4] =	ssyncadd.s32 $0xFFFFFFC0  }
0x33: {  	_ =	swait.ge [sflag:s4], $0x40  }
0x34: {  	[sflag:s4] =	ssyncset.done $0x0  }
0x35: {  	[sflag:s4] =	ssyncadd.s32 $0xFFFFFFC0  }
0x36: {  	_ =	swait.ge [sflag:s4], $0x400  }
0x37: {  	[sflag:s4] =	ssyncset.done $0x0  }
0x38: {  	[sflag:s4] =	ssyncadd.s32 $0xFFFFFC00  }
0x39: {  	_ =	swait.ge [sflag:s4], $0x400  }
0x3a: {  	[sflag:s4] =	ssyncset.done $0x0  }
0x3b: {  	[sflag:s4] =	ssyncadd.s32 $0xFFFFFC00  }
0x3c: {  	_ =	swait.ge [sflag:s4], $0x400  }
0x3d: {  	[sflag:s4] =	ssyncset.done $0x0  }
0x3e: {  	[sflag:s4] =	ssyncadd.s32 $0xFFFFFC00  }
0x3f: {  	[hbm4b:s11+s21] =	stream.strided.scatter [tilespmem:s18], [sflag:$0x1], $0x400, s22, s21, $0x38;
	[tilespmem:$0x11B0] =	vst v63  }
0x40: {  	_ = 	snop  }
0x41: {  	[hbm4b:s12+s21] =	stream.strided.scatter [tilespmem:s19], [sflag:$0x1], $0x400, s22, s21, $0x38;
	[tilespmem:$0x11B0] =	vst v63  }
0x42: {  	s30 =	simm.s32 $0x0  }
0x43: {  	[hbm4b:s13+s21] =	stream.strided.scatter [tilespmem:s20], [sflag:$0x1], $0x400, s22, s21, $0x38;
	[tilespmem:$0x11B0] =	vst v63  }
0x44: {  	v0 =	vld [tilespmem:s30+$0xC0]  }
0x45: {  	v1 =	vld.msk [tilespmem:s28+$0x0 ss:$0x0], $0xffff  }
0x46: {  	v2 =	vld.msk [tilespmem:s29+$0x0 ss:$0x0], $0xffff  }
0x47: {  	v3 =	vld [tilespmem:s30+$0x4C0]  }
0x48: {  	v4 =	vld.msk [tilespmem:s26+$0x0 ss:$0x0], $0xffff  }
0x49: {  	v5 =	vld [tilespmem:s30+$0x8C0];
	_ =	sdelay $0x2  }
0x4a: {  	v0 =	vmul.f32 v1, v0;
	v1 =	vmul.f32 v2, v3;
	_ =	sdelay $0x1  }
0x4b: {  	v0 =	vadd.f32 v1, v0;
	v1 =	vmul.f32 v4, v5;
	_ =	sdelay $0x1  }
0x4c: {  	v1 =	vadd.f32 v1, v0  }
0x4d: {  	s28 =	simm.s32 $0x10  }
0x4e: {  	s29 =	simm.s32 $0xCC1;
	v0 =	vld [tilespmem:s28+$0xC0];
	[tilespmem:s30+$0xDB0] =	vst v1  }
0x4f: {  	s30 =	simm.s32 $0xD11;
	v1 =	vld.msk [tilespmem:s29+$0x0 ss:$0x0], $0xffff  }
0x50: {  	s31 =	simm.s32 $0x80;
	v2 =	vld.msk [tilespmem:s30+$0x0 ss:$0x0], $0xffff  }
.LBB2_2:
0x51: {  	p0 =	sne.s32 s31, $0xFC0;
	v3 =	vld [tilespmem:s28+$0x4C0];
	s26 =	sadd.s32 $0x1, s26  }
0x52: {  	v4 =	vld.msk [tilespmem:s26+$0x0 ss:$0x0], $0xffff  }
0x53: {  	v5 =	vld [tilespmem:s28+$0x8C0];
	_ =	sdelay $0x2  }
0x54: {  	v0 =	vmul.f32 v1, v0;
	v1 =	vmul.f32 v2, v3;
	_ =	sdelay $0x1  }
0x55: {  	v0 =	vadd.f32 v1, v0;
	v1 =	vmul.f32 v4, v5;
	_ =	sdelay $0x1  }
.Ltmp0:
0x56: {  	v1 =	vadd.f32 v1, v0;
	(pc) =	sbr.rel @p0 .LBB2_2-.Ltmp0, $4  }
0x57: {  	s1 =	sshra.s32 s31, $0x2  }
0x58: {  	s29 =	sadd.s32 $0x1, s29;
	v0 =	vld [tilespmem:s1+$0xC0];
	[tilespmem:s28+$0xDB0] =	vst v1;
	s28 =	smov.u32 s1  }
0x59: {  	s30 =	sadd.s32 $0x1, s30;
	v1 =	vld.msk [tilespmem:s29+$0x0 ss:$0x0], $0xffff  }
0x5a: {  	s31 =	sadd.s32 $0x40, s31;
	v2 =	vld.msk [tilespmem:s30+$0x0 ss:$0x0], $0xffff  }
0x5b: {  	v3 =	vld [tilespmem:s28+$0x4C0]  }
0x5c: {  	s1 =	sadd.s32 $0x1, s26;
	v5 =	vld [tilespmem:s28+$0x8C0]  }
0x5d: {  	v4 =	vld.msk [tilespmem:s1+$0x0 ss:$0x0], $0xffff;
	_ =	sdelay $0x2  }
0x5e: {  	v0 =	vmul.f32 v1, v0;
	v62 =	vmul.f32 v2, v3;
	_ =	sdelay $0x1  }
0x5f: {  	v63 =	vmul.f32 v4, v5;
	v0 =	vadd.f32 v62, v0;
	_ =	sdelay $0x1  }
0x60: {  	v0 =	vadd.f32 v63, v0;
	_ =	sdelay $0x1  }
0x61: {  	[tilespmem:s28+$0xDB0] =	vst v0  }
0x62: {  	[hbm4b:s14+s3] =	stream.linear.scatter [tilespmem:s23], [sflag:$0x2], $0x400, $0x38;
	[tilespmem:$0x11B0] =	vst v63  }
0x63: {  	_ =	swait.ge [sflag:s24], $0x400  }
0x64: {  	[sflag:s24] =	ssyncset.done $0x0  }
0x65: {  	[sflag:s24] =	ssyncadd.s32 $0xFFFFFC00  }
0x66: {  	_ =	swait.ge [sflag:s4], $0x400  }
0x67: {  	[sflag:s4] =	ssyncset.done $0x0  }
0x68: {  	s25 =	sadd.s32 $0x1, s25;
	[sflag:s4] =	ssyncadd.s32 $0xFFFFFC00  }
0x69: {  	p0 =	sne.s32 s25, s15;
	_ =	swait.ge [sflag:s4], $0x400  }
.Ltmp1:
0x6a: {  	[sflag:s4] =	ssyncset.done $0x0;
	(pc) =	sbr.rel @p0 .LBB2_1-.Ltmp1, $4  }
0x6b: {  	[sflag:s4] =	ssyncadd.s32 $0xFFFFFC00  }
0x6c: {  	_ =	swait.ge [sflag:s4], $0x400  }
0x6d: {  	[sflag:s4] =	ssyncset.done $0x0  }
0x6e: {  	[sflag:s4] =	ssyncadd.s32 $0xFFFFFC00  }
0x6f: {  	_ =	sfence.sel $0x180000  }
0x70: {  	[bflag:$0x0] =	sbarrier.arrive $0xFFFF  }
0x71: {  	_ =	strace $0x90000047  }
0x72: {  	[bflag:$0x2] =	sbarrier.arrive $0xFFFF  }
0x73: {  	p0 =	sne.s32 s0, $0x0;
	s0 =	rddreg [dreg:$0x2]  }
0x74: {  	s0 =	sadd.s32 @!p0 $0x100000, s0  }
0x75: {  	[sflag:s0] =	ssyncadd.tile.s32 @!p0 $0x1;
	_ =	shalt  }
.Lfunc_end2:
_tile_overlayer_lowered:
.L_overlay_start_2:
0x76: {  	(tag) =	ssettag $0x2  }
0x77: {  	s0 =	rddreg [dreg:$0x0];
	s2 =	stileid.u32  }
0x78: {  	s1 =	rddreg [dreg:$0x1];
	p0 =	sne.s32 s2, $0x0  }
0x79: {  	s3 =	rddreg [dreg:$0x2];
	[bflag:$0x3] =	sbarrier.arrive $0xFFFF;
	s2 =	simm.s32 @!p0 $0x1C02  }
0x7a: {  	[timem:s3], [sflag:s2] =	dma.local @!p0 [hbm:s0], s1  }
0x7b: {  	s0 =	simm.s32 @!p0 $0x2  }
0x7c: {  	_ =	swait.ge @!p0 [sflag:s0], s1  }
0x7d: {  	s1 =	ssub.s32 @!p0 $0x0, s1;
	[sflag:s0] =	ssyncset.done @!p0 $0x0  }
0x7e: {  	[sflag:s0] =	ssyncadd.s32 @!p0 s1  }
0x7f: {  	[bflag:$0x3] =	sbarrier.arrive $0xFFFF  }
0x80: {  	_ =	shalt  }

// kernel: kernel.9.cloned.1.call-start
scs
__scs_entry_jumppad:
0x0: {  	(pc) =	sbr.rel $0x88, $3  }
0x1: {  	(tag) =	ssettag $0x0;
	lr =	simm.s32 $0x1  }
0x2: {  	[smem:$0x3F9C] =	sst lr;
	_ =	strace $0xD0000000  }
0x3: {  	_ = 	snop  }
0x4: {  	_ = 	snop  }
0x5: {  	_ = 	snop  }
0x6: {  	_ = 	snop  }
0x7: {  	_ = 	snop  }
__scs_overlays_trampoline_lowered:
0x8: {  	[smem:$0x3FAB] =	sst s0  }
0x9: {  	[smem:$0x3FAC] =	sst s1  }
0xa: {  	[smem:$0x3FAD] =	sst s2  }
0xb: {  	[smem:$0x3FAE] =	sst s3  }
0xc: {  	[smem:$0x3FAF] =	sst s4  }
0xd: {  	[smem:$0x3FB0] =	sst s5  }
0xe: {  	[smem:$0x3FB1] =	sst s6  }
0xf: {  	[smem:$0x3FB2] =	sst s7  }
0x10: {  	[smem:$0x3FB3] =	sst s8  }
0x11: {  	[smem:$0x3FB4] =	sst s9;
	s0 =	simm.s32 @!p0 $0x0  }
0x12: {  	s1 =	sld [smem:$0x3F9A];
	s0 =	simm.s32 @p0 $0x1  }
0x13: {  	[smem:$0x3FB5] =	sst s0;
	s0 =	simm.s32 @!p1 $0x0  }
0x14: {  	s2 =	sld [smem:$0x3F99];
	s0 =	simm.s32 @p1 $0x1  }
0x15: {  	[smem:$0x3FB6] =	sst s0;
	s0 =	simm.s32 @!p2 $0x0  }
0x16: {  	s3 =	sld [smem:$0x3FDB];
	s0 =	simm.s32 @p2 $0x1  }
0x17: {  	s4 =	simm.s32 $0x1BF5;
	[smem:$0x3FB8] =	sst s0  }
0x18: {  	s0 =	sld [smem:$0x3F9B];
	_ =	swait.ge [sflag:s4], $0x0  }
0x19: {  	s7 =	sld [smem:$0x3F9C]  }
0x1a: {  	s8 =	sadd.s32 $0xFFFFE003, lr  }
0x1b: {  	s9 =	sadd.s32 $0xFFFFFEF7, lr;
	s5 =	simm.s32 $0xFFFFFFFF;
	p2 =	slt.u32 s8, $0xFFFFF086  }
0x1c: {  	p1 =	slt.u32 s9, $0xF7A;
	s5 =	simm.s32 @!p2 $0x0  }
0x1d: {  	s5 =	simm.s32 @p1 $0x1;
	p0 =	seq.s32 s7, s2  }
0x1e: {  	s7 =	smul.u32 @!p0 $0xF7A, s2;
	p2 =	seq.s32 @!p0 s5, $0x0  }
0x1f: {  	s9 =	smul.u32 $0xF7A, s1;
	s8 =	simm.s32 @!p0 $0x1BF5;
	p2 =	por !p2, p0  }
0x20: {  	[sflag:s8] =	ssyncset.s32 @!p0 $0xFFFFF086;
	s6 =	sadd.s32 @!p0 s3, s7;
	s7 =	simm.s32 @!p0 $0x108  }
0x21: {  	s3 =	sadd.s32 s3, s9;
	s6 =	sadd.s32 @!p0 $0x88, s6;
	s7 =	simm.s32 @p2 $0x1082  }
0x22: {  	[simem:s7], [sflag:s8] =	dma.local @!p0 [hbm:s6], $0xF7A  }
0x23: {  	s9 =	sor.u32 $0xD0000000, s2;
	s6 =	simm.s32 $0x108;
	_ =	swait.ge @!p0 [sflag:s8], $0x0  }
0x24: {  	s3 =	sadd.s32 $0x88, s3;
	s6 =	simm.s32 @!p1 $0x1082;
	[sflag:s4] =	ssyncset.s32 $0xFFFFF086  }
0x25: {  	[simem:s6], [sflag:s4] =	dma.local [hbm:s3], $0xF7A  }
0x26: {  	[smem:$0x3F9C] =	sst s1;
	(tag) =	ssettag s2;
	_ =	strace s9  }
0x27: {  	s1 =	sld [smem:$0x3FAC]  }
0x28: {  	s2 =	sld [smem:$0x3FAD]  }
0x29: {  	s4 =	sld [smem:$0x3FAF]  }
0x2a: {  	p0 =	seq.s32 s5, $0x0;
	s5 =	sld [smem:$0x3FB0]  }
0x2b: {  	s6 =	sld [smem:$0x3FB1]  }
0x2c: {  	s7 =	sld [smem:$0x3FB2]  }
0x2d: {  	s3 =	simm.s32 $0x108;
	s8 =	sld [smem:$0x3FB3]  }
0x2e: {  	s3 =	simm.s32 @!p0 $0x1082;
	s9 =	sld [smem:$0x3FB4]  }
0x2f: {  	lr =	sadd.s32 s0, s3;
	s0 =	sld [smem:$0x3FAB]  }
0x30: {  	s3 =	sld [smem:$0x3FAE]  }
0x31: {  	[smem:$0x3FB7] =	sst s10  }
0x32: {  	s10 =	sld [smem:$0x3FB5];
	_ =	sdelay $0x3  }
0x33: {  	p0 =	seq.s32 s10, $0x1;
	s10 =	sld [smem:$0x3FB7];
	_ =	sdelay $0x3  }
0x34: {  	[smem:$0x3FB7] =	sst s10  }
0x35: {  	s10 =	sld [smem:$0x3FB6];
	_ =	sdelay $0x3  }
0x36: {  	p1 =	seq.s32 s10, $0x1;
	s10 =	sld [smem:$0x3FB7];
	_ =	sdelay $0x3  }
0x37: {  	[smem:$0x3FB7] =	sst s10  }
0x38: {  	s10 =	sld [smem:$0x3FB8]  }
0x39: {  	_ = 	snop;
	(pc) =	sbr.ind lr, $3  }
0x3a: {  	_ = 	snop  }
0x3b: {  	_ = 	snop  }
0x3c: {  	p2 =	seq.s32 s10, $0x1;
	s10 =	sld [smem:$0x3FB7]  }
0x3d: {  	_ =	shalt  }
0x3e: {  	_ =	shalt  }
0x3f: {  	_ =	shalt  }
0x40: {  	_ =	shalt  }
0x41: {  	_ =	shalt  }
0x42: {  	_ =	shalt  }
0x43: {  	_ =	shalt  }
0x44: {  	_ =	shalt  }
0x45: {  	_ =	shalt  }
0x46: {  	_ =	shalt  }
0x47: {  	_ =	shalt  }
0x48: {  	_ =	shalt  }
0x49: {  	_ =	shalt  }
0x4a: {  	_ =	shalt  }
0x4b: {  	_ =	shalt  }
0x4c: {  	_ =	shalt  }
0x4d: {  	_ =	shalt  }
0x4e: {  	_ =	shalt  }
0x4f: {  	_ =	shalt  }
0x50: {  	_ =	shalt  }
0x51: {  	_ =	shalt  }
0x52: {  	_ =	shalt  }
0x53: {  	_ =	shalt  }
0x54: {  	_ =	shalt  }
0x55: {  	_ =	shalt  }
0x56: {  	_ =	shalt  }
0x57: {  	_ =	shalt  }
0x58: {  	_ =	shalt  }
0x59: {  	_ =	shalt  }
0x5a: {  	_ =	shalt  }
0x5b: {  	_ =	shalt  }
0x5c: {  	_ =	shalt  }
0x5d: {  	_ =	shalt  }
0x5e: {  	_ =	shalt  }
0x5f: {  	_ =	shalt  }
0x60: {  	_ =	shalt  }
0x61: {  	_ =	shalt  }
0x62: {  	_ =	shalt  }
0x63: {  	_ =	shalt  }
0x64: {  	_ =	shalt  }
0x65: {  	_ =	shalt  }
0x66: {  	_ =	shalt  }
0x67: {  	_ =	shalt  }
0x68: {  	_ =	shalt  }
0x69: {  	_ =	shalt  }
0x6a: {  	_ =	shalt  }
0x6b: {  	_ =	shalt  }
0x6c: {  	_ =	shalt  }
0x6d: {  	_ =	shalt  }
0x6e: {  	_ =	shalt  }
0x6f: {  	_ =	shalt  }
0x70: {  	_ =	shalt  }
0x71: {  	_ =	shalt  }
0x72: {  	_ =	shalt  }
0x73: {  	_ =	shalt  }
0x74: {  	_ =	shalt  }
0x75: {  	_ =	shalt  }
0x76: {  	_ =	shalt  }
0x77: {  	_ =	shalt  }
0x78: {  	_ =	shalt  }
0x79: {  	_ =	shalt  }
0x7a: {  	_ =	shalt  }
0x7b: {  	_ =	shalt  }
0x7c: {  	_ =	shalt  }
0x7d: {  	_ =	shalt  }
0x7e: {  	_ =	shalt  }
0x7f: {  	_ =	shalt  }
0x80: {  	_ =	shalt  }
0x81: {  	_ =	shalt  }
0x82: {  	_ =	shalt  }
0x83: {  	_ =	shalt  }
0x84: {  	_ =	shalt  }
0x85: {  	_ =	shalt  }
0x86: {  	_ =	shalt  }
0x87: {  	_ =	shalt  }
.Lfunc_end0:
.L_simem_size_0:
called_computation.1_lowered:
.L_overlay_start_0:
0x88: {  	s2 =	sld [smem:$0x3FD9]  }
0x89: {  	s3 =	sld [smem:$0x3FFE];
	_ =	sdelay $0x1  }
0x8a: {  	s1 =	srdreg.scid  }
0x8b: {  	s0 =	sand.u32 $0x1, s1  }
0x8c: {  	s15 =	sshll.u32 s0, $0xA;
	s2 =	sadd.s32 s3, s2  }
0x8d: {  	s2 =	sadd.s32 s2, s15  }
0x8e: {  	[smem:$0x3FC3] =	sst s2  }
0x8f: {  	_ = 	snop  }
0x90: {  	s2 =	sld [smem:$0x3FD0];
	_ =	sdelay $0x2  }
0x91: {  	s4 =	simm.s32 $0xB;
	s16 =	simm.s32 $0x10  }
0x92: {  	[smem:s16], [sflag:s4] =	dma.local [hbm:s2], $0x1  }
0x93: {  	_ =	swait.eq [sflag:s4], $0x1  }
0x94: {  	[sflag:s4] =	ssyncset.done $0x0  }
0x95: {  	s17 =	sld [smem:$0x10];
	[sflag:s4] =	ssyncadd.s32 $0xFFFFFFFF  }
0x96: {  	s18 =	sld [smem:$0x11];
	(tm) =	ssettm $0x1  }
0x97: {  	s19 =	sld [smem:$0x3FFB];
	_ =	sdelay $0x3  }
0x98: {  	_ =	strace s19  }
0x99: {  	s2 =	sld [smem:$0x3FFC];
	_ =	sdelay $0x3  }
0x9a: {  	_ =	strace s2  }
0x9b: {  	s2 =	sld [smem:$0x3FFD];
	_ =	sdelay $0x3  }
0x9c: {  	_ =	strace s2  }
0x9d: {  	_ =	strace $0x8FFFFFFF  }
0x9e: {  	s20 =	sld [smem:$0x3FDB];
	_ =	sdelay $0x1  }
0x9f: {  	s5 =	simm.s32 $_scs_section_size  }
0xa0: {  	s6 =	simm.s32 $_size__tile_overlayer_lowered;
	s7 =	simm.s32 $_tile_overlayer_lowered  }
0xa1: {  	s8 =	simm.s32 $0x1BFF;
	s21 =	sshll.u32 s7, $0x1;
	s5 =	sadd.s32 s5, s20  }
0xa2: {  	s22 =	simm.s32 $0x0;
	s6 =	sshll.u32 s6, $0x1;
	s7 =	sadd.s32 s21, s5  }
0xa3: {  	[timem:s22], [sflag:s8] =	dma.local [hbm:s7], s6  }
0xa4: {  	_ =	swait.ge [sflag:s8], s6  }
0xa5: {  	s6 =	ssub.s32 $0x0, s6;
	[sflag:s8] =	ssyncset.done $0x0  }
0xa6: {  	[sflag:s8] =	ssyncadd.s32 s6;
	_ =	sdelay $0x1  }
0xa7: {  	s23 =	simm.s32 $0x1B8B  }
0xa8: {  	_ =	swait.ge [sflag:s23], $0x1  }
0xa9: {  	[sflag:s23] =	ssyncset.done $0x0  }
0xaa: {  	[sflag:s23] =	ssyncadd.s32 $0xFFFFFFFF  }
0xab: {  	s6 =	sld [smem:$0x0]  }
0xac: {  	s7 =	sand.u32 $0xFFFFFFFE, s1  }
0xad: {  	p0 =	sne.s32 s1, s7  }
0xae: {  	s7 =	sshll.u32 @p0 s7, $0xE  }
0xaf: {  	s7 =	sadd.s32 @p0 $0x11B8D, s7;
	s8 =	sshll.u32 @p0 s6, $0x11  }
0xb0: {  	s7 =	sor.u32 @p0 s8, s7  }
0xb1: {  	[sflag:s7] =	ssyncadd.remote.s32 @p0 $0x1;
	_ =	sdelay $0x1  }
0xb2: {  	s7 =	simm.s32 @p0 $0x1B8D  }
0xb3: {  	_ =	swait.eq @p0 [sflag:s7], $0x1  }
0xb4: {  	[sflag:s7] =	ssyncadd.s32 @p0 $0xFFFFFFFF  }
0xb5: {  	s8 =	sshll.u32 @!p0 s1, $0xE  }
0xb6: {  	s8 =	sor.u32 @!p0 $0x4000, s8;
	s7 =	simm.s32 @!p0 $0x1B8D  }
0xb7: {  	s6 =	sshll.u32 @!p0 s6, $0x11;
	s8 =	sadd.s32 @!p0 $0x11B8D, s8;
	_ =	swait.eq @!p0 [sflag:s7], $0x1  }
0xb8: {  	s6 =	sor.u32 @!p0 s6, s8;
	[sflag:s7] =	ssyncadd.s32 @!p0 $0xFFFFFFFF  }
0xb9: {  	s25 =	simm.s32 $0x1B8E;
	s24 =	sld [smem:$0x3FFE];
	[sflag:s6] =	ssyncadd.remote.s32 @!p0 $0x1  }
0xba: {  	s26 =	simm.s32 $execute0_lowered;
	[smem:$0x3FD2] =	sst s25  }
0xbb: {  	s7 =	sshll.u32 s26, $0x1;
	_ =	strace $0x80000049;
	[dreg:$0x1] =	wrdreg $0xFFFFFFFF  }
0xbc: {  	s28 =	simm.s32 $_size_execute0_lowered;
	s5 =	sadd.s32 s5, s7;
	[dreg:$0x0] =	wrdreg $0x0  }
0xbd: {  	s7 =	sshll.u32 s28, $0x1;
	[dreg:$0x2] =	wrdreg s5  }
0xbe: {  	[dreg:$0x3] =	wrdreg s7  }
0xbf: {  	[dreg:$0x4] =	wrdreg $0xC0  }
0xc0: {  	_ =	task [dreg:s22], $0x5FFFF  }
0xc1: {  	[dreg:$0x1] =	wrdreg $0xFFFFFFFF  }
0xc2: {  	[dreg:$0x0] =	wrdreg $0x60  }
0xc3: {  	[dreg:$0x2] =	wrdreg s18  }
0xc4: {  	[dreg:$0x3] =	wrdreg s24  }
0xc5: {  	[dreg:$0x4] =	wrdreg s17  }
0xc6: {  	[dreg:$0x5] =	wrdreg $0xA  }
0xc7: {  	_ =	task.clear_ibuf [dreg:s22], $0x6FFFF;
	_ =	strace $0x90000049  }
0xc8: {  	s29 =	simm.s32 $0xA;
	_ =	strace $0x8000004B  }
0xc9: {  	_ =	swait.ge [sflag:s29], $0x1  }
0xca: {  	[sflag:s29] =	ssyncadd.s32 $0xFFFFFFFF  }
0xcb: {  	_ =	strace $0x9000004B  }
0xcc: {  	_ =	sfence  }
0xcd: {  	s30 =	sld [smem:$0x0];
	_ =	sdelay $0x2  }
0xce: {  	s31 =	sshll.u32 s1, $0xD;
	s1 =	sshrl.u32 s1, $0x2  }
0xcf: {  	s4 =	sand.u32 $0x4000, s31;
	s1 =	sadd.s32 s1, s30  }
0xd0: {  	s0 =	sor.u32 s4, s0;
	s1 =	sshll.u32 s1, $0x11  }
0xd1: {  	s0 =	sor.u32 s1, s0  }
0xd2: {  	s0 =	sadd.s32 $0x8F2B, s0  }
0xd3: {  	[sflag:s0] =	ssyncadd.remote.s32 $0x1  }
0xd4: {  	_ =	sfence.sel $0xFFFF  }
0xd5: {  	[dreg:$0x0] =	wrdreg $0xFFFFFFFF;
	(pc) =	sbr.abs _section_cstart, $3  }
0xd6: {  	[dreg:$0x1] =	wrdreg $0xFFFFFFFF  }
0xd7: {  	_ =	task.clear_ibuf [dreg:s22], $0x2FFFF;
	_ =	strace $0x9FFFFFFF  }
0xd8: {  	(tm) =	ssettm $0x7FFFFFFF  }
0xd9: {  	_ =	shalt  }
tec
execute0_lowered:
.L_overlay_start_1:
0x0: {  	(tag) =	ssettag $0x1  }
0x1: {  	s1 =	srdreg.scid  }
0x2: {  	s0 =	stileid.u32;
	s6 =	rddreg [dreg:$0x1]  }
0x3: {  	s10 =	rddreg [dreg:$0x2];
	s3 =	simm.s32 $0x0;
	s8 =	simm.s32 $0x1  }
0x4: {  	s17 =	simm.s32 $0x80;
	s18 =	simm.s32 $0xC0;
	s19 =	simm.s32 $0x4C0  }
0x5: {  	s20 =	simm.s32 $0x8C0;
	s21 =	simm.s32 $0x10;
	s22 =	simm.s32 $0x30  }
0x6: {  	s23 =	simm.s32 $0xDB0;
	s24 =	simm.s32 $0x2;
	s4 =	sand.u32 $0x1, s1  }
0x7: {  	s1 =	rddreg [dreg:$0x0];
	s2 =	sshll.u32 s0, $0x7;
	s5 =	sshll.u32 s4, $0x6  }
0x8: {  	s25 =	simm.s32 $0x0;
	[smem:$0x7FF] =	sst s3;
	s7 =	sor.u32 s5, s2  }
0x9: {  	s9 =	sadd.s32 $0x7E00, s6;
	p1 =	seq.s32 s4, $0x1;
	p0 =	seq.s32 s7, $0x0  }
0xa: {  	s11 =	sadd.s32 $0x7600, s6;
	s4 =	ssub.s32 $0x2, s4;
	p0 =	por !p0, !p1  }
0xb: {  	_ =	strace $0x8000004A;
	s30 =	sshrl.u32 s4, $0x1;
	p0 =	por !p0, !p0  }
0xc: {  	s12 =	sshll.u32 s7, $0x1;
	s15 =	ssub.s32 s4, s30;
	s8 =	simm.s32 @!p0 $0x0  }
0xd: {  	s4 =	simm.s32 $0x1;
	s16 =	smul.u32 $0x6, s7;
	s8 =	ssub.s32 s0, s8  }
0xe: {  	s14 =	sadd.s32 s12, s6;
	s15 =	smax.u32 s15, $0x1;
	s8 =	sshll.u32 s8, $0xA  }
0xf: {  	s10 =	sadd.s32 s10, s16;
	s14 =	sadd.s32 $0x8600, s14;
	s5 =	sor.u32 s5, s8  }
0x10: {  	s16 =	simm.s32 $0x40;
	s12 =	sadd.s32 $0x2, s10;
	s8 =	sshrl.u32 s5, $0x3  }
0x11: {  	s31 =	sor.u32 $0x10, s8;
	s13 =	sor.u32 $0x20, s8;
	s5 =	sadd.s32 s9, s8  }
0x12: {  	s8 =	sadd.s32 s11, s8;
	s6 =	sadd.s32 s9, s31;
	s7 =	sadd.s32 s9, s13  }
0x13: {  	s9 =	sadd.s32 s11, s31;
	s11 =	sadd.s32 s11, s13;
	s13 =	sadd.s32 $0x4, s10  }
.LBB2_1:
0x14: {  	[tilespmem:s3], [sflag:$0x1] =	stream.linear.gather [hbm4b:s5+s3], $0x40, $0x38;
	[tilespmem:$0x11B0] =	vst v63  }
0x15: {  	_ = 	snop  }
0x16: {  	[tilespmem:s16], [sflag:$0x1] =	stream.linear.gather [hbm4b:s6+s3], $0x40, $0x38;
	[tilespmem:$0x11B0] =	vst v63  }
0x17: {  	_ = 	snop  }
0x18: {  	[tilespmem:s17], [sflag:$0x1] =	stream.linear.gather [hbm4b:s7+s3], $0x40, $0x38;
	[tilespmem:$0x11B0] =	vst v63  }
0x19: {  	s28 =	simm.s32 $0xCC0  }
0x1a: {  	[tilespmem:s28], [sflag:$0x1] =	stream.linear.gather [hbm4b:s8+s3], $0x40, $0x38;
	[tilespmem:$0x11B0] =	vst v63  }
0x1b: {  	s29 =	simm.s32 $0xD10  }
0x1c: {  	[tilespmem:s29], [sflag:$0x1] =	stream.linear.gather [hbm4b:s9+s3], $0x40, $0x38;
	[tilespmem:$0x11B0] =	vst v63  }
0x1d: {  	s26 =	simm.s32 $0xD60  }
0x1e: {  	[tilespmem:s26], [sflag:$0x1] =	stream.linear.gather [hbm4b:s11+s3], $0x40, $0x38;
	[tilespmem:$0x11B0] =	vst v63  }
0x1f: {  	_ =	swait.ge [sflag:s4], $0x40  }
0x20: {  	[sflag:s4] =	ssyncset.done $0x0  }
0x21: {  	[sflag:s4] =	ssyncadd.s32 $0xFFFFFFC0  }
0x22: {  	_ =	swait.ge [sflag:s4], $0x40  }
0x23: {  	[sflag:s4] =	ssyncset.done $0x0  }
0x24: {  	[sflag:s4] =	ssyncadd.s32 $0xFFFFFFC0  }
0x25: {  	_ =	swait.ge [sflag:s4], $0x40  }
0x26: {  	[sflag:s4] =	ssyncset.done $0x0  }
0x27: {  	[sflag:s4] =	ssyncadd.s32 $0xFFFFFFC0  }
0x28: {  	[tilespmem:s18], [sflag:$0x1] =	stream.indirect.gather [hbm4b:s1+s16], $0x10, s3, s16, $0xb8;
	[tilespmem:$0x11B0] =	vst v63  }
0x29: {  	_ = 	snop  }
0x2a: {  	[tilespmem:s19], [sflag:$0x1] =	stream.indirect.gather [hbm4b:s1+s16], $0x10, s16, s16, $0xb8;
	[tilespmem:$0x11B0] =	vst v63  }
0x2b: {  	_ = 	snop  }
0x2c: {  	[tilespmem:s20], [sflag:$0x1] =	stream.indirect.gather [hbm4b:s1+s16], $0x10, s17, s16, $0xb8;
	[tilespmem:$0x11B0] =	vst v63  }
0x2d: {  	_ =	swait.ge [sflag:s4], $0x40  }
0x2e: {  	[sflag:s4] =	ssyncset.done $0x0  }
0x2f: {  	[sflag:s4] =	ssyncadd.s32 $0xFFFFFFC0  }
0x30: {  	_ =	swait.ge [sflag:s4], $0x40  }
0x31: {  	[sflag:s4] =	ssyncset.done $0x0  }
0x32: {  	[sflag:s4] =	ssyncadd.s32 $0xFFFFFFC0  }
0x33: {  	_ =	swait.ge [sflag:s4], $0x40  }
0x34: {  	[sflag:s4] =	ssyncset.done $0x0  }
0x35: {  	[sflag:s4] =	ssyncadd.s32 $0xFFFFFFC0  }
0x36: {  	_ =	swait.ge [sflag:s4], $0x400  }
0x37: {  	[sflag:s4] =	ssyncset.done $0x0  }
0x38: {  	[sflag:s4] =	ssyncadd.s32 $0xFFFFFC00  }
0x39: {  	_ =	swait.ge [sflag:s4], $0x400  }
0x3a: {  	[sflag:s4] =	ssyncset.done $0x0  }
0x3b: {  	[sflag:s4] =	ssyncadd.s32 $0xFFFFFC00  }
0x3c: {  	_ =	swait.ge [sflag:s4], $0x400  }
0x3d: {  	[sflag:s4] =	ssyncset.done $0x0  }
0x3e: {  	[sflag:s4] =	ssyncadd.s32 $0xFFFFFC00  }
0x3f: {  	[hbm4b:s10+s21] =	stream.strided.scatter [tilespmem:s18], [sflag:$0x1], $0x400, s22, s21, $0x38;
	[tilespmem:$0x11B0] =	vst v63  }
0x40: {  	_ = 	snop  }
0x41: {  	[hbm4b:s12+s21] =	stream.strided.scatter [tilespmem:s19], [sflag:$0x1], $0x400, s22, s21, $0x38;
	[tilespmem:$0x11B0] =	vst v63  }
0x42: {  	s30 =	simm.s32 $0x0  }
0x43: {  	[hbm4b:s13+s21] =	stream.strided.scatter [tilespmem:s20], [sflag:$0x1], $0x400, s22, s21, $0x38;
	[tilespmem:$0x11B0] =	vst v63  }
0x44: {  	v0 =	vld [tilespmem:s30+$0xC0]  }
0x45: {  	v1 =	vld.msk [tilespmem:s28+$0x0 ss:$0x0], $0xffff  }
0x46: {  	v2 =	vld.msk [tilespmem:s29+$0x0 ss:$0x0], $0xffff  }
0x47: {  	v3 =	vld [tilespmem:s30+$0x4C0]  }
0x48: {  	v4 =	vld.msk [tilespmem:s26+$0x0 ss:$0x0], $0xffff  }
0x49: {  	v5 =	vld [tilespmem:s30+$0x8C0];
	_ =	sdelay $0x2  }
0x4a: {  	v0 =	vmul.f32 v1, v0;
	v1 =	vmul.f32 v2, v3;
	_ =	sdelay $0x1  }
0x4b: {  	v0 =	vadd.f32 v1, v0;
	v1 =	vmul.f32 v4, v5;
	_ =	sdelay $0x1  }
0x4c: {  	v1 =	vadd.f32 v1, v0  }
0x4d: {  	s28 =	simm.s32 $0x10  }
0x4e: {  	s29 =	simm.s32 $0xCC1;
	v0 =	vld [tilespmem:s28+$0xC0];
	[tilespmem:s30+$0xDB0] =	vst v1  }
0x4f: {  	s30 =	simm.s32 $0xD11;
	v1 =	vld.msk [tilespmem:s29+$0x0 ss:$0x0], $0xffff  }
0x50: {  	s31 =	simm.s32 $0x80;
	v2 =	vld.msk [tilespmem:s30+$0x0 ss:$0x0], $0xffff  }
.LBB2_2:
0x51: {  	p0 =	sne.s32 s31, $0xFC0;
	v3 =	vld [tilespmem:s28+$0x4C0];
	s26 =	sadd.s32 $0x1, s26  }
0x52: {  	v4 =	vld.msk [tilespmem:s26+$0x0 ss:$0x0], $0xffff  }
0x53: {  	v5 =	vld [tilespmem:s28+$0x8C0];
	_ =	sdelay $0x2  }
0x54: {  	v0 =	vmul.f32 v1, v0;
	v1 =	vmul.f32 v2, v3;
	_ =	sdelay $0x1  }
0x55: {  	v0 =	vadd.f32 v1, v0;
	v1 =	vmul.f32 v4, v5;
	_ =	sdelay $0x1  }
.Ltmp0:
0x56: {  	v1 =	vadd.f32 v1, v0;
	(pc) =	sbr.rel @p0 .LBB2_2-.Ltmp0, $4  }
0x57: {  	s2 =	sshra.s32 s31, $0x2  }
0x58: {  	s29 =	sadd.s32 $0x1, s29;
	v0 =	vld [tilespmem:s2+$0xC0];
	[tilespmem:s28+$0xDB0] =	vst v1;
	s28 =	smov.u32 s2  }
0x59: {  	s30 =	sadd.s32 $0x1, s30;
	v1 =	vld.msk [tilespmem:s29+$0x0 ss:$0x0], $0xffff  }
0x5a: {  	s31 =	sadd.s32 $0x40, s31;
	v2 =	vld.msk [tilespmem:s30+$0x0 ss:$0x0], $0xffff  }
0x5b: {  	v3 =	vld [tilespmem:s28+$0x4C0]  }
0x5c: {  	s2 =	sadd.s32 $0x1, s26;
	v5 =	vld [tilespmem:s28+$0x8C0]  }
0x5d: {  	v4 =	vld.msk [tilespmem:s2+$0x0 ss:$0x0], $0xffff;
	_ =	sdelay $0x2  }
0x5e: {  	v0 =	vmul.f32 v1, v0;
	v62 =	vmul.f32 v2, v3;
	_ =	sdelay $0x1  }
0x5f: {  	v63 =	vmul.f32 v4, v5;
	v0 =	vadd.f32 v62, v0;
	_ =	sdelay $0x1  }
0x60: {  	v0 =	vadd.f32 v63, v0;
	_ =	sdelay $0x1  }
0x61: {  	[tilespmem:s28+$0xDB0] =	vst v0  }
0x62: {  	[hbm4b:s14+s3] =	stream.linear.scatter [tilespmem:s23], [sflag:$0x2], $0x400, $0x38;
	[tilespmem:$0x11B0] =	vst v63  }
0x63: {  	_ =	swait.ge [sflag:s24], $0x400  }
0x64: {  	[sflag:s24] =	ssyncset.done $0x0  }
0x65: {  	[sflag:s24] =	ssyncadd.s32 $0xFFFFFC00  }
0x66: {  	_ =	swait.ge [sflag:s4], $0x400  }
0x67: {  	[sflag:s4] =	ssyncset.done $0x0  }
0x68: {  	s25 =	sadd.s32 $0x1, s25;
	[sflag:s4] =	ssyncadd.s32 $0xFFFFFC00  }
0x69: {  	p0 =	sne.s32 s25, s15;
	_ =	swait.ge [sflag:s4], $0x400  }
.Ltmp1:
0x6a: {  	[sflag:s4] =	ssyncset.done $0x0;
	(pc) =	sbr.rel @p0 .LBB2_1-.Ltmp1, $4  }
0x6b: {  	[sflag:s4] =	ssyncadd.s32 $0xFFFFFC00  }
0x6c: {  	_ =	swait.ge [sflag:s4], $0x400  }
0x6d: {  	[sflag:s4] =	ssyncset.done $0x0  }
0x6e: {  	[sflag:s4] =	ssyncadd.s32 $0xFFFFFC00  }
0x6f: {  	_ =	sfence.sel $0x180000  }
0x70: {  	[bflag:$0x0] =	sbarrier.arrive $0xFFFF  }
0x71: {  	_ =	strace $0x9000004A  }
0x72: {  	[bflag:$0x2] =	sbarrier.arrive $0xFFFF  }
0x73: {  	p0 =	sne.s32 s0, $0x0;
	s0 =	rddreg [dreg:$0x3]  }
0x74: {  	s0 =	sadd.s32 @!p0 $0x100000, s0  }
0x75: {  	[sflag:s0] =	ssyncadd.tile.s32 @!p0 $0x1;
	_ =	shalt  }
.Lfunc_end2:
_tile_overlayer_lowered:
.L_overlay_start_2:
0x76: {  	(tag) =	ssettag $0x2  }
0x77: {  	s0 =	rddreg [dreg:$0x0];
	s2 =	stileid.u32  }
0x78: {  	s1 =	rddreg [dreg:$0x1];
	p0 =	sne.s32 s2, $0x0  }
0x79: {  	s3 =	rddreg [dreg:$0x2];
	[bflag:$0x3] =	sbarrier.arrive $0xFFFF;
	s2 =	simm.s32 @!p0 $0x1C02  }
0x7a: {  	[timem:s3], [sflag:s2] =	dma.local @!p0 [hbm:s0], s1  }
0x7b: {  	s0 =	simm.s32 @!p0 $0x2  }
0x7c: {  	_ =	swait.ge @!p0 [sflag:s0], s1  }
0x7d: {  	s1 =	ssub.s32 @!p0 $0x0, s1;
	[sflag:s0] =	ssyncset.done @!p0 $0x0  }
0x7e: {  	[sflag:s0] =	ssyncadd.s32 @!p0 s1  }
0x7f: {  	[bflag:$0x3] =	sbarrier.arrive $0xFFFF  }
0x80: {  	_ =	shalt  }

</sc_bundles>
